<compile_context>
chip_gen: v7x
topology: tpu7x:2x2x1
jax: 0.10.2.dev20260603
libtpu: 0.0.44.dev20260713+nightly
codegen_flags: <defaults>
</compile_context>

<pallas_src>
import jax
import jax.numpy as jnp
from jax import lax
from jax.experimental import pallas as pl
from jax.experimental.pallas import tpu as pltpu
from jax.experimental.pallas import tpu_sc as plsc

VOCAB = 100000
EMB_DIM = 300
NUM_CLASSES = 2
BATCH = 4096
SEQ = 200

DP = 16
NC, NS = 2, 16
NW = NC * NS
ROWS_PER_W = BATCH // NW
LANES = 16
BLOCKS_PER_W = ROWS_PER_W // LANES

PROJ_BLK = 4096
NBLK = (VOCAB + PROJ_BLK - 1) // PROJ_BLK
VOCAB_PAD = NBLK * PROJ_BLK
SUBR = PROJ_BLK // 64


def _proj_body(embT_ref, wt_ref, out_ref):
    res = lax.dot_general(embT_ref[...], wt_ref[...],
                          dimension_numbers=(((0,), (0,)), ((), ())),
                          preferred_element_type=jnp.float32)
    res2 = res[:, :NUM_CLASSES]
    out_ref[...] = jnp.concatenate(
        [res2[SUBR * k:SUBR * (k + 1)] for k in range(64)],
        axis=1).astype(jnp.bfloat16)


def _project(embT, wt):
    return pl.pallas_call(
        _proj_body,
        grid=(NBLK,),
        in_specs=[
            pl.BlockSpec((EMB_DIM, PROJ_BLK), lambda i: (0, i)),
            pl.BlockSpec((EMB_DIM, DP), lambda i: (0, 0)),
        ],
        out_specs=pl.BlockSpec((SUBR, 128), lambda i: (i, 0)),
        out_shape=jax.ShapeDtypeStruct((NBLK * SUBR, 128), jnp.bfloat16),
    )(embT, wt)


def _pool_body(tbl_hbm, x3_hbm, bvec_hbm, out_hbm, tbl_v, idx_v, b_v, out_v,
               sem0, sem1):
    wid = lax.axis_index("s") * NC + lax.axis_index("c")

    tbl_cp = pltpu.async_copy(tbl_hbm, tbl_v, sem0)
    idx_cp = pltpu.async_copy(
        x3_hbm.at[:, pl.ds(wid * ROWS_PER_W, ROWS_PER_W)], idx_v, sem1)
    pltpu.sync_copy(bvec_hbm, b_v)
    idx_cp.wait()
    tbl_cp.wait()

    zero = jnp.zeros((LANES,), jnp.float32)
    hi_mask = jnp.full((LANES,), -65536, jnp.int32)
    sh16 = jnp.full((LANES,), 16, jnp.int32)

    for blk in range(BLOCKS_PER_W):
        def body(j, carry):
            a0, a1 = carry
            v = idx_v[j, pl.ds(blk * LANES, LANES)]
            u = ((v & ~(PROJ_BLK - 1)) | ((v & (SUBR - 1)) << 6)
                 | ((v >> 6) & 63))
            w = plsc.load_gather(tbl_v, [u])
            f0 = plsc.bitcast(lax.shift_left(w, sh16), jnp.float32)
            f1 = plsc.bitcast(lax.bitwise_and(w, hi_mask), jnp.float32)
            return (a0 + f0, a1 + f1)

        z0, z1 = lax.fori_loop(0, SEQ, body, (zero, zero), unroll=8)
        z0 = z0 + b_v[0]
        z1 = z1 + b_v[1]
        out_v[pl.ds(blk * LANES, LANES)] = 1.0 / (1.0 + jnp.exp(-z0))
        out_v[pl.ds(ROWS_PER_W + blk * LANES, LANES)] = (
            1.0 / (1.0 + jnp.exp(-z1)))

    pltpu.sync_copy(out_v, out_hbm.at[wid])


def _pool(tbl, x3, bvec):
    mesh = plsc.VectorSubcoreMesh(core_axis_name="c", subcore_axis_name="s")
    fn = pl.kernel(
        _pool_body,
        mesh=mesh,
        compiler_params=pltpu.CompilerParams(
            use_tc_tiling_on_sc=False, needs_layout_passes=False),
        out_type=jax.ShapeDtypeStruct((NW, NUM_CLASSES * ROWS_PER_W),
                                      jnp.float32),
        scratch_types=[
            pltpu.VMEM((VOCAB_PAD,), jnp.int32),
            pltpu.VMEM((SEQ, ROWS_PER_W), jnp.int32),
            pltpu.VMEM((NUM_CLASSES, LANES), jnp.float32),
            pltpu.VMEM((NUM_CLASSES * ROWS_PER_W,), jnp.float32),
            pltpu.SemaphoreType.DMA,
            pltpu.SemaphoreType.DMA,
        ],
    )
    return fn(tbl, x3, bvec)


def kernel(x, emb, W, b):
    x = x.astype(jnp.int32)
    wt = jnp.zeros((EMB_DIM, DP), jnp.float32).at[:, :NUM_CLASSES].set(
        W.T * (1.0 / SEQ))
    packed = _project(emb.T, wt)
    tbl = lax.bitcast_convert_type(
        packed.reshape(NBLK * SUBR, 64, 2), jnp.int32).reshape(VOCAB_PAD)
    x3 = x.T
    bvec = jnp.tile(b[:, None], (1, LANES)).astype(jnp.float32)
    out = _pool(tbl, x3, bvec)
    return out.reshape(NW, NUM_CLASSES, ROWS_PER_W).transpose(
        0, 2, 1).reshape(BATCH, NUM_CLASSES)

# --- scband reference (transcript-rebuilt; emitter-appended) ---
"""Pipeline reference for scband-pooling-baseline-23914377904565 (READ-ONLY COPY).

The authoritative reference and input builder live on the scoring server;
editing this copy changes nothing except your own understanding.
"""

import jax, jax.numpy as jnp
import numpy as np

VOCAB = 100000
EMB_DIM = 300
NUM_CLASSES = 2
BATCH = 4096
SEQ = 200

def setup_inputs(seed: int = 0) -> dict:
    key = jax.random.key(seed)
    k1, k2, k3, k4 = jax.random.split(key, 4)
    x = jax.random.randint(k1, (BATCH, SEQ), 0, VOCAB, dtype=jnp.int64 if jax.config.jax_enable_x64 else jnp.int32)
    emb = jax.random.normal(k2, (VOCAB, EMB_DIM), dtype=jnp.float32)
    # padding_idx=0: row 0 is zeros (torch nn.Embedding padding_idx semantics)
    emb = emb.at[0].set(0.0)
    fan_in = EMB_DIM
    bound = 1.0 / np.sqrt(fan_in)
    W = jax.random.uniform(k3, (NUM_CLASSES, EMB_DIM), minval=-bound, maxval=bound, dtype=jnp.float32)
    b = jax.random.uniform(k4, (NUM_CLASSES,), minval=-bound, maxval=bound, dtype=jnp.float32)
    return {"x": x, "emb": emb, "W": W, "b": b}

def reference(x, emb, W, b):
    # embedding lookup (gather)
    embedded = jnp.take(emb, x, axis=0)            # [B, S, 300]
    # mean pooling over sequence dim
    pooled = jnp.mean(embedded, axis=1)            # [B, 300]
    # linear + sigmoid
    logits = pooled @ W.T + b                      # [B, num_classes]
    return jax.nn.sigmoid(logits)

if __name__ == "__main__":
    import jax
    _d = setup_inputs()
    print(jax.jit(kernel)(*tuple(_d.values())))

</pallas_src>

<mosaic_0001>
#map = affine_map<(d0, d1) -> (0)>
#map1 = affine_map<(d0, d1) -> (0, 0)>
module attributes {stable_mosaic.version = 14 : i64} {
  func.func @_pool_body(%arg0: i32, %arg1: i32, %arg2: memref<102400xi32, #tpu.memory_space<hbm>>, %arg3: memref<200x4096xi32, #tpu.memory_space<hbm>>, %arg4: memref<2x16xf32, #tpu.memory_space<hbm>>, %arg5: memref<32x256xf32, #tpu.memory_space<hbm>>, %arg6: memref<102400xi32, #tpu.memory_space<vmem>>, %arg7: memref<200x128xi32, #tpu.memory_space<vmem>>, %arg8: memref<2x16xf32, #tpu.memory_space<vmem>>, %arg9: memref<256xf32, #tpu.memory_space<vmem>>, %arg10: memref<!tpu.dma_semaphore, #tpu.memory_space<semaphore_mem>>, %arg11: memref<!tpu.dma_semaphore, #tpu.memory_space<semaphore_mem>>) attributes {dimension_semantics = [#tpu.dimension_semantics<core_parallel>, #tpu.dimension_semantics<subcore_parallel>], iteration_bounds = array<i64: 2, 16>, scalar_prefetch = 0 : i64, scratch_operands = 6 : i64, tpu.core_type = #tpu.core_type<sc_vector_subcore>, window_params = [{transform_indices = #map}, {transform_indices = #map1}, {transform_indices = #map1}, {transform_indices = #map1}]} {
    %mul3A = arith.constant 2 : i32
    %mul3A_0 = arith.muli %arg1, %mul3A : i32
    %add3A = arith.addi %mul3A_0, %arg0 : i32
    tpu.enqueue_dma source(%arg2 : memref<102400xi32, #tpu.memory_space<hbm>>) target(%arg6 : memref<102400xi32, #tpu.memory_space<vmem>>) target_semaphore(%arg10 : memref<!tpu.dma_semaphore, #tpu.memory_space<semaphore_mem>>)
    %mul3A_1 = arith.constant 128 : i32
    %mul3A_2 = arith.muli %add3A, %mul3A_1 : i32
    %dma_start3A = arith.constant 0 : i32
    %dma_start3A_3 = tpu.memref_slice %arg3[%dma_start3A, %mul3A_2] : memref<200x4096xi32, #tpu.memory_space<hbm>> -> memref<200x128xi32, #tpu.memory_space<hbm>>
    %dma_start3A_4 = arith.constant 0 : i32
    %dma_start3A_5 = tpu.memref_slice %arg3[%dma_start3A_4, %mul3A_2] : memref<200x4096xi32, #tpu.memory_space<hbm>> -> memref<200x128xi32, #tpu.memory_space<hbm>>
    tpu.enqueue_dma source(%dma_start3A_5 : memref<200x128xi32, #tpu.memory_space<hbm>>) target(%arg7 : memref<200x128xi32, #tpu.memory_space<vmem>>) target_semaphore(%arg11 : memref<!tpu.dma_semaphore, #tpu.memory_space<semaphore_mem>>)
    "tpu.region"() ({
      %run_scoped3A = tpu.sem_alloc : memref<!tpu.dma_semaphore, #tpu.memory_space<semaphore_mem>>
      tpu.enqueue_dma source(%arg4 : memref<2x16xf32, #tpu.memory_space<hbm>>) target(%arg8 : memref<2x16xf32, #tpu.memory_space<vmem>>) target_semaphore(%run_scoped3A : memref<!tpu.dma_semaphore, #tpu.memory_space<semaphore_mem>>)
      tpu.wait_dma2 semaphore(%run_scoped3A : memref<!tpu.dma_semaphore, #tpu.memory_space<semaphore_mem>>) src(%arg4 : memref<2x16xf32, #tpu.memory_space<hbm>>) dst(%arg8 : memref<2x16xf32, #tpu.memory_space<vmem>>)
      tpu.yield
    }) : () -> ()
    %dma_wait3A = arith.constant 0 : i32
    %dma_wait3A_6 = tpu.memref_slice %arg3[%dma_wait3A, %mul3A_2] : memref<200x4096xi32, #tpu.memory_space<hbm>> -> memref<200x128xi32, #tpu.memory_space<hbm>>
    %dma_wait3A_7 = arith.constant 0 : i32
    %dma_wait3A_8 = tpu.memref_slice %arg3[%dma_wait3A_7, %mul3A_2] : memref<200x4096xi32, #tpu.memory_space<hbm>> -> memref<200x128xi32, #tpu.memory_space<hbm>>
    tpu.wait_dma2 semaphore(%arg11 : memref<!tpu.dma_semaphore, #tpu.memory_space<semaphore_mem>>) src(%dma_wait3A_8 : memref<200x128xi32, #tpu.memory_space<hbm>>) dst(%arg7 : memref<200x128xi32, #tpu.memory_space<vmem>>)
    tpu.wait_dma2 semaphore(%arg10 : memref<!tpu.dma_semaphore, #tpu.memory_space<semaphore_mem>>) src(%arg2 : memref<102400xi32, #tpu.memory_space<hbm>>) dst(%arg6 : memref<102400xi32, #tpu.memory_space<vmem>>)
    %broadcast_in_dim3A = arith.constant 0.000000e+00 : f32
    %broadcast_in_dim3A_9 = vector.broadcast %broadcast_in_dim3A : f32 to vector<16xf32>
    %broadcast_in_dim3A_10 = arith.constant -65536 : i32
    %broadcast_in_dim3A_11 = vector.broadcast %broadcast_in_dim3A_10 : i32 to vector<16xi32>
    %broadcast_in_dim3A_12 = arith.constant 16 : i32
    %broadcast_in_dim3A_13 = vector.broadcast %broadcast_in_dim3A_12 : i32 to vector<16xi32>
    %scan3A = arith.constant 0 : i32
    %scan3A_14 = arith.constant 200 : i32
    %scan3A_15 = arith.addi %scan3A, %scan3A_14 : i32
    %scan3A_16 = arith.constant 8 : i32
    %scan3A_17:2 = scf.for %scan3A_328 = %scan3A to %scan3A_15 step %scan3A_16 iter_args(%scan3A_329 = %broadcast_in_dim3A_9, %scan3A_330 = %broadcast_in_dim3A_9) -> (vector<16xf32>, vector<16xf32>)  : i32 {
      %get3A_331 = arith.index_cast %scan3A_328 : i32 to index
      %get3A_332 = arith.constant 0 : index
      %get3A_333 = tpu.vector_load %arg7[%get3A_331, %get3A_332] {strides = array<i32>} : memref<200x128xi32, #tpu.memory_space<vmem>>, vector<16xi32>,
      %and3A = arith.constant -4096 : i32
      %and3A_334 = vector.broadcast %and3A : i32 to vector<16xi32>
      %and3A_335 = arith.andi %get3A_333, %and3A_334 : vector<16xi32>
      %and3A_336 = arith.constant 63 : i32
      %and3A_337 = vector.broadcast %and3A_336 : i32 to vector<16xi32>
      %and3A_338 = arith.andi %get3A_333, %and3A_337 : vector<16xi32>
      %shift_left3A = arith.constant 6 : i32
      %shift_left3A_339 = vector.broadcast %shift_left3A : i32 to vector<16xi32>
      %shift_left3A_340 = arith.shli %and3A_338, %shift_left3A_339 : vector<16xi32>
      %or3A = arith.ori %and3A_335, %shift_left3A_340 : vector<16xi32>
      %shift_right_arithmetic3A = arith.constant 6 : i32
      %shift_right_arithmetic3A_341 = vector.broadcast %shift_right_arithmetic3A : i32 to vector<16xi32>
      %shift_right_arithmetic3A_342 = arith.shrsi %get3A_333, %shift_right_arithmetic3A_341 : vector<16xi32>
      %and3A_343 = arith.constant 63 : i32
      %and3A_344 = vector.broadcast %and3A_343 : i32 to vector<16xi32>
      %and3A_345 = arith.andi %shift_right_arithmetic3A_342, %and3A_344 : vector<16xi32>
      %or3A_346 = arith.ori %or3A, %and3A_345 : vector<16xi32>
      %gather3A = tpu.vector_load_idx %arg6[%or3A_346] : memref<102400xi32, #tpu.memory_space<vmem>>[vector<16xi32>], vector<16xi32>,
      %shift_left3A_347 = arith.shli %gather3A, %broadcast_in_dim3A_13 : vector<16xi32>
      %bitcast3A = vector.bitcast %shift_left3A_347 : vector<16xi32> to vector<16xf32>
      %and3A_348 = arith.andi %gather3A, %broadcast_in_dim3A_11 : vector<16xi32>
      %bitcast3A_349 = vector.bitcast %and3A_348 : vector<16xi32> to vector<16xf32>
      %add3A_350 = arith.addf %scan3A_329, %bitcast3A : vector<16xf32>
      %add3A_351 = arith.addf %scan3A_330, %bitcast3A_349 : vector<16xf32>
      %scan3A_352 = arith.constant 1 : i32
      %scan3A_353 = arith.addi %scan3A_328, %scan3A_352 : i32
      %get3A_354 = arith.index_cast %scan3A_353 : i32 to index
      %get3A_355 = arith.constant 0 : index
      %get3A_356 = tpu.vector_load %arg7[%get3A_354, %get3A_355] {strides = array<i32>} : memref<200x128xi32, #tpu.memory_space<vmem>>, vector<16xi32>,
      %and3A_357 = arith.constant -4096 : i32
      %and3A_358 = vector.broadcast %and3A_357 : i32 to vector<16xi32>
      %and3A_359 = arith.andi %get3A_356, %and3A_358 : vector<16xi32>
      %and3A_360 = arith.constant 63 : i32
      %and3A_361 = vector.broadcast %and3A_360 : i32 to vector<16xi32>
      %and3A_362 = arith.andi %get3A_356, %and3A_361 : vector<16xi32>
      %shift_left3A_363 = arith.constant 6 : i32
      %shift_left3A_364 = vector.broadcast %shift_left3A_363 : i32 to vector<16xi32>
      %shift_left3A_365 = arith.shli %and3A_362, %shift_left3A_364 : vector<16xi32>
      %or3A_366 = arith.ori %and3A_359, %shift_left3A_365 : vector<16xi32>
      %shift_right_arithmetic3A_367 = arith.constant 6 : i32
      %shift_right_arithmetic3A_368 = vector.broadcast %shift_right_arithmetic3A_367 : i32 to vector<16xi32>
      %shift_right_arithmetic3A_369 = arith.shrsi %get3A_356, %shift_right_arithmetic3A_368 : vector<16xi32>
      %and3A_370 = arith.constant 63 : i32
      %and3A_371 = vector.broadcast %and3A_370 : i32 to vector<16xi32>
      %and3A_372 = arith.andi %shift_right_arithmetic3A_369, %and3A_371 : vector<16xi32>
      %or3A_373 = arith.ori %or3A_366, %and3A_372 : vector<16xi32>
      %gather3A_374 = tpu.vector_load_idx %arg6[%or3A_373] : memref<102400xi32, #tpu.memory_space<vmem>>[vector<16xi32>], vector<16xi32>,
      %shift_left3A_375 = arith.shli %gather3A_374, %broadcast_in_dim3A_13 : vector<16xi32>
      %bitcast3A_376 = vector.bitcast %shift_left3A_375 : vector<16xi32> to vector<16xf32>
      %and3A_377 = arith.andi %gather3A_374, %broadcast_in_dim3A_11 : vector<16xi32>
      %bitcast3A_378 = vector.bitcast %and3A_377 : vector<16xi32> to vector<16xf32>
      %add3A_379 = arith.addf %add3A_350, %bitcast3A_376 : vector<16xf32>
      %add3A_380 = arith.addf %add3A_351, %bitcast3A_378 : vector<16xf32>
      %scan3A_381 = arith.constant 2 : i32
      %scan3A_382 = arith.addi %scan3A_328, %scan3A_381 : i32
      %get3A_383 = arith.index_cast %scan3A_382 : i32 to index
      %get3A_384 = arith.constant 0 : index
      %get3A_385 = tpu.vector_load %arg7[%get3A_383, %get3A_384] {strides = array<i32>} : memref<200x128xi32, #tpu.memory_space<vmem>>, vector<16xi32>,
      %and3A_386 = arith.constant -4096 : i32
      %and3A_387 = vector.broadcast %and3A_386 : i32 to vector<16xi32>
      %and3A_388 = arith.andi %get3A_385, %and3A_387 : vector<16xi32>
      %and3A_389 = arith.constant 63 : i32
      %and3A_390 = vector.broadcast %and3A_389 : i32 to vector<16xi32>
      %and3A_391 = arith.andi %get3A_385, %and3A_390 : vector<16xi32>
      %shift_left3A_392 = arith.constant 6 : i32
      %shift_left3A_393 = vector.broadcast %shift_left3A_392 : i32 to vector<16xi32>
      %shift_left3A_394 = arith.shli %and3A_391, %shift_left3A_393 : vector<16xi32>
      %or3A_395 = arith.ori %and3A_388, %shift_left3A_394 : vector<16xi32>
      %shift_right_arithmetic3A_396 = arith.constant 6 : i32
      %shift_right_arithmetic3A_397 = vector.broadcast %shift_right_arithmetic3A_396 : i32 to vector<16xi32>
      %shift_right_arithmetic3A_398 = arith.shrsi %get3A_385, %shift_right_arithmetic3A_397 : vector<16xi32>
      %and3A_399 = arith.constant 63 : i32
      %and3A_400 = vector.broadcast %and3A_399 : i32 to vector<16xi32>
      %and3A_401 = arith.andi %shift_right_arithmetic3A_398, %and3A_400 : vector<16xi32>
      %or3A_402 = arith.ori %or3A_395, %and3A_401 : vector<16xi32>
      %gather3A_403 = tpu.vector_load_idx %arg6[%or3A_402] : memref<102400xi32, #tpu.memory_space<vmem>>[vector<16xi32>], vector<16xi32>,
      %shift_left3A_404 = arith.shli %gather3A_403, %broadcast_in_dim3A_13 : vector<16xi32>
      %bitcast3A_405 = vector.bitcast %shift_left3A_404 : vector<16xi32> to vector<16xf32>
      %and3A_406 = arith.andi %gather3A_403, %broadcast_in_dim3A_11 : vector<16xi32>
      %bitcast3A_407 = vector.bitcast %and3A_406 : vector<16xi32> to vector<16xf32>
      %add3A_408 = arith.addf %add3A_379, %bitcast3A_405 : vector<16xf32>
      %add3A_409 = arith.addf %add3A_380, %bitcast3A_407 : vector<16xf32>
      %scan3A_410 = arith.constant 3 : i32
      %scan3A_411 = arith.addi %scan3A_328, %scan3A_410 : i32
      %get3A_412 = arith.index_cast %scan3A_411 : i32 to index
      %get3A_413 = arith.constant 0 : index
      %get3A_414 = tpu.vector_load %arg7[%get3A_412, %get3A_413] {strides = array<i32>} : memref<200x128xi32, #tpu.memory_space<vmem>>, vector<16xi32>,
      %and3A_415 = arith.constant -4096 : i32
      %and3A_416 = vector.broadcast %and3A_415 : i32 to vector<16xi32>
      %and3A_417 = arith.andi %get3A_414, %and3A_416 : vector<16xi32>
      %and3A_418 = arith.constant 63 : i32
      %and3A_419 = vector.broadcast %and3A_418 : i32 to vector<16xi32>
      %and3A_420 = arith.andi %get3A_414, %and3A_419 : vector<16xi32>
      %shift_left3A_421 = arith.constant 6 : i32
      %shift_left3A_422 = vector.broadcast %shift_left3A_421 : i32 to vector<16xi32>
      %shift_left3A_423 = arith.shli %and3A_420, %shift_left3A_422 : vector<16xi32>
      %or3A_424 = arith.ori %and3A_417, %shift_left3A_423 : vector<16xi32>
      %shift_right_arithmetic3A_425 = arith.constant 6 : i32
      %shift_right_arithmetic3A_426 = vector.broadcast %shift_right_arithmetic3A_425 : i32 to vector<16xi32>
      %shift_right_arithmetic3A_427 = arith.shrsi %get3A_414, %shift_right_arithmetic3A_426 : vector<16xi32>
      %and3A_428 = arith.constant 63 : i32
      %and3A_429 = vector.broadcast %and3A_428 : i32 to vector<16xi32>
      %and3A_430 = arith.andi %shift_right_arithmetic3A_427, %and3A_429 : vector<16xi32>
      %or3A_431 = arith.ori %or3A_424, %and3A_430 : vector<16xi32>
      %gather3A_432 = tpu.vector_load_idx %arg6[%or3A_431] : memref<102400xi32, #tpu.memory_space<vmem>>[vector<16xi32>], vector<16xi32>,
      %shift_left3A_433 = arith.shli %gather3A_432, %broadcast_in_dim3A_13 : vector<16xi32>
      %bitcast3A_434 = vector.bitcast %shift_left3A_433 : vector<16xi32> to vector<16xf32>
      %and3A_435 = arith.andi %gather3A_432, %broadcast_in_dim3A_11 : vector<16xi32>
      %bitcast3A_436 = vector.bitcast %and3A_435 : vector<16xi32> to vector<16xf32>
      %add3A_437 = arith.addf %add3A_408, %bitcast3A_434 : vector<16xf32>
      %add3A_438 = arith.addf %add3A_409, %bitcast3A_436 : vector<16xf32>
      %scan3A_439 = arith.constant 4 : i32
      %scan3A_440 = arith.addi %scan3A_328, %scan3A_439 : i32
      %get3A_441 = arith.index_cast %scan3A_440 : i32 to index
      %get3A_442 = arith.constant 0 : index
      %get3A_443 = tpu.vector_load %arg7[%get3A_441, %get3A_442] {strides = array<i32>} : memref<200x128xi32, #tpu.memory_space<vmem>>, vector<16xi32>,
      %and3A_444 = arith.constant -4096 : i32
      %and3A_445 = vector.broadcast %and3A_444 : i32 to vector<16xi32>
      %and3A_446 = arith.andi %get3A_443, %and3A_445 : vector<16xi32>
      %and3A_447 = arith.constant 63 : i32
      %and3A_448 = vector.broadcast %and3A_447 : i32 to vector<16xi32>
      %and3A_449 = arith.andi %get3A_443, %and3A_448 : vector<16xi32>
      %shift_left3A_450 = arith.constant 6 : i32
      %shift_left3A_451 = vector.broadcast %shift_left3A_450 : i32 to vector<16xi32>
      %shift_left3A_452 = arith.shli %and3A_449, %shift_left3A_451 : vector<16xi32>
      %or3A_453 = arith.ori %and3A_446, %shift_left3A_452 : vector<16xi32>
      %shift_right_arithmetic3A_454 = arith.constant 6 : i32
      %shift_right_arithmetic3A_455 = vector.broadcast %shift_right_arithmetic3A_454 : i32 to vector<16xi32>
      %shift_right_arithmetic3A_456 = arith.shrsi %get3A_443, %shift_right_arithmetic3A_455 : vector<16xi32>
      %and3A_457 = arith.constant 63 : i32
      %and3A_458 = vector.broadcast %and3A_457 : i32 to vector<16xi32>
      %and3A_459 = arith.andi %shift_right_arithmetic3A_456, %and3A_458 : vector<16xi32>
      %or3A_460 = arith.ori %or3A_453, %and3A_459 : vector<16xi32>
      %gather3A_461 = tpu.vector_load_idx %arg6[%or3A_460] : memref<102400xi32, #tpu.memory_space<vmem>>[vector<16xi32>], vector<16xi32>,
      %shift_left3A_462 = arith.shli %gather3A_461, %broadcast_in_dim3A_13 : vector<16xi32>
      %bitcast3A_463 = vector.bitcast %shift_left3A_462 : vector<16xi32> to vector<16xf32>
      %and3A_464 = arith.andi %gather3A_461, %broadcast_in_dim3A_11 : vector<16xi32>
      %bitcast3A_465 = vector.bitcast %and3A_464 : vector<16xi32> to vector<16xf32>
      %add3A_466 = arith.addf %add3A_437, %bitcast3A_463 : vector<16xf32>
      %add3A_467 = arith.addf %add3A_438, %bitcast3A_465 : vector<16xf32>
      %scan3A_468 = arith.constant 5 : i32
      %scan3A_469 = arith.addi %scan3A_328, %scan3A_468 : i32
      %get3A_470 = arith.index_cast %scan3A_469 : i32 to index
      %get3A_471 = arith.constant 0 : index
      %get3A_472 = tpu.vector_load %arg7[%get3A_470, %get3A_471] {strides = array<i32>} : memref<200x128xi32, #tpu.memory_space<vmem>>, vector<16xi32>,
      %and3A_473 = arith.constant -4096 : i32
      %and3A_474 = vector.broadcast %and3A_473 : i32 to vector<16xi32>
      %and3A_475 = arith.andi %get3A_472, %and3A_474 : vector<16xi32>
      %and3A_476 = arith.constant 63 : i32
      %and3A_477 = vector.broadcast %and3A_476 : i32 to vector<16xi32>
      %and3A_478 = arith.andi %get3A_472, %and3A_477 : vector<16xi32>
      %shift_left3A_479 = arith.constant 6 : i32
      %shift_left3A_480 = vector.broadcast %shift_left3A_479 : i32 to vector<16xi32>
      %shift_left3A_481 = arith.shli %and3A_478, %shift_left3A_480 : vector<16xi32>
      %or3A_482 = arith.ori %and3A_475, %shift_left3A_481 : vector<16xi32>
      %shift_right_arithmetic3A_483 = arith.constant 6 : i32
      %shift_right_arithmetic3A_484 = vector.broadcast %shift_right_arithmetic3A_483 : i32 to vector<16xi32>
      %shift_right_arithmetic3A_485 = arith.shrsi %get3A_472, %shift_right_arithmetic3A_484 : vector<16xi32>
      %and3A_486 = arith.constant 63 : i32
      %and3A_487 = vector.broadcast %and3A_486 : i32 to vector<16xi32>
      %and3A_488 = arith.andi %shift_right_arithmetic3A_485, %and3A_487 : vector<16xi32>
      %or3A_489 = arith.ori %or3A_482, %and3A_488 : vector<16xi32>
      %gather3A_490 = tpu.vector_load_idx %arg6[%or3A_489] : memref<102400xi32, #tpu.memory_space<vmem>>[vector<16xi32>], vector<16xi32>,
      %shift_left3A_491 = arith.shli %gather3A_490, %broadcast_in_dim3A_13 : vector<16xi32>
      %bitcast3A_492 = vector.bitcast %shift_left3A_491 : vector<16xi32> to vector<16xf32>
      %and3A_493 = arith.andi %gather3A_490, %broadcast_in_dim3A_11 : vector<16xi32>
      %bitcast3A_494 = vector.bitcast %and3A_493 : vector<16xi32> to vector<16xf32>
      %add3A_495 = arith.addf %add3A_466, %bitcast3A_492 : vector<16xf32>
      %add3A_496 = arith.addf %add3A_467, %bitcast3A_494 : vector<16xf32>
      %scan3A_497 = arith.constant 6 : i32
      %scan3A_498 = arith.addi %scan3A_328, %scan3A_497 : i32
      %get3A_499 = arith.index_cast %scan3A_498 : i32 to index
      %get3A_500 = arith.constant 0 : index
      %get3A_501 = tpu.vector_load %arg7[%get3A_499, %get3A_500] {strides = array<i32>} : memref<200x128xi32, #tpu.memory_space<vmem>>, vector<16xi32>,
      %and3A_502 = arith.constant -4096 : i32
      %and3A_503 = vector.broadcast %and3A_502 : i32 to vector<16xi32>
      %and3A_504 = arith.andi %get3A_501, %and3A_503 : vector<16xi32>
      %and3A_505 = arith.constant 63 : i32
      %and3A_506 = vector.broadcast %and3A_505 : i32 to vector<16xi32>
      %and3A_507 = arith.andi %get3A_501, %and3A_506 : vector<16xi32>
      %shift_left3A_508 = arith.constant 6 : i32
      %shift_left3A_509 = vector.broadcast %shift_left3A_508 : i32 to vector<16xi32>
      %shift_left3A_510 = arith.shli %and3A_507, %shift_left3A_509 : vector<16xi32>
      %or3A_511 = arith.ori %and3A_504, %shift_left3A_510 : vector<16xi32>
      %shift_right_arithmetic3A_512 = arith.constant 6 : i32
      %shift_right_arithmetic3A_513 = vector.broadcast %shift_right_arithmetic3A_512 : i32 to vector<16xi32>
      %shift_right_arithmetic3A_514 = arith.shrsi %get3A_501, %shift_right_arithmetic3A_513 : vector<16xi32>
      %and3A_515 = arith.constant 63 : i32
      %and3A_516 = vector.broadcast %and3A_515 : i32 to vector<16xi32>
      %and3A_517 = arith.andi %shift_right_arithmetic3A_514, %and3A_516 : vector<16xi32>
      %or3A_518 = arith.ori %or3A_511, %and3A_517 : vector<16xi32>
      %gather3A_519 = tpu.vector_load_idx %arg6[%or3A_518] : memref<102400xi32, #tpu.memory_space<vmem>>[vector<16xi32>], vector<16xi32>,
      %shift_left3A_520 = arith.shli %gather3A_519, %broadcast_in_dim3A_13 : vector<16xi32>
      %bitcast3A_521 = vector.bitcast %shift_left3A_520 : vector<16xi32> to vector<16xf32>
      %and3A_522 = arith.andi %gather3A_519, %broadcast_in_dim3A_11 : vector<16xi32>
      %bitcast3A_523 = vector.bitcast %and3A_522 : vector<16xi32> to vector<16xf32>
      %add3A_524 = arith.addf %add3A_495, %bitcast3A_521 : vector<16xf32>
      %add3A_525 = arith.addf %add3A_496, %bitcast3A_523 : vector<16xf32>
      %scan3A_526 = arith.constant 7 : i32
      %scan3A_527 = arith.addi %scan3A_328, %scan3A_526 : i32
      %get3A_528 = arith.index_cast %scan3A_527 : i32 to index
      %get3A_529 = arith.constant 0 : index
      %get3A_530 = tpu.vector_load %arg7[%get3A_528, %get3A_529] {strides = array<i32>} : memref<200x128xi32, #tpu.memory_space<vmem>>, vector<16xi32>,
      %and3A_531 = arith.constant -4096 : i32
      %and3A_532 = vector.broadcast %and3A_531 : i32 to vector<16xi32>
      %and3A_533 = arith.andi %get3A_530, %and3A_532 : vector<16xi32>
      %and3A_534 = arith.constant 63 : i32
      %and3A_535 = vector.broadcast %and3A_534 : i32 to vector<16xi32>
      %and3A_536 = arith.andi %get3A_530, %and3A_535 : vector<16xi32>
      %shift_left3A_537 = arith.constant 6 : i32
      %shift_left3A_538 = vector.broadcast %shift_left3A_537 : i32 to vector<16xi32>
      %shift_left3A_539 = arith.shli %and3A_536, %shift_left3A_538 : vector<16xi32>
      %or3A_540 = arith.ori %and3A_533, %shift_left3A_539 : vector<16xi32>
      %shift_right_arithmetic3A_541 = arith.constant 6 : i32
      %shift_right_arithmetic3A_542 = vector.broadcast %shift_right_arithmetic3A_541 : i32 to vector<16xi32>
      %shift_right_arithmetic3A_543 = arith.shrsi %get3A_530, %shift_right_arithmetic3A_542 : vector<16xi32>
      %and3A_544 = arith.constant 63 : i32
      %and3A_545 = vector.broadcast %and3A_544 : i32 to vector<16xi32>
      %and3A_546 = arith.andi %shift_right_arithmetic3A_543, %and3A_545 : vector<16xi32>
      %or3A_547 = arith.ori %or3A_540, %and3A_546 : vector<16xi32>
      %gather3A_548 = tpu.vector_load_idx %arg6[%or3A_547] : memref<102400xi32, #tpu.memory_space<vmem>>[vector<16xi32>], vector<16xi32>,
      %shift_left3A_549 = arith.shli %gather3A_548, %broadcast_in_dim3A_13 : vector<16xi32>
      %bitcast3A_550 = vector.bitcast %shift_left3A_549 : vector<16xi32> to vector<16xf32>
      %and3A_551 = arith.andi %gather3A_548, %broadcast_in_dim3A_11 : vector<16xi32>
      %bitcast3A_552 = vector.bitcast %and3A_551 : vector<16xi32> to vector<16xf32>
      %add3A_553 = arith.addf %add3A_524, %bitcast3A_550 : vector<16xf32>
      %add3A_554 = arith.addf %add3A_525, %bitcast3A_552 : vector<16xf32>
      scf.yield %add3A_553, %add3A_554 : vector<16xf32>, vector<16xf32>
    }
    %scan3A_18 = arith.constant 200 : i32
    %get3A = arith.constant 0 : i32
    %get3A_19 = arith.index_cast %get3A : i32 to index
    %get3A_20 = arith.constant 0 : index
    %get3A_21 = tpu.vector_load %arg8[%get3A_19, %get3A_20] {strides = array<i32>} : memref<2x16xf32, #tpu.memory_space<vmem>>, vector<16xf32>,
    %add3A_22 = arith.addf %scan3A_17#0, %get3A_21 : vector<16xf32>
    %get3A_23 = arith.constant 1 : i32
    %get3A_24 = arith.index_cast %get3A_23 : i32 to index
    %get3A_25 = arith.constant 0 : index
    %get3A_26 = tpu.vector_load %arg8[%get3A_24, %get3A_25] {strides = array<i32>} : memref<2x16xf32, #tpu.memory_space<vmem>>, vector<16xf32>,
    %add3A_27 = arith.addf %scan3A_17#1, %get3A_26 : vector<16xf32>
    %neg3A = arith.constant 0.000000e+00 : f32
    %neg3A_28 = vector.broadcast %neg3A : f32 to vector<16xf32>
    %neg3A_29 = arith.subf %neg3A_28, %add3A_22 : vector<16xf32>
    %exp3A = math.exp %neg3A_29 : vector<16xf32>
    %add3A_30 = arith.constant 1.000000e+00 : f32
    %add3A_31 = vector.broadcast %add3A_30 : f32 to vector<16xf32>
    %add3A_32 = arith.addf %add3A_31, %exp3A : vector<16xf32>
    %div3A = arith.constant 1.000000e+00 : f32
    %div3A_33 = vector.broadcast %div3A : f32 to vector<16xf32>
    %div3A_34 = arith.divf %div3A_33, %add3A_32 : vector<16xf32>
    %swap3A = arith.constant 0 : index
    %swap3A_35 = tpu.vector_load %arg9[%swap3A] {strides = array<i32>} : memref<256xf32, #tpu.memory_space<vmem>>, vector<16xf32>,
    tpu.vector_store %arg9[%swap3A], %div3A_34 {strides = array<i32>} : memref<256xf32, #tpu.memory_space<vmem>>, vector<16xf32>,
    %neg3A_36 = arith.constant 0.000000e+00 : f32
    %neg3A_37 = vector.broadcast %neg3A_36 : f32 to vector<16xf32>
    %neg3A_38 = arith.subf %neg3A_37, %add3A_27 : vector<16xf32>
    %exp3A_39 = math.exp %neg3A_38 : vector<16xf32>
    %add3A_40 = arith.constant 1.000000e+00 : f32
    %add3A_41 = vector.broadcast %add3A_40 : f32 to vector<16xf32>
    %add3A_42 = arith.addf %add3A_41, %exp3A_39 : vector<16xf32>
    %div3A_43 = arith.constant 1.000000e+00 : f32
    %div3A_44 = vector.broadcast %div3A_43 : f32 to vector<16xf32>
    %div3A_45 = arith.divf %div3A_44, %add3A_42 : vector<16xf32>
    %swap3A_46 = arith.constant 128 : index
    %swap3A_47 = tpu.vector_load %arg9[%swap3A_46] {strides = array<i32>} : memref<256xf32, #tpu.memory_space<vmem>>, vector<16xf32>,
    tpu.vector_store %arg9[%swap3A_46], %div3A_45 {strides = array<i32>} : memref<256xf32, #tpu.memory_space<vmem>>, vector<16xf32>,
    %scan3A_48 = arith.constant 0 : i32
    %scan3A_49 = arith.constant 200 : i32
    %scan3A_50 = arith.addi %scan3A_48, %scan3A_49 : i32
    %scan3A_51 = arith.constant 8 : i32
    %scan3A_52:2 = scf.for %scan3A_328 = %scan3A_48 to %scan3A_50 step %scan3A_51 iter_args(%scan3A_329 = %broadcast_in_dim3A_9, %scan3A_330 = %broadcast_in_dim3A_9) -> (vector<16xf32>, vector<16xf32>)  : i32 {
      %get3A_331 = arith.index_cast %scan3A_328 : i32 to index
      %get3A_332 = arith.constant 16 : index
      %get3A_333 = tpu.vector_load %arg7[%get3A_331, %get3A_332] {strides = array<i32>} : memref<200x128xi32, #tpu.memory_space<vmem>>, vector<16xi32>,
      %and3A = arith.constant -4096 : i32
      %and3A_334 = vector.broadcast %and3A : i32 to vector<16xi32>
      %and3A_335 = arith.andi %get3A_333, %and3A_334 : vector<16xi32>
      %and3A_336 = arith.constant 63 : i32
      %and3A_337 = vector.broadcast %and3A_336 : i32 to vector<16xi32>
      %and3A_338 = arith.andi %get3A_333, %and3A_337 : vector<16xi32>
      %shift_left3A = arith.constant 6 : i32
      %shift_left3A_339 = vector.broadcast %shift_left3A : i32 to vector<16xi32>
      %shift_left3A_340 = arith.shli %and3A_338, %shift_left3A_339 : vector<16xi32>
      %or3A = arith.ori %and3A_335, %shift_left3A_340 : vector<16xi32>
      %shift_right_arithmetic3A = arith.constant 6 : i32
      %shift_right_arithmetic3A_341 = vector.broadcast %shift_right_arithmetic3A : i32 to vector<16xi32>
      %shift_right_arithmetic3A_342 = arith.shrsi %get3A_333, %shift_right_arithmetic3A_341 : vector<16xi32>
      %and3A_343 = arith.constant 63 : i32
      %and3A_344 = vector.broadcast %and3A_343 : i32 to vector<16xi32>
      %and3A_345 = arith.andi %shift_right_arithmetic3A_342, %and3A_344 : vector<16xi32>
      %or3A_346 = arith.ori %or3A, %and3A_345 : vector<16xi32>
      %gather3A = tpu.vector_load_idx %arg6[%or3A_346] : memref<102400xi32, #tpu.memory_space<vmem>>[vector<16xi32>], vector<16xi32>,
      %shift_left3A_347 = arith.shli %gather3A, %broadcast_in_dim3A_13 : vector<16xi32>
      %bitcast3A = vector.bitcast %shift_left3A_347 : vector<16xi32> to vector<16xf32>
      %and3A_348 = arith.andi %gather3A, %broadcast_in_dim3A_11 : vector<16xi32>
      %bitcast3A_349 = vector.bitcast %and3A_348 : vector<16xi32> to vector<16xf32>
      %add3A_350 = arith.addf %scan3A_329, %bitcast3A : vector<16xf32>
      %add3A_351 = arith.addf %scan3A_330, %bitcast3A_349 : vector<16xf32>
      %scan3A_352 = arith.constant 1 : i32
      %scan3A_353 = arith.addi %scan3A_328, %scan3A_352 : i32
      %get3A_354 = arith.index_cast %scan3A_353 : i32 to index
      %get3A_355 = arith.constant 16 : index
      %get3A_356 = tpu.vector_load %arg7[%get3A_354, %get3A_355] {strides = array<i32>} : memref<200x128xi32, #tpu.memory_space<vmem>>, vector<16xi32>,
      %and3A_357 = arith.constant -4096 : i32
      %and3A_358 = vector.broadcast %and3A_357 : i32 to vector<16xi32>
      %and3A_359 = arith.andi %get3A_356, %and3A_358 : vector<16xi32>
      %and3A_360 = arith.constant 63 : i32
      %and3A_361 = vector.broadcast %and3A_360 : i32 to vector<16xi32>
      %and3A_362 = arith.andi %get3A_356, %and3A_361 : vector<16xi32>
      %shift_left3A_363 = arith.constant 6 : i32
      %shift_left3A_364 = vector.broadcast %shift_left3A_363 : i32 to vector<16xi32>
      %shift_left3A_365 = arith.shli %and3A_362, %shift_left3A_364 : vector<16xi32>
      %or3A_366 = arith.ori %and3A_359, %shift_left3A_365 : vector<16xi32>
      %shift_right_arithmetic3A_367 = arith.constant 6 : i32
      %shift_right_arithmetic3A_368 = vector.broadcast %shift_right_arithmetic3A_367 : i32 to vector<16xi32>
      %shift_right_arithmetic3A_369 = arith.shrsi %get3A_356, %shift_right_arithmetic3A_368 : vector<16xi32>
      %and3A_370 = arith.constant 63 : i32
      %and3A_371 = vector.broadcast %and3A_370 : i32 to vector<16xi32>
      %and3A_372 = arith.andi %shift_right_arithmetic3A_369, %and3A_371 : vector<16xi32>
      %or3A_373 = arith.ori %or3A_366, %and3A_372 : vector<16xi32>
      %gather3A_374 = tpu.vector_load_idx %arg6[%or3A_373] : memref<102400xi32, #tpu.memory_space<vmem>>[vector<16xi32>], vector<16xi32>,
      %shift_left3A_375 = arith.shli %gather3A_374, %broadcast_in_dim3A_13 : vector<16xi32>
      %bitcast3A_376 = vector.bitcast %shift_left3A_375 : vector<16xi32> to vector<16xf32>
      %and3A_377 = arith.andi %gather3A_374, %broadcast_in_dim3A_11 : vector<16xi32>
      %bitcast3A_378 = vector.bitcast %and3A_377 : vector<16xi32> to vector<16xf32>
      %add3A_379 = arith.addf %add3A_350, %bitcast3A_376 : vector<16xf32>
      %add3A_380 = arith.addf %add3A_351, %bitcast3A_378 : vector<16xf32>
      %scan3A_381 = arith.constant 2 : i32
      %scan3A_382 = arith.addi %scan3A_328, %scan3A_381 : i32
      %get3A_383 = arith.index_cast %scan3A_382 : i32 to index
      %get3A_384 = arith.constant 16 : index
      %get3A_385 = tpu.vector_load %arg7[%get3A_383, %get3A_384] {strides = array<i32>} : memref<200x128xi32, #tpu.memory_space<vmem>>, vector<16xi32>,
      %and3A_386 = arith.constant -4096 : i32
      %and3A_387 = vector.broadcast %and3A_386 : i32 to vector<16xi32>
      %and3A_388 = arith.andi %get3A_385, %and3A_387 : vector<16xi32>
      %and3A_389 = arith.constant 63 : i32
      %and3A_390 = vector.broadcast %and3A_389 : i32 to vector<16xi32>
      %and3A_391 = arith.andi %get3A_385, %and3A_390 : vector<16xi32>
      %shift_left3A_392 = arith.constant 6 : i32
      %shift_left3A_393 = vector.broadcast %shift_left3A_392 : i32 to vector<16xi32>
      %shift_left3A_394 = arith.shli %and3A_391, %shift_left3A_393 : vector<16xi32>
      %or3A_395 = arith.ori %and3A_388, %shift_left3A_394 : vector<16xi32>
      %shift_right_arithmetic3A_396 = arith.constant 6 : i32
      %shift_right_arithmetic3A_397 = vector.broadcast %shift_right_arithmetic3A_396 : i32 to vector<16xi32>
      %shift_right_arithmetic3A_398 = arith.shrsi %get3A_385, %shift_right_arithmetic3A_397 : vector<16xi32>
      %and3A_399 = arith.constant 63 : i32
      %and3A_400 = vector.broadcast %and3A_399 : i32 to vector<16xi32>
      %and3A_401 = arith.andi %shift_right_arithmetic3A_398, %and3A_400 : vector<16xi32>
      %or3A_402 = arith.ori %or3A_395, %and3A_401 : vector<16xi32>
      %gather3A_403 = tpu.vector_load_idx %arg6[%or3A_402] : memref<102400xi32, #tpu.memory_space<vmem>>[vector<16xi32>], vector<16xi32>,
      %shift_left3A_404 = arith.shli %gather3A_403, %broadcast_in_dim3A_13 : vector<16xi32>
      %bitcast3A_405 = vector.bitcast %shift_left3A_404 : vector<16xi32> to vector<16xf32>
      %and3A_406 = arith.andi %gather3A_403, %broadcast_in_dim3A_11 : vector<16xi32>
      %bitcast3A_407 = vector.bitcast %and3A_406 : vector<16xi32> to vector<16xf32>
      %add3A_408 = arith.addf %add3A_379, %bitcast3A_405 : vector<16xf32>
      %add3A_409 = arith.addf %add3A_380, %bitcast3A_407 : vector<16xf32>
      %scan3A_410 = arith.constant 3 : i32
      %scan3A_411 = arith.addi %scan3A_328, %scan3A_410 : i32
      %get3A_412 = arith.index_cast %scan3A_411 : i32 to index
      %get3A_413 = arith.constant 16 : index
      %get3A_414 = tpu.vector_load %arg7[%get3A_412, %get3A_413] {strides = array<i32>} : memref<200x128xi32, #tpu.memory_space<vmem>>, vector<16xi32>,
      %and3A_415 = arith.constant -4096 : i32
      %and3A_416 = vector.broadcast %and3A_415 : i32 to vector<16xi32>
      %and3A_417 = arith.andi %get3A_414, %and3A_416 : vector<16xi32>
      %and3A_418 = arith.constant 63 : i32
      %and3A_419 = vector.broadcast %and3A_418 : i32 to vector<16xi32>
      %and3A_420 = arith.andi %get3A_414, %and3A_419 : vector<16xi32>
      %shift_left3A_421 = arith.constant 6 : i32
      %shift_left3A_422 = vector.broadcast %shift_left3A_421 : i32 to vector<16xi32>
      %shift_left3A_423 = arith.shli %and3A_420, %shift_left3A_422 : vector<16xi32>
      %or3A_424 = arith.ori %and3A_417, %shift_left3A_423 : vector<16xi32>
      %shift_right_arithmetic3A_425 = arith.constant 6 : i32
      %shift_right_arithmetic3A_426 = vector.broadcast %shift_right_arithmetic3A_425 : i32 to vector<16xi32>
      %shift_right_arithmetic3A_427 = arith.shrsi %get3A_414, %shift_right_arithmetic3A_426 : vector<16xi32>
      %and3A_428 = arith.constant 63 : i32
      %and3A_429 = vector.broadcast %and3A_428 : i32 to vector<16xi32>
      %and3A_430 = arith.andi %shift_right_arithmetic3A_427, %and3A_429 : vector<16xi32>
      %or3A_431 = arith.ori %or3A_424, %and3A_430 : vector<16xi32>
      %gather3A_432 = tpu.vector_load_idx %arg6[%or3A_431] : memref<102400xi32, #tpu.memory_space<vmem>>[vector<16xi32>], vector<16xi32>,
      %shift_left3A_433 = arith.shli %gather3A_432, %broadcast_in_dim3A_13 : vector<16xi32>
      %bitcast3A_434 = vector.bitcast %shift_left3A_433 : vector<16xi32> to vector<16xf32>
      %and3A_435 = arith.andi %gather3A_432, %broadcast_in_dim3A_11 : vector<16xi32>
      %bitcast3A_436 = vector.bitcast %and3A_435 : vector<16xi32> to vector<16xf32>
      %add3A_437 = arith.addf %add3A_408, %bitcast3A_434 : vector<16xf32>
      %add3A_438 = arith.addf %add3A_409, %bitcast3A_436 : vector<16xf32>
      %scan3A_439 = arith.constant 4 : i32
      %scan3A_440 = arith.addi %scan3A_328, %scan3A_439 : i32
      %get3A_441 = arith.index_cast %scan3A_440 : i32 to index
      %get3A_442 = arith.constant 16 : index
      %get3A_443 = tpu.vector_load %arg7[%get3A_441, %get3A_442] {strides = array<i32>} : memref<200x128xi32, #tpu.memory_space<vmem>>, vector<16xi32>,
      %and3A_444 = arith.constant -4096 : i32
      %and3A_445 = vector.broadcast %and3A_444 : i32 to vector<16xi32>
      %and3A_446 = arith.andi %get3A_443, %and3A_445 : vector<16xi32>
      %and3A_447 = arith.constant 63 : i32
      %and3A_448 = vector.broadcast %and3A_447 : i32 to vector<16xi32>
      %and3A_449 = arith.andi %get3A_443, %and3A_448 : vector<16xi32>
      %shift_left3A_450 = arith.constant 6 : i32
      %shift_left3A_451 = vector.broadcast %shift_left3A_450 : i32 to vector<16xi32>
      %shift_left3A_452 = arith.shli %and3A_449, %shift_left3A_451 : vector<16xi32>
      %or3A_453 = arith.ori %and3A_446, %shift_left3A_452 : vector<16xi32>
      %shift_right_arithmetic3A_454 = arith.constant 6 : i32
      %shift_right_arithmetic3A_455 = vector.broadcast %shift_right_arithmetic3A_454 : i32 to vector<16xi32>
      %shift_right_arithmetic3A_456 = arith.shrsi %get3A_443, %shift_right_arithmetic3A_455 : vector<16xi32>
      %and3A_457 = arith.constant 63 : i32
      %and3A_458 = vector.broadcast %and3A_457 : i32 to vector<16xi32>
      %and3A_459 = arith.andi %shift_right_arithmetic3A_456, %and3A_458 : vector<16xi32>
      %or3A_460 = arith.ori %or3A_453, %and3A_459 : vector<16xi32>
      %gather3A_461 = tpu.vector_load_idx %arg6[%or3A_460] : memref<102400xi32, #tpu.memory_space<vmem>>[vector<16xi32>], vector<16xi32>,
      %shift_left3A_462 = arith.shli %gather3A_461, %broadcast_in_dim3A_13 : vector<16xi32>
      %bitcast3A_463 = vector.bitcast %shift_left3A_462 : vector<16xi32> to vector<16xf32>
      %and3A_464 = arith.andi %gather3A_461, %broadcast_in_dim3A_11 : vector<16xi32>
      %bitcast3A_465 = vector.bitcast %and3A_464 : vector<16xi32> to vector<16xf32>
      %add3A_466 = arith.addf %add3A_437, %bitcast3A_463 : vector<16xf32>
      %add3A_467 = arith.addf %add3A_438, %bitcast3A_465 : vector<16xf32>
      %scan3A_468 = arith.constant 5 : i32
      %scan3A_469 = arith.addi %scan3A_328, %scan3A_468 : i32
      %get3A_470 = arith.index_cast %scan3A_469 : i32 to index
      %get3A_471 = arith.constant 16 : index
      %get3A_472 = tpu.vector_load %arg7[%get3A_470, %get3A_471] {strides = array<i32>} : memref<200x128xi32, #tpu.memory_space<vmem>>, vector<16xi32>,
      %and3A_473 = arith.constant -4096 : i32
      %and3A_474 = vector.broadcast %and3A_473 : i32 to vector<16xi32>
      %and3A_475 = arith.andi %get3A_472, %and3A_474 : vector<16xi32>
      %and3A_476 = arith.constant 63 : i32
      %and3A_477 = vector.broadcast %and3A_476 : i32 to vector<16xi32>
      %and3A_478 = arith.andi %get3A_472, %and3A_477 : vector<16xi32>
      %shift_left3A_479 = arith.constant 6 : i32
      %shift_left3A_480 = vector.broadcast %shift_left3A_479 : i32 to vector<16xi32>
      %shift_left3A_481 = arith.shli %and3A_478, %shift_left3A_480 : vector<16xi32>
      %or3A_482 = arith.ori %and3A_475, %shift_left3A_481 : vector<16xi32>
      %shift_right_arithmetic3A_483 = arith.constant 6 : i32
      %shift_right_arithmetic3A_484 = vector.broadcast %shift_right_arithmetic3A_483 : i32 to vector<16xi32>
      %shift_right_arithmetic3A_485 = arith.shrsi %get3A_472, %shift_right_arithmetic3A_484 : vector<16xi32>
      %and3A_486 = arith.constant 63 : i32
      %and3A_487 = vector.broadcast %and3A_486 : i32 to vector<16xi32>
      %and3A_488 = arith.andi %shift_right_arithmetic3A_485, %and3A_487 : vector<16xi32>
      %or3A_489 = arith.ori %or3A_482, %and3A_488 : vector<16xi32>
      %gather3A_490 = tpu.vector_load_idx %arg6[%or3A_489] : memref<102400xi32, #tpu.memory_space<vmem>>[vector<16xi32>], vector<16xi32>,
      %shift_left3A_491 = arith.shli %gather3A_490, %broadcast_in_dim3A_13 : vector<16xi32>
      %bitcast3A_492 = vector.bitcast %shift_left3A_491 : vector<16xi32> to vector<16xf32>
      %and3A_493 = arith.andi %gather3A_490, %broadcast_in_dim3A_11 : vector<16xi32>
      %bitcast3A_494 = vector.bitcast %and3A_493 : vector<16xi32> to vector<16xf32>
      %add3A_495 = arith.addf %add3A_466, %bitcast3A_492 : vector<16xf32>
      %add3A_496 = arith.addf %add3A_467, %bitcast3A_494 : vector<16xf32>
      %scan3A_497 = arith.constant 6 : i32
      %scan3A_498 = arith.addi %scan3A_328, %scan3A_497 : i32
      %get3A_499 = arith.index_cast %scan3A_498 : i32 to index
      %get3A_500 = arith.constant 16 : index
      %get3A_501 = tpu.vector_load %arg7[%get3A_499, %get3A_500] {strides = array<i32>} : memref<200x128xi32, #tpu.memory_space<vmem>>, vector<16xi32>,
      %and3A_502 = arith.constant -4096 : i32
      %and3A_503 = vector.broadcast %and3A_502 : i32 to vector<16xi32>
      %and3A_504 = arith.andi %get3A_501, %and3A_503 : vector<16xi32>
      %and3A_505 = arith.constant 63 : i32
      %and3A_506 = vector.broadcast %and3A_505 : i32 to vector<16xi32>
      %and3A_507 = arith.andi %get3A_501, %and3A_506 : vector<16xi32>
      %shift_left3A_508 = arith.constant 6 : i32
      %shift_left3A_509 = vector.broadcast %shift_left3A_508 : i32 to vector<16xi32>
      %shift_left3A_510 = arith.shli %and3A_507, %shift_left3A_509 : vector<16xi32>
      %or3A_511 = arith.ori %and3A_504, %shift_left3A_510 : vector<16xi32>
      %shift_right_arithmetic3A_512 = arith.constant 6 : i32
      %shift_right_arithmetic3A_513 = vector.broadcast %shift_right_arithmetic3A_512 : i32 to vector<16xi32>
      %shift_right_arithmetic3A_514 = arith.shrsi %get3A_501, %shift_right_arithmetic3A_513 : vector<16xi32>
      %and3A_515 = arith.constant 63 : i32
      %and3A_516 = vector.broadcast %and3A_515 : i32 to vector<16xi32>
      %and3A_517 = arith.andi %shift_right_arithmetic3A_514, %and3A_516 : vector<16xi32>
      %or3A_518 = arith.ori %or3A_511, %and3A_517 : vector<16xi32>
      %gather3A_519 = tpu.vector_load_idx %arg6[%or3A_518] : memref<102400xi32, #tpu.memory_space<vmem>>[vector<16xi32>], vector<16xi32>,
      %shift_left3A_520 = arith.shli %gather3A_519, %broadcast_in_dim3A_13 : vector<16xi32>
      %bitcast3A_521 = vector.bitcast %shift_left3A_520 : vector<16xi32> to vector<16xf32>
      %and3A_522 = arith.andi %gather3A_519, %broadcast_in_dim3A_11 : vector<16xi32>
      %bitcast3A_523 = vector.bitcast %and3A_522 : vector<16xi32> to vector<16xf32>
      %add3A_524 = arith.addf %add3A_495, %bitcast3A_521 : vector<16xf32>
      %add3A_525 = arith.addf %add3A_496, %bitcast3A_523 : vector<16xf32>
      %scan3A_526 = arith.constant 7 : i32
      %scan3A_527 = arith.addi %scan3A_328, %scan3A_526 : i32
      %get3A_528 = arith.index_cast %scan3A_527 : i32 to index
      %get3A_529 = arith.constant 16 : index
      %get3A_530 = tpu.vector_load %arg7[%get3A_528, %get3A_529] {strides = array<i32>} : memref<200x128xi32, #tpu.memory_space<vmem>>, vector<16xi32>,
      %and3A_531 = arith.constant -4096 : i32
      %and3A_532 = vector.broadcast %and3A_531 : i32 to vector<16xi32>
      %and3A_533 = arith.andi %get3A_530, %and3A_532 : vector<16xi32>
      %and3A_534 = arith.constant 63 : i32
      %and3A_535 = vector.broadcast %and3A_534 : i32 to vector<16xi32>
      %and3A_536 = arith.andi %get3A_530, %and3A_535 : vector<16xi32>
      %shift_left3A_537 = arith.constant 6 : i32
      %shift_left3A_538 = vector.broadcast %shift_left3A_537 : i32 to vector<16xi32>
      %shift_left3A_539 = arith.shli %and3A_536, %shift_left3A_538 : vector<16xi32>
      %or3A_540 = arith.ori %and3A_533, %shift_left3A_539 : vector<16xi32>
      %shift_right_arithmetic3A_541 = arith.constant 6 : i32
      %shift_right_arithmetic3A_542 = vector.broadcast %shift_right_arithmetic3A_541 : i32 to vector<16xi32>
      %shift_right_arithmetic3A_543 = arith.shrsi %get3A_530, %shift_right_arithmetic3A_542 : vector<16xi32>
      %and3A_544 = arith.constant 63 : i32
      %and3A_545 = vector.broadcast %and3A_544 : i32 to vector<16xi32>
      %and3A_546 = arith.andi %shift_right_arithmetic3A_543, %and3A_545 : vector<16xi32>
      %or3A_547 = arith.ori %or3A_540, %and3A_546 : vector<16xi32>
      %gather3A_548 = tpu.vector_load_idx %arg6[%or3A_547] : memref<102400xi32, #tpu.memory_space<vmem>>[vector<16xi32>], vector<16xi32>,
      %shift_left3A_549 = arith.shli %gather3A_548, %broadcast_in_dim3A_13 : vector<16xi32>
      %bitcast3A_550 = vector.bitcast %shift_left3A_549 : vector<16xi32> to vector<16xf32>
      %and3A_551 = arith.andi %gather3A_548, %broadcast_in_dim3A_11 : vector<16xi32>
      %bitcast3A_552 = vector.bitcast %and3A_551 : vector<16xi32> to vector<16xf32>
      %add3A_553 = arith.addf %add3A_524, %bitcast3A_550 : vector<16xf32>
      %add3A_554 = arith.addf %add3A_525, %bitcast3A_552 : vector<16xf32>
      scf.yield %add3A_553, %add3A_554 : vector<16xf32>, vector<16xf32>
    }
    %scan3A_53 = arith.constant 200 : i32
    %get3A_54 = arith.constant 0 : i32
    %get3A_55 = arith.index_cast %get3A_54 : i32 to index
    %get3A_56 = arith.constant 0 : index
    %get3A_57 = tpu.vector_load %arg8[%get3A_55, %get3A_56] {strides = array<i32>} : memref<2x16xf32, #tpu.memory_space<vmem>>, vector<16xf32>,
    %add3A_58 = arith.addf %scan3A_52#0, %get3A_57 : vector<16xf32>
    %get3A_59 = arith.constant 1 : i32
    %get3A_60 = arith.index_cast %get3A_59 : i32 to index
    %get3A_61 = arith.constant 0 : index
    %get3A_62 = tpu.vector_load %arg8[%get3A_60, %get3A_61] {strides = array<i32>} : memref<2x16xf32, #tpu.memory_space<vmem>>, vector<16xf32>,
    %add3A_63 = arith.addf %scan3A_52#1, %get3A_62 : vector<16xf32>
    %neg3A_64 = arith.constant 0.000000e+00 : f32
    %neg3A_65 = vector.broadcast %neg3A_64 : f32 to vector<16xf32>
    %neg3A_66 = arith.subf %neg3A_65, %add3A_58 : vector<16xf32>
    %exp3A_67 = math.exp %neg3A_66 : vector<16xf32>
    %add3A_68 = arith.constant 1.000000e+00 : f32
    %add3A_69 = vector.broadcast %add3A_68 : f32 to vector<16xf32>
    %add3A_70 = arith.addf %add3A_69, %exp3A_67 : vector<16xf32>
    %div3A_71 = arith.constant 1.000000e+00 : f32
    %div3A_72 = vector.broadcast %div3A_71 : f32 to vector<16xf32>
    %div3A_73 = arith.divf %div3A_72, %add3A_70 : vector<16xf32>
    %swap3A_74 = arith.constant 16 : index
    %swap3A_75 = tpu.vector_load %arg9[%swap3A_74] {strides = array<i32>} : memref<256xf32, #tpu.memory_space<vmem>>, vector<16xf32>,
    tpu.vector_store %arg9[%swap3A_74], %div3A_73 {strides = array<i32>} : memref<256xf32, #tpu.memory_space<vmem>>, vector<16xf32>,
    %neg3A_76 = arith.constant 0.000000e+00 : f32
    %neg3A_77 = vector.broadcast %neg3A_76 : f32 to vector<16xf32>
    %neg3A_78 = arith.subf %neg3A_77, %add3A_63 : vector<16xf32>
    %exp3A_79 = math.exp %neg3A_78 : vector<16xf32>
    %add3A_80 = arith.constant 1.000000e+00 : f32
    %add3A_81 = vector.broadcast %add3A_80 : f32 to vector<16xf32>
    %add3A_82 = arith.addf %add3A_81, %exp3A_79 : vector<16xf32>
    %div3A_83 = arith.constant 1.000000e+00 : f32
    %div3A_84 = vector.broadcast %div3A_83 : f32 to vector<16xf32>
    %div3A_85 = arith.divf %div3A_84, %add3A_82 : vector<16xf32>
    %swap3A_86 = arith.constant 144 : index
    %swap3A_87 = tpu.vector_load %arg9[%swap3A_86] {strides = array<i32>} : memref<256xf32, #tpu.memory_space<vmem>>, vector<16xf32>,
    tpu.vector_store %arg9[%swap3A_86], %div3A_85 {strides = array<i32>} : memref<256xf32, #tpu.memory_space<vmem>>, vector<16xf32>,
    %scan3A_88 = arith.constant 0 : i32
    %scan3A_89 = arith.constant 200 : i32
    %scan3A_90 = arith.addi %scan3A_88, %scan3A_89 : i32
    %scan3A_91 = arith.constant 8 : i32
    %scan3A_92:2 = scf.for %scan3A_328 = %scan3A_88 to %scan3A_90 step %scan3A_91 iter_args(%scan3A_329 = %broadcast_in_dim3A_9, %scan3A_330 = %broadcast_in_dim3A_9) -> (vector<16xf32>, vector<16xf32>)  : i32 {
      %get3A_331 = arith.index_cast %scan3A_328 : i32 to index
      %get3A_332 = arith.constant 32 : index
      %get3A_333 = tpu.vector_load %arg7[%get3A_331, %get3A_332] {strides = array<i32>} : memref<200x128xi32, #tpu.memory_space<vmem>>, vector<16xi32>,
      %and3A = arith.constant -4096 : i32
      %and3A_334 = vector.broadcast %and3A : i32 to vector<16xi32>
      %and3A_335 = arith.andi %get3A_333, %and3A_334 : vector<16xi32>
      %and3A_336 = arith.constant 63 : i32
      %and3A_337 = vector.broadcast %and3A_336 : i32 to vector<16xi32>
      %and3A_338 = arith.andi %get3A_333, %and3A_337 : vector<16xi32>
      %shift_left3A = arith.constant 6 : i32
      %shift_left3A_339 = vector.broadcast %shift_left3A : i32 to vector<16xi32>
      %shift_left3A_340 = arith.shli %and3A_338, %shift_left3A_339 : vector<16xi32>
      %or3A = arith.ori %and3A_335, %shift_left3A_340 : vector<16xi32>
      %shift_right_arithmetic3A = arith.constant 6 : i32
      %shift_right_arithmetic3A_341 = vector.broadcast %shift_right_arithmetic3A : i32 to vector<16xi32>
      %shift_right_arithmetic3A_342 = arith.shrsi %get3A_333, %shift_right_arithmetic3A_341 : vector<16xi32>
      %and3A_343 = arith.constant 63 : i32
      %and3A_344 = vector.broadcast %and3A_343 : i32 to vector<16xi32>
      %and3A_345 = arith.andi %shift_right_arithmetic3A_342, %and3A_344 : vector<16xi32>
      %or3A_346 = arith.ori %or3A, %and3A_345 : vector<16xi32>
      %gather3A = tpu.vector_load_idx %arg6[%or3A_346] : memref<102400xi32, #tpu.memory_space<vmem>>[vector<16xi32>], vector<16xi32>,
      %shift_left3A_347 = arith.shli %gather3A, %broadcast_in_dim3A_13 : vector<16xi32>
      %bitcast3A = vector.bitcast %shift_left3A_347 : vector<16xi32> to vector<16xf32>
      %and3A_348 = arith.andi %gather3A, %broadcast_in_dim3A_11 : vector<16xi32>
      %bitcast3A_349 = vector.bitcast %and3A_348 : vector<16xi32> to vector<16xf32>
      %add3A_350 = arith.addf %scan3A_329, %bitcast3A : vector<16xf32>
      %add3A_351 = arith.addf %scan3A_330, %bitcast3A_349 : vector<16xf32>
      %scan3A_352 = arith.constant 1 : i32
      %scan3A_353 = arith.addi %scan3A_328, %scan3A_352 : i32
      %get3A_354 = arith.index_cast %scan3A_353 : i32 to index
      %get3A_355 = arith.constant 32 : index
      %get3A_356 = tpu.vector_load %arg7[%get3A_354, %get3A_355] {strides = array<i32>} : memref<200x128xi32, #tpu.memory_space<vmem>>, vector<16xi32>,
      %and3A_357 = arith.constant -4096 : i32
      %and3A_358 = vector.broadcast %and3A_357 : i32 to vector<16xi32>
      %and3A_359 = arith.andi %get3A_356, %and3A_358 : vector<16xi32>
      %and3A_360 = arith.constant 63 : i32
      %and3A_361 = vector.broadcast %and3A_360 : i32 to vector<16xi32>
      %and3A_362 = arith.andi %get3A_356, %and3A_361 : vector<16xi32>
      %shift_left3A_363 = arith.constant 6 : i32
      %shift_left3A_364 = vector.broadcast %shift_left3A_363 : i32 to vector<16xi32>
      %shift_left3A_365 = arith.shli %and3A_362, %shift_left3A_364 : vector<16xi32>
      %or3A_366 = arith.ori %and3A_359, %shift_left3A_365 : vector<16xi32>
      %shift_right_arithmetic3A_367 = arith.constant 6 : i32
      %shift_right_arithmetic3A_368 = vector.broadcast %shift_right_arithmetic3A_367 : i32 to vector<16xi32>
      %shift_right_arithmetic3A_369 = arith.shrsi %get3A_356, %shift_right_arithmetic3A_368 : vector<16xi32>
      %and3A_370 = arith.constant 63 : i32
      %and3A_371 = vector.broadcast %and3A_370 : i32 to vector<16xi32>
      %and3A_372 = arith.andi %shift_right_arithmetic3A_369, %and3A_371 : vector<16xi32>
      %or3A_373 = arith.ori %or3A_366, %and3A_372 : vector<16xi32>
      %gather3A_374 = tpu.vector_load_idx %arg6[%or3A_373] : memref<102400xi32, #tpu.memory_space<vmem>>[vector<16xi32>], vector<16xi32>,
      %shift_left3A_375 = arith.shli %gather3A_374, %broadcast_in_dim3A_13 : vector<16xi32>
      %bitcast3A_376 = vector.bitcast %shift_left3A_375 : vector<16xi32> to vector<16xf32>
      %and3A_377 = arith.andi %gather3A_374, %broadcast_in_dim3A_11 : vector<16xi32>
      %bitcast3A_378 = vector.bitcast %and3A_377 : vector<16xi32> to vector<16xf32>
      %add3A_379 = arith.addf %add3A_350, %bitcast3A_376 : vector<16xf32>
      %add3A_380 = arith.addf %add3A_351, %bitcast3A_378 : vector<16xf32>
      %scan3A_381 = arith.constant 2 : i32
      %scan3A_382 = arith.addi %scan3A_328, %scan3A_381 : i32
      %get3A_383 = arith.index_cast %scan3A_382 : i32 to index
      %get3A_384 = arith.constant 32 : index
      %get3A_385 = tpu.vector_load %arg7[%get3A_383, %get3A_384] {strides = array<i32>} : memref<200x128xi32, #tpu.memory_space<vmem>>, vector<16xi32>,
      %and3A_386 = arith.constant -4096 : i32
      %and3A_387 = vector.broadcast %and3A_386 : i32 to vector<16xi32>
      %and3A_388 = arith.andi %get3A_385, %and3A_387 : vector<16xi32>
      %and3A_389 = arith.constant 63 : i32
      %and3A_390 = vector.broadcast %and3A_389 : i32 to vector<16xi32>
      %and3A_391 = arith.andi %get3A_385, %and3A_390 : vector<16xi32>
      %shift_left3A_392 = arith.constant 6 : i32
      %shift_left3A_393 = vector.broadcast %shift_left3A_392 : i32 to vector<16xi32>
      %shift_left3A_394 = arith.shli %and3A_391, %shift_left3A_393 : vector<16xi32>
      %or3A_395 = arith.ori %and3A_388, %shift_left3A_394 : vector<16xi32>
      %shift_right_arithmetic3A_396 = arith.constant 6 : i32
      %shift_right_arithmetic3A_397 = vector.broadcast %shift_right_arithmetic3A_396 : i32 to vector<16xi32>
      %shift_right_arithmetic3A_398 = arith.shrsi %get3A_385, %shift_right_arithmetic3A_397 : vector<16xi32>
      %and3A_399 = arith.constant 63 : i32
      %and3A_400 = vector.broadcast %and3A_399 : i32 to vector<16xi32>
      %and3A_401 = arith.andi %shift_right_arithmetic3A_398, %and3A_400 : vector<16xi32>
      %or3A_402 = arith.ori %or3A_395, %and3A_401 : vector<16xi32>
      %gather3A_403 = tpu.vector_load_idx %arg6[%or3A_402] : memref<102400xi32, #tpu.memory_space<vmem>>[vector<16xi32>], vector<16xi32>,
      %shift_left3A_404 = arith.shli %gather3A_403, %broadcast_in_dim3A_13 : vector<16xi32>
      %bitcast3A_405 = vector.bitcast %shift_left3A_404 : vector<16xi32> to vector<16xf32>
      %and3A_406 = arith.andi %gather3A_403, %broadcast_in_dim3A_11 : vector<16xi32>
      %bitcast3A_407 = vector.bitcast %and3A_406 : vector<16xi32> to vector<16xf32>
      %add3A_408 = arith.addf %add3A_379, %bitcast3A_405 : vector<16xf32>
      %add3A_409 = arith.addf %add3A_380, %bitcast3A_407 : vector<16xf32>
      %scan3A_410 = arith.constant 3 : i32
      %scan3A_411 = arith.addi %scan3A_328, %scan3A_410 : i32
      %get3A_412 = arith.index_cast %scan3A_411 : i32 to index
      %get3A_413 = arith.constant 32 : index
      %get3A_414 = tpu.vector_load %arg7[%get3A_412, %get3A_413] {strides = array<i32>} : memref<200x128xi32, #tpu.memory_space<vmem>>, vector<16xi32>,
      %and3A_415 = arith.constant -4096 : i32
      %and3A_416 = vector.broadcast %and3A_415 : i32 to vector<16xi32>
      %and3A_417 = arith.andi %get3A_414, %and3A_416 : vector<16xi32>
      %and3A_418 = arith.constant 63 : i32
      %and3A_419 = vector.broadcast %and3A_418 : i32 to vector<16xi32>
      %and3A_420 = arith.andi %get3A_414, %and3A_419 : vector<16xi32>
      %shift_left3A_421 = arith.constant 6 : i32
      %shift_left3A_422 = vector.broadcast %shift_left3A_421 : i32 to vector<16xi32>
      %shift_left3A_423 = arith.shli %and3A_420, %shift_left3A_422 : vector<16xi32>
      %or3A_424 = arith.ori %and3A_417, %shift_left3A_423 : vector<16xi32>
      %shift_right_arithmetic3A_425 = arith.constant 6 : i32
      %shift_right_arithmetic3A_426 = vector.broadcast %shift_right_arithmetic3A_425 : i32 to vector<16xi32>
      %shift_right_arithmetic3A_427 = arith.shrsi %get3A_414, %shift_right_arithmetic3A_426 : vector<16xi32>
      %and3A_428 = arith.constant 63 : i32
      %and3A_429 = vector.broadcast %and3A_428 : i32 to vector<16xi32>
      %and3A_430 = arith.andi %shift_right_arithmetic3A_427, %and3A_429 : vector<16xi32>
      %or3A_431 = arith.ori %or3A_424, %and3A_430 : vector<16xi32>
      %gather3A_432 = tpu.vector_load_idx %arg6[%or3A_431] : memref<102400xi32, #tpu.memory_space<vmem>>[vector<16xi32>], vector<16xi32>,
      %shift_left3A_433 = arith.shli %gather3A_432, %broadcast_in_dim3A_13 : vector<16xi32>
      %bitcast3A_434 = vector.bitcast %shift_left3A_433 : vector<16xi32> to vector<16xf32>
      %and3A_435 = arith.andi %gather3A_432, %broadcast_in_dim3A_11 : vector<16xi32>
      %bitcast3A_436 = vector.bitcast %and3A_435 : vector<16xi32> to vector<16xf32>
      %add3A_437 = arith.addf %add3A_408, %bitcast3A_434 : vector<16xf32>
      %add3A_438 = arith.addf %add3A_409, %bitcast3A_436 : vector<16xf32>
      %scan3A_439 = arith.constant 4 : i32
      %scan3A_440 = arith.addi %scan3A_328, %scan3A_439 : i32
      %get3A_441 = arith.index_cast %scan3A_440 : i32 to index
      %get3A_442 = arith.constant 32 : index
      %get3A_443 = tpu.vector_load %arg7[%get3A_441, %get3A_442] {strides = array<i32>} : memref<200x128xi32, #tpu.memory_space<vmem>>, vector<16xi32>,
      %and3A_444 = arith.constant -4096 : i32
      %and3A_445 = vector.broadcast %and3A_444 : i32 to vector<16xi32>
      %and3A_446 = arith.andi %get3A_443, %and3A_445 : vector<16xi32>
      %and3A_447 = arith.constant 63 : i32
      %and3A_448 = vector.broadcast %and3A_447 : i32 to vector<16xi32>
      %and3A_449 = arith.andi %get3A_443, %and3A_448 : vector<16xi32>
      %shift_left3A_450 = arith.constant 6 : i32
      %shift_left3A_451 = vector.broadcast %shift_left3A_450 : i32 to vector<16xi32>
      %shift_left3A_452 = arith.shli %and3A_449, %shift_left3A_451 : vector<16xi32>
      %or3A_453 = arith.ori %and3A_446, %shift_left3A_452 : vector<16xi32>
      %shift_right_arithmetic3A_454 = arith.constant 6 : i32
      %shift_right_arithmetic3A_455 = vector.broadcast %shift_right_arithmetic3A_454 : i32 to vector<16xi32>
      %shift_right_arithmetic3A_456 = arith.shrsi %get3A_443, %shift_right_arithmetic3A_455 : vector<16xi32>
      %and3A_457 = arith.constant 63 : i32
      %and3A_458 = vector.broadcast %and3A_457 : i32 to vector<16xi32>
      %and3A_459 = arith.andi %shift_right_arithmetic3A_456, %and3A_458 : vector<16xi32>
      %or3A_460 = arith.ori %or3A_453, %and3A_459 : vector<16xi32>
      %gather3A_461 = tpu.vector_load_idx %arg6[%or3A_460] : memref<102400xi32, #tpu.memory_space<vmem>>[vector<16xi32>], vector<16xi32>,
      %shift_left3A_462 = arith.shli %gather3A_461, %broadcast_in_dim3A_13 : vector<16xi32>
      %bitcast3A_463 = vector.bitcast %shift_left3A_462 : vector<16xi32> to vector<16xf32>
      %and3A_464 = arith.andi %gather3A_461, %broadcast_in_dim3A_11 : vector<16xi32>
      %bitcast3A_465 = vector.bitcast %and3A_464 : vector<16xi32> to vector<16xf32>
      %add3A_466 = arith.addf %add3A_437, %bitcast3A_463 : vector<16xf32>
      %add3A_467 = arith.addf %add3A_438, %bitcast3A_465 : vector<16xf32>
      %scan3A_468 = arith.constant 5 : i32
      %scan3A_469 = arith.addi %scan3A_328, %scan3A_468 : i32
      %get3A_470 = arith.index_cast %scan3A_469 : i32 to index
      %get3A_471 = arith.constant 32 : index
      %get3A_472 = tpu.vector_load %arg7[%get3A_470, %get3A_471] {strides = array<i32>} : memref<200x128xi32, #tpu.memory_space<vmem>>, vector<16xi32>,
      %and3A_473 = arith.constant -4096 : i32
      %and3A_474 = vector.broadcast %and3A_473 : i32 to vector<16xi32>
      %and3A_475 = arith.andi %get3A_472, %and3A_474 : vector<16xi32>
      %and3A_476 = arith.constant 63 : i32
      %and3A_477 = vector.broadcast %and3A_476 : i32 to vector<16xi32>
      %and3A_478 = arith.andi %get3A_472, %and3A_477 : vector<16xi32>
      %shift_left3A_479 = arith.constant 6 : i32
      %shift_left3A_480 = vector.broadcast %shift_left3A_479 : i32 to vector<16xi32>
      %shift_left3A_481 = arith.shli %and3A_478, %shift_left3A_480 : vector<16xi32>
      %or3A_482 = arith.ori %and3A_475, %shift_left3A_481 : vector<16xi32>
      %shift_right_arithmetic3A_483 = arith.constant 6 : i32
      %shift_right_arithmetic3A_484 = vector.broadcast %shift_right_arithmetic3A_483 : i32 to vector<16xi32>
      %shift_right_arithmetic3A_485 = arith.shrsi %get3A_472, %shift_right_arithmetic3A_484 : vector<16xi32>
      %and3A_486 = arith.constant 63 : i32
      %and3A_487 = vector.broadcast %and3A_486 : i32 to vector<16xi32>
      %and3A_488 = arith.andi %shift_right_arithmetic3A_485, %and3A_487 : vector<16xi32>
      %or3A_489 = arith.ori %or3A_482, %and3A_488 : vector<16xi32>
      %gather3A_490 = tpu.vector_load_idx %arg6[%or3A_489] : memref<102400xi32, #tpu.memory_space<vmem>>[vector<16xi32>], vector<16xi32>,
      %shift_left3A_491 = arith.shli %gather3A_490, %broadcast_in_dim3A_13 : vector<16xi32>
      %bitcast3A_492 = vector.bitcast %shift_left3A_491 : vector<16xi32> to vector<16xf32>
      %and3A_493 = arith.andi %gather3A_490, %broadcast_in_dim3A_11 : vector<16xi32>
      %bitcast3A_494 = vector.bitcast %and3A_493 : vector<16xi32> to vector<16xf32>
      %add3A_495 = arith.addf %add3A_466, %bitcast3A_492 : vector<16xf32>
      %add3A_496 = arith.addf %add3A_467, %bitcast3A_494 : vector<16xf32>
      %scan3A_497 = arith.constant 6 : i32
      %scan3A_498 = arith.addi %scan3A_328, %scan3A_497 : i32
      %get3A_499 = arith.index_cast %scan3A_498 : i32 to index
      %get3A_500 = arith.constant 32 : index
      %get3A_501 = tpu.vector_load %arg7[%get3A_499, %get3A_500] {strides = array<i32>} : memref<200x128xi32, #tpu.memory_space<vmem>>, vector<16xi32>,
      %and3A_502 = arith.constant -4096 : i32
      %and3A_503 = vector.broadcast %and3A_502 : i32 to vector<16xi32>
      %and3A_504 = arith.andi %get3A_501, %and3A_503 : vector<16xi32>
      %and3A_505 = arith.constant 63 : i32
      %and3A_506 = vector.broadcast %and3A_505 : i32 to vector<16xi32>
      %and3A_507 = arith.andi %get3A_501, %and3A_506 : vector<16xi32>
      %shift_left3A_508 = arith.constant 6 : i32
      %shift_left3A_509 = vector.broadcast %shift_left3A_508 : i32 to vector<16xi32>
      %shift_left3A_510 = arith.shli %and3A_507, %shift_left3A_509 : vector<16xi32>
      %or3A_511 = arith.ori %and3A_504, %shift_left3A_510 : vector<16xi32>
      %shift_right_arithmetic3A_512 = arith.constant 6 : i32
      %shift_right_arithmetic3A_513 = vector.broadcast %shift_right_arithmetic3A_512 : i32 to vector<16xi32>
      %shift_right_arithmetic3A_514 = arith.shrsi %get3A_501, %shift_right_arithmetic3A_513 : vector<16xi32>
      %and3A_515 = arith.constant 63 : i32
      %and3A_516 = vector.broadcast %and3A_515 : i32 to vector<16xi32>
      %and3A_517 = arith.andi %shift_right_arithmetic3A_514, %and3A_516 : vector<16xi32>
      %or3A_518 = arith.ori %or3A_511, %and3A_517 : vector<16xi32>
      %gather3A_519 = tpu.vector_load_idx %arg6[%or3A_518] : memref<102400xi32, #tpu.memory_space<vmem>>[vector<16xi32>], vector<16xi32>,
      %shift_left3A_520 = arith.shli %gather3A_519, %broadcast_in_dim3A_13 : vector<16xi32>
      %bitcast3A_521 = vector.bitcast %shift_left3A_520 : vector<16xi32> to vector<16xf32>
      %and3A_522 = arith.andi %gather3A_519, %broadcast_in_dim3A_11 : vector<16xi32>
      %bitcast3A_523 = vector.bitcast %and3A_522 : vector<16xi32> to vector<16xf32>
      %add3A_524 = arith.addf %add3A_495, %bitcast3A_521 : vector<16xf32>
      %add3A_525 = arith.addf %add3A_496, %bitcast3A_523 : vector<16xf32>
      %scan3A_526 = arith.constant 7 : i32
      %scan3A_527 = arith.addi %scan3A_328, %scan3A_526 : i32
      %get3A_528 = arith.index_cast %scan3A_527 : i32 to index
      %get3A_529 = arith.constant 32 : index
      %get3A_530 = tpu.vector_load %arg7[%get3A_528, %get3A_529] {strides = array<i32>} : memref<200x128xi32, #tpu.memory_space<vmem>>, vector<16xi32>,
      %and3A_531 = arith.constant -4096 : i32
      %and3A_532 = vector.broadcast %and3A_531 : i32 to vector<16xi32>
      %and3A_533 = arith.andi %get3A_530, %and3A_532 : vector<16xi32>
      %and3A_534 = arith.constant 63 : i32
      %and3A_535 = vector.broadcast %and3A_534 : i32 to vector<16xi32>
      %and3A_536 = arith.andi %get3A_530, %and3A_535 : vector<16xi32>
      %shift_left3A_537 = arith.constant 6 : i32
      %shift_left3A_538 = vector.broadcast %shift_left3A_537 : i32 to vector<16xi32>
      %shift_left3A_539 = arith.shli %and3A_536, %shift_left3A_538 : vector<16xi32>
      %or3A_540 = arith.ori %and3A_533, %shift_left3A_539 : vector<16xi32>
      %shift_right_arithmetic3A_541 = arith.constant 6 : i32
      %shift_right_arithmetic3A_542 = vector.broadcast %shift_right_arithmetic3A_541 : i32 to vector<16xi32>
      %shift_right_arithmetic3A_543 = arith.shrsi %get3A_530, %shift_right_arithmetic3A_542 : vector<16xi32>
      %and3A_544 = arith.constant 63 : i32
      %and3A_545 = vector.broadcast %and3A_544 : i32 to vector<16xi32>
      %and3A_546 = arith.andi %shift_right_arithmetic3A_543, %and3A_545 : vector<16xi32>
      %or3A_547 = arith.ori %or3A_540, %and3A_546 : vector<16xi32>
      %gather3A_548 = tpu.vector_load_idx %arg6[%or3A_547] : memref<102400xi32, #tpu.memory_space<vmem>>[vector<16xi32>], vector<16xi32>,
      %shift_left3A_549 = arith.shli %gather3A_548, %broadcast_in_dim3A_13 : vector<16xi32>
      %bitcast3A_550 = vector.bitcast %shift_left3A_549 : vector<16xi32> to vector<16xf32>
      %and3A_551 = arith.andi %gather3A_548, %broadcast_in_dim3A_11 : vector<16xi32>
      %bitcast3A_552 = vector.bitcast %and3A_551 : vector<16xi32> to vector<16xf32>
      %add3A_553 = arith.addf %add3A_524, %bitcast3A_550 : vector<16xf32>
      %add3A_554 = arith.addf %add3A_525, %bitcast3A_552 : vector<16xf32>
      scf.yield %add3A_553, %add3A_554 : vector<16xf32>, vector<16xf32>
    }
    %scan3A_93 = arith.constant 200 : i32
    %get3A_94 = arith.constant 0 : i32
    %get3A_95 = arith.index_cast %get3A_94 : i32 to index
    %get3A_96 = arith.constant 0 : index
    %get3A_97 = tpu.vector_load %arg8[%get3A_95, %get3A_96] {strides = array<i32>} : memref<2x16xf32, #tpu.memory_space<vmem>>, vector<16xf32>,
    %add3A_98 = arith.addf %scan3A_92#0, %get3A_97 : vector<16xf32>
    %get3A_99 = arith.constant 1 : i32
    %get3A_100 = arith.index_cast %get3A_99 : i32 to index
    %get3A_101 = arith.constant 0 : index
    %get3A_102 = tpu.vector_load %arg8[%get3A_100, %get3A_101] {strides = array<i32>} : memref<2x16xf32, #tpu.memory_space<vmem>>, vector<16xf32>,
    %add3A_103 = arith.addf %scan3A_92#1, %get3A_102 : vector<16xf32>
    %neg3A_104 = arith.constant 0.000000e+00 : f32
    %neg3A_105 = vector.broadcast %neg3A_104 : f32 to vector<16xf32>
    %neg3A_106 = arith.subf %neg3A_105, %add3A_98 : vector<16xf32>
    %exp3A_107 = math.exp %neg3A_106 : vector<16xf32>
    %add3A_108 = arith.constant 1.000000e+00 : f32
    %add3A_109 = vector.broadcast %add3A_108 : f32 to vector<16xf32>
    %add3A_110 = arith.addf %add3A_109, %exp3A_107 : vector<16xf32>
    %div3A_111 = arith.constant 1.000000e+00 : f32
    %div3A_112 = vector.broadcast %div3A_111 : f32 to vector<16xf32>
    %div3A_113 = arith.divf %div3A_112, %add3A_110 : vector<16xf32>
    %swap3A_114 = arith.constant 32 : index
    %swap3A_115 = tpu.vector_load %arg9[%swap3A_114] {strides = array<i32>} : memref<256xf32, #tpu.memory_space<vmem>>, vector<16xf32>,
    tpu.vector_store %arg9[%swap3A_114], %div3A_113 {strides = array<i32>} : memref<256xf32, #tpu.memory_space<vmem>>, vector<16xf32>,
    %neg3A_116 = arith.constant 0.000000e+00 : f32
    %neg3A_117 = vector.broadcast %neg3A_116 : f32 to vector<16xf32>
    %neg3A_118 = arith.subf %neg3A_117, %add3A_103 : vector<16xf32>
    %exp3A_119 = math.exp %neg3A_118 : vector<16xf32>
    %add3A_120 = arith.constant 1.000000e+00 : f32
    %add3A_121 = vector.broadcast %add3A_120 : f32 to vector<16xf32>
    %add3A_122 = arith.addf %add3A_121, %exp3A_119 : vector<16xf32>
    %div3A_123 = arith.constant 1.000000e+00 : f32
    %div3A_124 = vector.broadcast %div3A_123 : f32 to vector<16xf32>
    %div3A_125 = arith.divf %div3A_124, %add3A_122 : vector<16xf32>
    %swap3A_126 = arith.constant 160 : index
    %swap3A_127 = tpu.vector_load %arg9[%swap3A_126] {strides = array<i32>} : memref<256xf32, #tpu.memory_space<vmem>>, vector<16xf32>,
    tpu.vector_store %arg9[%swap3A_126], %div3A_125 {strides = array<i32>} : memref<256xf32, #tpu.memory_space<vmem>>, vector<16xf32>,
    %scan3A_128 = arith.constant 0 : i32
    %scan3A_129 = arith.constant 200 : i32
    %scan3A_130 = arith.addi %scan3A_128, %scan3A_129 : i32
    %scan3A_131 = arith.constant 8 : i32
    %scan3A_132:2 = scf.for %scan3A_328 = %scan3A_128 to %scan3A_130 step %scan3A_131 iter_args(%scan3A_329 = %broadcast_in_dim3A_9, %scan3A_330 = %broadcast_in_dim3A_9) -> (vector<16xf32>, vector<16xf32>)  : i32 {
      %get3A_331 = arith.index_cast %scan3A_328 : i32 to index
      %get3A_332 = arith.constant 48 : index
      %get3A_333 = tpu.vector_load %arg7[%get3A_331, %get3A_332] {strides = array<i32>} : memref<200x128xi32, #tpu.memory_space<vmem>>, vector<16xi32>,
      %and3A = arith.constant -4096 : i32
      %and3A_334 = vector.broadcast %and3A : i32 to vector<16xi32>
      %and3A_335 = arith.andi %get3A_333, %and3A_334 : vector<16xi32>
      %and3A_336 = arith.constant 63 : i32
      %and3A_337 = vector.broadcast %and3A_336 : i32 to vector<16xi32>
      %and3A_338 = arith.andi %get3A_333, %and3A_337 : vector<16xi32>
      %shift_left3A = arith.constant 6 : i32
      %shift_left3A_339 = vector.broadcast %shift_left3A : i32 to vector<16xi32>
      %shift_left3A_340 = arith.shli %and3A_338, %shift_left3A_339 : vector<16xi32>
      %or3A = arith.ori %and3A_335, %shift_left3A_340 : vector<16xi32>
      %shift_right_arithmetic3A = arith.constant 6 : i32
      %shift_right_arithmetic3A_341 = vector.broadcast %shift_right_arithmetic3A : i32 to vector<16xi32>
      %shift_right_arithmetic3A_342 = arith.shrsi %get3A_333, %shift_right_arithmetic3A_341 : vector<16xi32>
      %and3A_343 = arith.constant 63 : i32
      %and3A_344 = vector.broadcast %and3A_343 : i32 to vector<16xi32>
      %and3A_345 = arith.andi %shift_right_arithmetic3A_342, %and3A_344 : vector<16xi32>
      %or3A_346 = arith.ori %or3A, %and3A_345 : vector<16xi32>
      %gather3A = tpu.vector_load_idx %arg6[%or3A_346] : memref<102400xi32, #tpu.memory_space<vmem>>[vector<16xi32>], vector<16xi32>,
      %shift_left3A_347 = arith.shli %gather3A, %broadcast_in_dim3A_13 : vector<16xi32>
      %bitcast3A = vector.bitcast %shift_left3A_347 : vector<16xi32> to vector<16xf32>
      %and3A_348 = arith.andi %gather3A, %broadcast_in_dim3A_11 : vector<16xi32>
      %bitcast3A_349 = vector.bitcast %and3A_348 : vector<16xi32> to vector<16xf32>
      %add3A_350 = arith.addf %scan3A_329, %bitcast3A : vector<16xf32>
      %add3A_351 = arith.addf %scan3A_330, %bitcast3A_349 : vector<16xf32>
      %scan3A_352 = arith.constant 1 : i32
      %scan3A_353 = arith.addi %scan3A_328, %scan3A_352 : i32
      %get3A_354 = arith.index_cast %scan3A_353 : i32 to index
      %get3A_355 = arith.constant 48 : index
      %get3A_356 = tpu.vector_load %arg7[%get3A_354, %get3A_355] {strides = array<i32>} : memref<200x128xi32, #tpu.memory_space<vmem>>, vector<16xi32>,
      %and3A_357 = arith.constant -4096 : i32
      %and3A_358 = vector.broadcast %and3A_357 : i32 to vector<16xi32>
      %and3A_359 = arith.andi %get3A_356, %and3A_358 : vector<16xi32>
      %and3A_360 = arith.constant 63 : i32
      %and3A_361 = vector.broadcast %and3A_360 : i32 to vector<16xi32>
      %and3A_362 = arith.andi %get3A_356, %and3A_361 : vector<16xi32>
      %shift_left3A_363 = arith.constant 6 : i32
      %shift_left3A_364 = vector.broadcast %shift_left3A_363 : i32 to vector<16xi32>
      %shift_left3A_365 = arith.shli %and3A_362, %shift_left3A_364 : vector<16xi32>
      %or3A_366 = arith.ori %and3A_359, %shift_left3A_365 : vector<16xi32>
      %shift_right_arithmetic3A_367 = arith.constant 6 : i32
      %shift_right_arithmetic3A_368 = vector.broadcast %shift_right_arithmetic3A_367 : i32 to vector<16xi32>
      %shift_right_arithmetic3A_369 = arith.shrsi %get3A_356, %shift_right_arithmetic3A_368 : vector<16xi32>
      %and3A_370 = arith.constant 63 : i32
      %and3A_371 = vector.broadcast %and3A_370 : i32 to vector<16xi32>
      %and3A_372 = arith.andi %shift_right_arithmetic3A_369, %and3A_371 : vector<16xi32>
      %or3A_373 = arith.ori %or3A_366, %and3A_372 : vector<16xi32>
      %gather3A_374 = tpu.vector_load_idx %arg6[%or3A_373] : memref<102400xi32, #tpu.memory_space<vmem>>[vector<16xi32>], vector<16xi32>,
      %shift_left3A_375 = arith.shli %gather3A_374, %broadcast_in_dim3A_13 : vector<16xi32>
      %bitcast3A_376 = vector.bitcast %shift_left3A_375 : vector<16xi32> to vector<16xf32>
      %and3A_377 = arith.andi %gather3A_374, %broadcast_in_dim3A_11 : vector<16xi32>
      %bitcast3A_378 = vector.bitcast %and3A_377 : vector<16xi32> to vector<16xf32>
      %add3A_379 = arith.addf %add3A_350, %bitcast3A_376 : vector<16xf32>
      %add3A_380 = arith.addf %add3A_351, %bitcast3A_378 : vector<16xf32>
      %scan3A_381 = arith.constant 2 : i32
      %scan3A_382 = arith.addi %scan3A_328, %scan3A_381 : i32
      %get3A_383 = arith.index_cast %scan3A_382 : i32 to index
      %get3A_384 = arith.constant 48 : index
      %get3A_385 = tpu.vector_load %arg7[%get3A_383, %get3A_384] {strides = array<i32>} : memref<200x128xi32, #tpu.memory_space<vmem>>, vector<16xi32>,
      %and3A_386 = arith.constant -4096 : i32
      %and3A_387 = vector.broadcast %and3A_386 : i32 to vector<16xi32>
      %and3A_388 = arith.andi %get3A_385, %and3A_387 : vector<16xi32>
      %and3A_389 = arith.constant 63 : i32
      %and3A_390 = vector.broadcast %and3A_389 : i32 to vector<16xi32>
      %and3A_391 = arith.andi %get3A_385, %and3A_390 : vector<16xi32>
      %shift_left3A_392 = arith.constant 6 : i32
      %shift_left3A_393 = vector.broadcast %shift_left3A_392 : i32 to vector<16xi32>
      %shift_left3A_394 = arith.shli %and3A_391, %shift_left3A_393 : vector<16xi32>
      %or3A_395 = arith.ori %and3A_388, %shift_left3A_394 : vector<16xi32>
      %shift_right_arithmetic3A_396 = arith.constant 6 : i32
      %shift_right_arithmetic3A_397 = vector.broadcast %shift_right_arithmetic3A_396 : i32 to vector<16xi32>
      %shift_right_arithmetic3A_398 = arith.shrsi %get3A_385, %shift_right_arithmetic3A_397 : vector<16xi32>
      %and3A_399 = arith.constant 63 : i32
      %and3A_400 = vector.broadcast %and3A_399 : i32 to vector<16xi32>
      %and3A_401 = arith.andi %shift_right_arithmetic3A_398, %and3A_400 : vector<16xi32>
      %or3A_402 = arith.ori %or3A_395, %and3A_401 : vector<16xi32>
      %gather3A_403 = tpu.vector_load_idx %arg6[%or3A_402] : memref<102400xi32, #tpu.memory_space<vmem>>[vector<16xi32>], vector<16xi32>,
      %shift_left3A_404 = arith.shli %gather3A_403, %broadcast_in_dim3A_13 : vector<16xi32>
      %bitcast3A_405 = vector.bitcast %shift_left3A_404 : vector<16xi32> to vector<16xf32>
      %and3A_406 = arith.andi %gather3A_403, %broadcast_in_dim3A_11 : vector<16xi32>
      %bitcast3A_407 = vector.bitcast %and3A_406 : vector<16xi32> to vector<16xf32>
      %add3A_408 = arith.addf %add3A_379, %bitcast3A_405 : vector<16xf32>
      %add3A_409 = arith.addf %add3A_380, %bitcast3A_407 : vector<16xf32>
      %scan3A_410 = arith.constant 3 : i32
      %scan3A_411 = arith.addi %scan3A_328, %scan3A_410 : i32
      %get3A_412 = arith.index_cast %scan3A_411 : i32 to index
      %get3A_413 = arith.constant 48 : index
      %get3A_414 = tpu.vector_load %arg7[%get3A_412, %get3A_413] {strides = array<i32>} : memref<200x128xi32, #tpu.memory_space<vmem>>, vector<16xi32>,
      %and3A_415 = arith.constant -4096 : i32
      %and3A_416 = vector.broadcast %and3A_415 : i32 to vector<16xi32>
      %and3A_417 = arith.andi %get3A_414, %and3A_416 : vector<16xi32>
      %and3A_418 = arith.constant 63 : i32
      %and3A_419 = vector.broadcast %and3A_418 : i32 to vector<16xi32>
      %and3A_420 = arith.andi %get3A_414, %and3A_419 : vector<16xi32>
      %shift_left3A_421 = arith.constant 6 : i32
      %shift_left3A_422 = vector.broadcast %shift_left3A_421 : i32 to vector<16xi32>
      %shift_left3A_423 = arith.shli %and3A_420, %shift_left3A_422 : vector<16xi32>
      %or3A_424 = arith.ori %and3A_417, %shift_left3A_423 : vector<16xi32>
      %shift_right_arithmetic3A_425 = arith.constant 6 : i32
      %shift_right_arithmetic3A_426 = vector.broadcast %shift_right_arithmetic3A_425 : i32 to vector<16xi32>
      %shift_right_arithmetic3A_427 = arith.shrsi %get3A_414, %shift_right_arithmetic3A_426 : vector<16xi32>
      %and3A_428 = arith.constant 63 : i32
      %and3A_429 = vector.broadcast %and3A_428 : i32 to vector<16xi32>
      %and3A_430 = arith.andi %shift_right_arithmetic3A_427, %and3A_429 : vector<16xi32>
      %or3A_431 = arith.ori %or3A_424, %and3A_430 : vector<16xi32>
      %gather3A_432 = tpu.vector_load_idx %arg6[%or3A_431] : memref<102400xi32, #tpu.memory_space<vmem>>[vector<16xi32>], vector<16xi32>,
      %shift_left3A_433 = arith.shli %gather3A_432, %broadcast_in_dim3A_13 : vector<16xi32>
      %bitcast3A_434 = vector.bitcast %shift_left3A_433 : vector<16xi32> to vector<16xf32>
      %and3A_435 = arith.andi %gather3A_432, %broadcast_in_dim3A_11 : vector<16xi32>
      %bitcast3A_436 = vector.bitcast %and3A_435 : vector<16xi32> to vector<16xf32>
      %add3A_437 = arith.addf %add3A_408, %bitcast3A_434 : vector<16xf32>
      %add3A_438 = arith.addf %add3A_409, %bitcast3A_436 : vector<16xf32>
      %scan3A_439 = arith.constant 4 : i32
      %scan3A_440 = arith.addi %scan3A_328, %scan3A_439 : i32
      %get3A_441 = arith.index_cast %scan3A_440 : i32 to index
      %get3A_442 = arith.constant 48 : index
      %get3A_443 = tpu.vector_load %arg7[%get3A_441, %get3A_442] {strides = array<i32>} : memref<200x128xi32, #tpu.memory_space<vmem>>, vector<16xi32>,
      %and3A_444 = arith.constant -4096 : i32
      %and3A_445 = vector.broadcast %and3A_444 : i32 to vector<16xi32>
      %and3A_446 = arith.andi %get3A_443, %and3A_445 : vector<16xi32>
      %and3A_447 = arith.constant 63 : i32
      %and3A_448 = vector.broadcast %and3A_447 : i32 to vector<16xi32>
      %and3A_449 = arith.andi %get3A_443, %and3A_448 : vector<16xi32>
      %shift_left3A_450 = arith.constant 6 : i32
      %shift_left3A_451 = vector.broadcast %shift_left3A_450 : i32 to vector<16xi32>
      %shift_left3A_452 = arith.shli %and3A_449, %shift_left3A_451 : vector<16xi32>
      %or3A_453 = arith.ori %and3A_446, %shift_left3A_452 : vector<16xi32>
      %shift_right_arithmetic3A_454 = arith.constant 6 : i32
      %shift_right_arithmetic3A_455 = vector.broadcast %shift_right_arithmetic3A_454 : i32 to vector<16xi32>
      %shift_right_arithmetic3A_456 = arith.shrsi %get3A_443, %shift_right_arithmetic3A_455 : vector<16xi32>
      %and3A_457 = arith.constant 63 : i32
      %and3A_458 = vector.broadcast %and3A_457 : i32 to vector<16xi32>
      %and3A_459 = arith.andi %shift_right_arithmetic3A_456, %and3A_458 : vector<16xi32>
      %or3A_460 = arith.ori %or3A_453, %and3A_459 : vector<16xi32>
      %gather3A_461 = tpu.vector_load_idx %arg6[%or3A_460] : memref<102400xi32, #tpu.memory_space<vmem>>[vector<16xi32>], vector<16xi32>,
      %shift_left3A_462 = arith.shli %gather3A_461, %broadcast_in_dim3A_13 : vector<16xi32>
      %bitcast3A_463 = vector.bitcast %shift_left3A_462 : vector<16xi32> to vector<16xf32>
      %and3A_464 = arith.andi %gather3A_461, %broadcast_in_dim3A_11 : vector<16xi32>
      %bitcast3A_465 = vector.bitcast %and3A_464 : vector<16xi32> to vector<16xf32>
      %add3A_466 = arith.addf %add3A_437, %bitcast3A_463 : vector<16xf32>
      %add3A_467 = arith.addf %add3A_438, %bitcast3A_465 : vector<16xf32>
      %scan3A_468 = arith.constant 5 : i32
      %scan3A_469 = arith.addi %scan3A_328, %scan3A_468 : i32
      %get3A_470 = arith.index_cast %scan3A_469 : i32 to index
      %get3A_471 = arith.constant 48 : index
      %get3A_472 = tpu.vector_load %arg7[%get3A_470, %get3A_471] {strides = array<i32>} : memref<200x128xi32, #tpu.memory_space<vmem>>, vector<16xi32>,
      %and3A_473 = arith.constant -4096 : i32
      %and3A_474 = vector.broadcast %and3A_473 : i32 to vector<16xi32>
      %and3A_475 = arith.andi %get3A_472, %and3A_474 : vector<16xi32>
      %and3A_476 = arith.constant 63 : i32
      %and3A_477 = vector.broadcast %and3A_476 : i32 to vector<16xi32>
      %and3A_478 = arith.andi %get3A_472, %and3A_477 : vector<16xi32>
      %shift_left3A_479 = arith.constant 6 : i32
      %shift_left3A_480 = vector.broadcast %shift_left3A_479 : i32 to vector<16xi32>
      %shift_left3A_481 = arith.shli %and3A_478, %shift_left3A_480 : vector<16xi32>
      %or3A_482 = arith.ori %and3A_475, %shift_left3A_481 : vector<16xi32>
      %shift_right_arithmetic3A_483 = arith.constant 6 : i32
      %shift_right_arithmetic3A_484 = vector.broadcast %shift_right_arithmetic3A_483 : i32 to vector<16xi32>
      %shift_right_arithmetic3A_485 = arith.shrsi %get3A_472, %shift_right_arithmetic3A_484 : vector<16xi32>
      %and3A_486 = arith.constant 63 : i32
      %and3A_487 = vector.broadcast %and3A_486 : i32 to vector<16xi32>
      %and3A_488 = arith.andi %shift_right_arithmetic3A_485, %and3A_487 : vector<16xi32>
      %or3A_489 = arith.ori %or3A_482, %and3A_488 : vector<16xi32>
      %gather3A_490 = tpu.vector_load_idx %arg6[%or3A_489] : memref<102400xi32, #tpu.memory_space<vmem>>[vector<16xi32>], vector<16xi32>,
      %shift_left3A_491 = arith.shli %gather3A_490, %broadcast_in_dim3A_13 : vector<16xi32>
      %bitcast3A_492 = vector.bitcast %shift_left3A_491 : vector<16xi32> to vector<16xf32>
      %and3A_493 = arith.andi %gather3A_490, %broadcast_in_dim3A_11 : vector<16xi32>
      %bitcast3A_494 = vector.bitcast %and3A_493 : vector<16xi32> to vector<16xf32>
      %add3A_495 = arith.addf %add3A_466, %bitcast3A_492 : vector<16xf32>
      %add3A_496 = arith.addf %add3A_467, %bitcast3A_494 : vector<16xf32>
      %scan3A_497 = arith.constant 6 : i32
      %scan3A_498 = arith.addi %scan3A_328, %scan3A_497 : i32
      %get3A_499 = arith.index_cast %scan3A_498 : i32 to index
      %get3A_500 = arith.constant 48 : index
      %get3A_501 = tpu.vector_load %arg7[%get3A_499, %get3A_500] {strides = array<i32>} : memref<200x128xi32, #tpu.memory_space<vmem>>, vector<16xi32>,
      %and3A_502 = arith.constant -4096 : i32
      %and3A_503 = vector.broadcast %and3A_502 : i32 to vector<16xi32>
      %and3A_504 = arith.andi %get3A_501, %and3A_503 : vector<16xi32>
      %and3A_505 = arith.constant 63 : i32
      %and3A_506 = vector.broadcast %and3A_505 : i32 to vector<16xi32>
      %and3A_507 = arith.andi %get3A_501, %and3A_506 : vector<16xi32>
      %shift_left3A_508 = arith.constant 6 : i32
      %shift_left3A_509 = vector.broadcast %shift_left3A_508 : i32 to vector<16xi32>
      %shift_left3A_510 = arith.shli %and3A_507, %shift_left3A_509 : vector<16xi32>
      %or3A_511 = arith.ori %and3A_504, %shift_left3A_510 : vector<16xi32>
      %shift_right_arithmetic3A_512 = arith.constant 6 : i32
      %shift_right_arithmetic3A_513 = vector.broadcast %shift_right_arithmetic3A_512 : i32 to vector<16xi32>
      %shift_right_arithmetic3A_514 = arith.shrsi %get3A_501, %shift_right_arithmetic3A_513 : vector<16xi32>
      %and3A_515 = arith.constant 63 : i32
      %and3A_516 = vector.broadcast %and3A_515 : i32 to vector<16xi32>
      %and3A_517 = arith.andi %shift_right_arithmetic3A_514, %and3A_516 : vector<16xi32>
      %or3A_518 = arith.ori %or3A_511, %and3A_517 : vector<16xi32>
      %gather3A_519 = tpu.vector_load_idx %arg6[%or3A_518] : memref<102400xi32, #tpu.memory_space<vmem>>[vector<16xi32>], vector<16xi32>,
      %shift_left3A_520 = arith.shli %gather3A_519, %broadcast_in_dim3A_13 : vector<16xi32>
      %bitcast3A_521 = vector.bitcast %shift_left3A_520 : vector<16xi32> to vector<16xf32>
      %and3A_522 = arith.andi %gather3A_519, %broadcast_in_dim3A_11 : vector<16xi32>
      %bitcast3A_523 = vector.bitcast %and3A_522 : vector<16xi32> to vector<16xf32>
      %add3A_524 = arith.addf %add3A_495, %bitcast3A_521 : vector<16xf32>
      %add3A_525 = arith.addf %add3A_496, %bitcast3A_523 : vector<16xf32>
      %scan3A_526 = arith.constant 7 : i32
      %scan3A_527 = arith.addi %scan3A_328, %scan3A_526 : i32
      %get3A_528 = arith.index_cast %scan3A_527 : i32 to index
      %get3A_529 = arith.constant 48 : index
      %get3A_530 = tpu.vector_load %arg7[%get3A_528, %get3A_529] {strides = array<i32>} : memref<200x128xi32, #tpu.memory_space<vmem>>, vector<16xi32>,
      %and3A_531 = arith.constant -4096 : i32
      %and3A_532 = vector.broadcast %and3A_531 : i32 to vector<16xi32>
      %and3A_533 = arith.andi %get3A_530, %and3A_532 : vector<16xi32>
      %and3A_534 = arith.constant 63 : i32
      %and3A_535 = vector.broadcast %and3A_534 : i32 to vector<16xi32>
      %and3A_536 = arith.andi %get3A_530, %and3A_535 : vector<16xi32>
      %shift_left3A_537 = arith.constant 6 : i32
      %shift_left3A_538 = vector.broadcast %shift_left3A_537 : i32 to vector<16xi32>
      %shift_left3A_539 = arith.shli %and3A_536, %shift_left3A_538 : vector<16xi32>
      %or3A_540 = arith.ori %and3A_533, %shift_left3A_539 : vector<16xi32>
      %shift_right_arithmetic3A_541 = arith.constant 6 : i32
      %shift_right_arithmetic3A_542 = vector.broadcast %shift_right_arithmetic3A_541 : i32 to vector<16xi32>
      %shift_right_arithmetic3A_543 = arith.shrsi %get3A_530, %shift_right_arithmetic3A_542 : vector<16xi32>
      %and3A_544 = arith.constant 63 : i32
      %and3A_545 = vector.broadcast %and3A_544 : i32 to vector<16xi32>
      %and3A_546 = arith.andi %shift_right_arithmetic3A_543, %and3A_545 : vector<16xi32>
      %or3A_547 = arith.ori %or3A_540, %and3A_546 : vector<16xi32>
      %gather3A_548 = tpu.vector_load_idx %arg6[%or3A_547] : memref<102400xi32, #tpu.memory_space<vmem>>[vector<16xi32>], vector<16xi32>,
      %shift_left3A_549 = arith.shli %gather3A_548, %broadcast_in_dim3A_13 : vector<16xi32>
      %bitcast3A_550 = vector.bitcast %shift_left3A_549 : vector<16xi32> to vector<16xf32>
      %and3A_551 = arith.andi %gather3A_548, %broadcast_in_dim3A_11 : vector<16xi32>
      %bitcast3A_552 = vector.bitcast %and3A_551 : vector<16xi32> to vector<16xf32>
      %add3A_553 = arith.addf %add3A_524, %bitcast3A_550 : vector<16xf32>
      %add3A_554 = arith.addf %add3A_525, %bitcast3A_552 : vector<16xf32>
      scf.yield %add3A_553, %add3A_554 : vector<16xf32>, vector<16xf32>
    }
    %scan3A_133 = arith.constant 200 : i32
    %get3A_134 = arith.constant 0 : i32
    %get3A_135 = arith.index_cast %get3A_134 : i32 to index
    %get3A_136 = arith.constant 0 : index
    %get3A_137 = tpu.vector_load %arg8[%get3A_135, %get3A_136] {strides = array<i32>} : memref<2x16xf32, #tpu.memory_space<vmem>>, vector<16xf32>,
    %add3A_138 = arith.addf %scan3A_132#0, %get3A_137 : vector<16xf32>
    %get3A_139 = arith.constant 1 : i32
    %get3A_140 = arith.index_cast %get3A_139 : i32 to index
    %get3A_141 = arith.constant 0 : index
    %get3A_142 = tpu.vector_load %arg8[%get3A_140, %get3A_141] {strides = array<i32>} : memref<2x16xf32, #tpu.memory_space<vmem>>, vector<16xf32>,
    %add3A_143 = arith.addf %scan3A_132#1, %get3A_142 : vector<16xf32>
    %neg3A_144 = arith.constant 0.000000e+00 : f32
    %neg3A_145 = vector.broadcast %neg3A_144 : f32 to vector<16xf32>
    %neg3A_146 = arith.subf %neg3A_145, %add3A_138 : vector<16xf32>
    %exp3A_147 = math.exp %neg3A_146 : vector<16xf32>
    %add3A_148 = arith.constant 1.000000e+00 : f32
    %add3A_149 = vector.broadcast %add3A_148 : f32 to vector<16xf32>
    %add3A_150 = arith.addf %add3A_149, %exp3A_147 : vector<16xf32>
    %div3A_151 = arith.constant 1.000000e+00 : f32
    %div3A_152 = vector.broadcast %div3A_151 : f32 to vector<16xf32>
    %div3A_153 = arith.divf %div3A_152, %add3A_150 : vector<16xf32>
    %swap3A_154 = arith.constant 48 : index
    %swap3A_155 = tpu.vector_load %arg9[%swap3A_154] {strides = array<i32>} : memref<256xf32, #tpu.memory_space<vmem>>, vector<16xf32>,
    tpu.vector_store %arg9[%swap3A_154], %div3A_153 {strides = array<i32>} : memref<256xf32, #tpu.memory_space<vmem>>, vector<16xf32>,
    %neg3A_156 = arith.constant 0.000000e+00 : f32
    %neg3A_157 = vector.broadcast %neg3A_156 : f32 to vector<16xf32>
    %neg3A_158 = arith.subf %neg3A_157, %add3A_143 : vector<16xf32>
    %exp3A_159 = math.exp %neg3A_158 : vector<16xf32>
    %add3A_160 = arith.constant 1.000000e+00 : f32
    %add3A_161 = vector.broadcast %add3A_160 : f32 to vector<16xf32>
    %add3A_162 = arith.addf %add3A_161, %exp3A_159 : vector<16xf32>
    %div3A_163 = arith.constant 1.000000e+00 : f32
    %div3A_164 = vector.broadcast %div3A_163 : f32 to vector<16xf32>
    %div3A_165 = arith.divf %div3A_164, %add3A_162 : vector<16xf32>
    %swap3A_166 = arith.constant 176 : index
    %swap3A_167 = tpu.vector_load %arg9[%swap3A_166] {strides = array<i32>} : memref<256xf32, #tpu.memory_space<vmem>>, vector<16xf32>,
    tpu.vector_store %arg9[%swap3A_166], %div3A_165 {strides = array<i32>} : memref<256xf32, #tpu.memory_space<vmem>>, vector<16xf32>,
    %scan3A_168 = arith.constant 0 : i32
    %scan3A_169 = arith.constant 200 : i32
    %scan3A_170 = arith.addi %scan3A_168, %scan3A_169 : i32
    %scan3A_171 = arith.constant 8 : i32
    %scan3A_172:2 = scf.for %scan3A_328 = %scan3A_168 to %scan3A_170 step %scan3A_171 iter_args(%scan3A_329 = %broadcast_in_dim3A_9, %scan3A_330 = %broadcast_in_dim3A_9) -> (vector<16xf32>, vector<16xf32>)  : i32 {
      %get3A_331 = arith.index_cast %scan3A_328 : i32 to index
      %get3A_332 = arith.constant 64 : index
      %get3A_333 = tpu.vector_load %arg7[%get3A_331, %get3A_332] {strides = array<i32>} : memref<200x128xi32, #tpu.memory_space<vmem>>, vector<16xi32>,
      %and3A = arith.constant -4096 : i32
      %and3A_334 = vector.broadcast %and3A : i32 to vector<16xi32>
      %and3A_335 = arith.andi %get3A_333, %and3A_334 : vector<16xi32>
      %and3A_336 = arith.constant 63 : i32
      %and3A_337 = vector.broadcast %and3A_336 : i32 to vector<16xi32>
      %and3A_338 = arith.andi %get3A_333, %and3A_337 : vector<16xi32>
      %shift_left3A = arith.constant 6 : i32
      %shift_left3A_339 = vector.broadcast %shift_left3A : i32 to vector<16xi32>
      %shift_left3A_340 = arith.shli %and3A_338, %shift_left3A_339 : vector<16xi32>
      %or3A = arith.ori %and3A_335, %shift_left3A_340 : vector<16xi32>
      %shift_right_arithmetic3A = arith.constant 6 : i32
      %shift_right_arithmetic3A_341 = vector.broadcast %shift_right_arithmetic3A : i32 to vector<16xi32>
      %shift_right_arithmetic3A_342 = arith.shrsi %get3A_333, %shift_right_arithmetic3A_341 : vector<16xi32>
      %and3A_343 = arith.constant 63 : i32
      %and3A_344 = vector.broadcast %and3A_343 : i32 to vector<16xi32>
      %and3A_345 = arith.andi %shift_right_arithmetic3A_342, %and3A_344 : vector<16xi32>
      %or3A_346 = arith.ori %or3A, %and3A_345 : vector<16xi32>
      %gather3A = tpu.vector_load_idx %arg6[%or3A_346] : memref<102400xi32, #tpu.memory_space<vmem>>[vector<16xi32>], vector<16xi32>,
      %shift_left3A_347 = arith.shli %gather3A, %broadcast_in_dim3A_13 : vector<16xi32>
      %bitcast3A = vector.bitcast %shift_left3A_347 : vector<16xi32> to vector<16xf32>
      %and3A_348 = arith.andi %gather3A, %broadcast_in_dim3A_11 : vector<16xi32>
      %bitcast3A_349 = vector.bitcast %and3A_348 : vector<16xi32> to vector<16xf32>
      %add3A_350 = arith.addf %scan3A_329, %bitcast3A : vector<16xf32>
      %add3A_351 = arith.addf %scan3A_330, %bitcast3A_349 : vector<16xf32>
      %scan3A_352 = arith.constant 1 : i32
      %scan3A_353 = arith.addi %scan3A_328, %scan3A_352 : i32
      %get3A_354 = arith.index_cast %scan3A_353 : i32 to index
      %get3A_355 = arith.constant 64 : index
      %get3A_356 = tpu.vector_load %arg7[%get3A_354, %get3A_355] {strides = array<i32>} : memref<200x128xi32, #tpu.memory_space<vmem>>, vector<16xi32>,
      %and3A_357 = arith.constant -4096 : i32
      %and3A_358 = vector.broadcast %and3A_357 : i32 to vector<16xi32>
      %and3A_359 = arith.andi %get3A_356, %and3A_358 : vector<16xi32>
      %and3A_360 = arith.constant 63 : i32
      %and3A_361 = vector.broadcast %and3A_360 : i32 to vector<16xi32>
      %and3A_362 = arith.andi %get3A_356, %and3A_361 : vector<16xi32>
      %shift_left3A_363 = arith.constant 6 : i32
      %shift_left3A_364 = vector.broadcast %shift_left3A_363 : i32 to vector<16xi32>
      %shift_left3A_365 = arith.shli %and3A_362, %shift_left3A_364 : vector<16xi32>
      %or3A_366 = arith.ori %and3A_359, %shift_left3A_365 : vector<16xi32>
      %shift_right_arithmetic3A_367 = arith.constant 6 : i32
      %shift_right_arithmetic3A_368 = vector.broadcast %shift_right_arithmetic3A_367 : i32 to vector<16xi32>
      %shift_right_arithmetic3A_369 = arith.shrsi %get3A_356, %shift_right_arithmetic3A_368 : vector<16xi32>
      %and3A_370 = arith.constant 63 : i32
      %and3A_371 = vector.broadcast %and3A_370 : i32 to vector<16xi32>
      %and3A_372 = arith.andi %shift_right_arithmetic3A_369, %and3A_371 : vector<16xi32>
      %or3A_373 = arith.ori %or3A_366, %and3A_372 : vector<16xi32>
      %gather3A_374 = tpu.vector_load_idx %arg6[%or3A_373] : memref<102400xi32, #tpu.memory_space<vmem>>[vector<16xi32>], vector<16xi32>,
      %shift_left3A_375 = arith.shli %gather3A_374, %broadcast_in_dim3A_13 : vector<16xi32>
      %bitcast3A_376 = vector.bitcast %shift_left3A_375 : vector<16xi32> to vector<16xf32>
      %and3A_377 = arith.andi %gather3A_374, %broadcast_in_dim3A_11 : vector<16xi32>
      %bitcast3A_378 = vector.bitcast %and3A_377 : vector<16xi32> to vector<16xf32>
      %add3A_379 = arith.addf %add3A_350, %bitcast3A_376 : vector<16xf32>
      %add3A_380 = arith.addf %add3A_351, %bitcast3A_378 : vector<16xf32>
      %scan3A_381 = arith.constant 2 : i32
      %scan3A_382 = arith.addi %scan3A_328, %scan3A_381 : i32
      %get3A_383 = arith.index_cast %scan3A_382 : i32 to index
      %get3A_384 = arith.constant 64 : index
      %get3A_385 = tpu.vector_load %arg7[%get3A_383, %get3A_384] {strides = array<i32>} : memref<200x128xi32, #tpu.memory_space<vmem>>, vector<16xi32>,
      %and3A_386 = arith.constant -4096 : i32
      %and3A_387 = vector.broadcast %and3A_386 : i32 to vector<16xi32>
      %and3A_388 = arith.andi %get3A_385, %and3A_387 : vector<16xi32>
      %and3A_389 = arith.constant 63 : i32
      %and3A_390 = vector.broadcast %and3A_389 : i32 to vector<16xi32>
      %and3A_391 = arith.andi %get3A_385, %and3A_390 : vector<16xi32>
      %shift_left3A_392 = arith.constant 6 : i32
      %shift_left3A_393 = vector.broadcast %shift_left3A_392 : i32 to vector<16xi32>
      %shift_left3A_394 = arith.shli %and3A_391, %shift_left3A_393 : vector<16xi32>
      %or3A_395 = arith.ori %and3A_388, %shift_left3A_394 : vector<16xi32>
      %shift_right_arithmetic3A_396 = arith.constant 6 : i32
      %shift_right_arithmetic3A_397 = vector.broadcast %shift_right_arithmetic3A_396 : i32 to vector<16xi32>
      %shift_right_arithmetic3A_398 = arith.shrsi %get3A_385, %shift_right_arithmetic3A_397 : vector<16xi32>
      %and3A_399 = arith.constant 63 : i32
      %and3A_400 = vector.broadcast %and3A_399 : i32 to vector<16xi32>
      %and3A_401 = arith.andi %shift_right_arithmetic3A_398, %and3A_400 : vector<16xi32>
      %or3A_402 = arith.ori %or3A_395, %and3A_401 : vector<16xi32>
      %gather3A_403 = tpu.vector_load_idx %arg6[%or3A_402] : memref<102400xi32, #tpu.memory_space<vmem>>[vector<16xi32>], vector<16xi32>,
      %shift_left3A_404 = arith.shli %gather3A_403, %broadcast_in_dim3A_13 : vector<16xi32>
      %bitcast3A_405 = vector.bitcast %shift_left3A_404 : vector<16xi32> to vector<16xf32>
      %and3A_406 = arith.andi %gather3A_403, %broadcast_in_dim3A_11 : vector<16xi32>
      %bitcast3A_407 = vector.bitcast %and3A_406 : vector<16xi32> to vector<16xf32>
      %add3A_408 = arith.addf %add3A_379, %bitcast3A_405 : vector<16xf32>
      %add3A_409 = arith.addf %add3A_380, %bitcast3A_407 : vector<16xf32>
      %scan3A_410 = arith.constant 3 : i32
      %scan3A_411 = arith.addi %scan3A_328, %scan3A_410 : i32
      %get3A_412 = arith.index_cast %scan3A_411 : i32 to index
      %get3A_413 = arith.constant 64 : index
      %get3A_414 = tpu.vector_load %arg7[%get3A_412, %get3A_413] {strides = array<i32>} : memref<200x128xi32, #tpu.memory_space<vmem>>, vector<16xi32>,
      %and3A_415 = arith.constant -4096 : i32
      %and3A_416 = vector.broadcast %and3A_415 : i32 to vector<16xi32>
      %and3A_417 = arith.andi %get3A_414, %and3A_416 : vector<16xi32>
      %and3A_418 = arith.constant 63 : i32
      %and3A_419 = vector.broadcast %and3A_418 : i32 to vector<16xi32>
      %and3A_420 = arith.andi %get3A_414, %and3A_419 : vector<16xi32>
      %shift_left3A_421 = arith.constant 6 : i32
      %shift_left3A_422 = vector.broadcast %shift_left3A_421 : i32 to vector<16xi32>
      %shift_left3A_423 = arith.shli %and3A_420, %shift_left3A_422 : vector<16xi32>
      %or3A_424 = arith.ori %and3A_417, %shift_left3A_423 : vector<16xi32>
      %shift_right_arithmetic3A_425 = arith.constant 6 : i32
      %shift_right_arithmetic3A_426 = vector.broadcast %shift_right_arithmetic3A_425 : i32 to vector<16xi32>
      %shift_right_arithmetic3A_427 = arith.shrsi %get3A_414, %shift_right_arithmetic3A_426 : vector<16xi32>
      %and3A_428 = arith.constant 63 : i32
      %and3A_429 = vector.broadcast %and3A_428 : i32 to vector<16xi32>
      %and3A_430 = arith.andi %shift_right_arithmetic3A_427, %and3A_429 : vector<16xi32>
      %or3A_431 = arith.ori %or3A_424, %and3A_430 : vector<16xi32>
      %gather3A_432 = tpu.vector_load_idx %arg6[%or3A_431] : memref<102400xi32, #tpu.memory_space<vmem>>[vector<16xi32>], vector<16xi32>,
      %shift_left3A_433 = arith.shli %gather3A_432, %broadcast_in_dim3A_13 : vector<16xi32>
      %bitcast3A_434 = vector.bitcast %shift_left3A_433 : vector<16xi32> to vector<16xf32>
      %and3A_435 = arith.andi %gather3A_432, %broadcast_in_dim3A_11 : vector<16xi32>
      %bitcast3A_436 = vector.bitcast %and3A_435 : vector<16xi32> to vector<16xf32>
      %add3A_437 = arith.addf %add3A_408, %bitcast3A_434 : vector<16xf32>
      %add3A_438 = arith.addf %add3A_409, %bitcast3A_436 : vector<16xf32>
      %scan3A_439 = arith.constant 4 : i32
      %scan3A_440 = arith.addi %scan3A_328, %scan3A_439 : i32
      %get3A_441 = arith.index_cast %scan3A_440 : i32 to index
      %get3A_442 = arith.constant 64 : index
      %get3A_443 = tpu.vector_load %arg7[%get3A_441, %get3A_442] {strides = array<i32>} : memref<200x128xi32, #tpu.memory_space<vmem>>, vector<16xi32>,
      %and3A_444 = arith.constant -4096 : i32
      %and3A_445 = vector.broadcast %and3A_444 : i32 to vector<16xi32>
      %and3A_446 = arith.andi %get3A_443, %and3A_445 : vector<16xi32>
      %and3A_447 = arith.constant 63 : i32
      %and3A_448 = vector.broadcast %and3A_447 : i32 to vector<16xi32>
      %and3A_449 = arith.andi %get3A_443, %and3A_448 : vector<16xi32>
      %shift_left3A_450 = arith.constant 6 : i32
      %shift_left3A_451 = vector.broadcast %shift_left3A_450 : i32 to vector<16xi32>
      %shift_left3A_452 = arith.shli %and3A_449, %shift_left3A_451 : vector<16xi32>
      %or3A_453 = arith.ori %and3A_446, %shift_left3A_452 : vector<16xi32>
      %shift_right_arithmetic3A_454 = arith.constant 6 : i32
      %shift_right_arithmetic3A_455 = vector.broadcast %shift_right_arithmetic3A_454 : i32 to vector<16xi32>
      %shift_right_arithmetic3A_456 = arith.shrsi %get3A_443, %shift_right_arithmetic3A_455 : vector<16xi32>
      %and3A_457 = arith.constant 63 : i32
      %and3A_458 = vector.broadcast %and3A_457 : i32 to vector<16xi32>
      %and3A_459 = arith.andi %shift_right_arithmetic3A_456, %and3A_458 : vector<16xi32>
      %or3A_460 = arith.ori %or3A_453, %and3A_459 : vector<16xi32>
      %gather3A_461 = tpu.vector_load_idx %arg6[%or3A_460] : memref<102400xi32, #tpu.memory_space<vmem>>[vector<16xi32>], vector<16xi32>,
      %shift_left3A_462 = arith.shli %gather3A_461, %broadcast_in_dim3A_13 : vector<16xi32>
      %bitcast3A_463 = vector.bitcast %shift_left3A_462 : vector<16xi32> to vector<16xf32>
      %and3A_464 = arith.andi %gather3A_461, %broadcast_in_dim3A_11 : vector<16xi32>
      %bitcast3A_465 = vector.bitcast %and3A_464 : vector<16xi32> to vector<16xf32>
      %add3A_466 = arith.addf %add3A_437, %bitcast3A_463 : vector<16xf32>
      %add3A_467 = arith.addf %add3A_438, %bitcast3A_465 : vector<16xf32>
      %scan3A_468 = arith.constant 5 : i32
      %scan3A_469 = arith.addi %scan3A_328, %scan3A_468 : i32
      %get3A_470 = arith.index_cast %scan3A_469 : i32 to index
      %get3A_471 = arith.constant 64 : index
      %get3A_472 = tpu.vector_load %arg7[%get3A_470, %get3A_471] {strides = array<i32>} : memref<200x128xi32, #tpu.memory_space<vmem>>, vector<16xi32>,
      %and3A_473 = arith.constant -4096 : i32
      %and3A_474 = vector.broadcast %and3A_473 : i32 to vector<16xi32>
      %and3A_475 = arith.andi %get3A_472, %and3A_474 : vector<16xi32>
      %and3A_476 = arith.constant 63 : i32
      %and3A_477 = vector.broadcast %and3A_476 : i32 to vector<16xi32>
      %and3A_478 = arith.andi %get3A_472, %and3A_477 : vector<16xi32>
      %shift_left3A_479 = arith.constant 6 : i32
      %shift_left3A_480 = vector.broadcast %shift_left3A_479 : i32 to vector<16xi32>
      %shift_left3A_481 = arith.shli %and3A_478, %shift_left3A_480 : vector<16xi32>
      %or3A_482 = arith.ori %and3A_475, %shift_left3A_481 : vector<16xi32>
      %shift_right_arithmetic3A_483 = arith.constant 6 : i32
      %shift_right_arithmetic3A_484 = vector.broadcast %shift_right_arithmetic3A_483 : i32 to vector<16xi32>
      %shift_right_arithmetic3A_485 = arith.shrsi %get3A_472, %shift_right_arithmetic3A_484 : vector<16xi32>
      %and3A_486 = arith.constant 63 : i32
      %and3A_487 = vector.broadcast %and3A_486 : i32 to vector<16xi32>
      %and3A_488 = arith.andi %shift_right_arithmetic3A_485, %and3A_487 : vector<16xi32>
      %or3A_489 = arith.ori %or3A_482, %and3A_488 : vector<16xi32>
      %gather3A_490 = tpu.vector_load_idx %arg6[%or3A_489] : memref<102400xi32, #tpu.memory_space<vmem>>[vector<16xi32>], vector<16xi32>,
      %shift_left3A_491 = arith.shli %gather3A_490, %broadcast_in_dim3A_13 : vector<16xi32>
      %bitcast3A_492 = vector.bitcast %shift_left3A_491 : vector<16xi32> to vector<16xf32>
      %and3A_493 = arith.andi %gather3A_490, %broadcast_in_dim3A_11 : vector<16xi32>
      %bitcast3A_494 = vector.bitcast %and3A_493 : vector<16xi32> to vector<16xf32>
      %add3A_495 = arith.addf %add3A_466, %bitcast3A_492 : vector<16xf32>
      %add3A_496 = arith.addf %add3A_467, %bitcast3A_494 : vector<16xf32>
      %scan3A_497 = arith.constant 6 : i32
      %scan3A_498 = arith.addi %scan3A_328, %scan3A_497 : i32
      %get3A_499 = arith.index_cast %scan3A_498 : i32 to index
      %get3A_500 = arith.constant 64 : index
      %get3A_501 = tpu.vector_load %arg7[%get3A_499, %get3A_500] {strides = array<i32>} : memref<200x128xi32, #tpu.memory_space<vmem>>, vector<16xi32>,
      %and3A_502 = arith.constant -4096 : i32
      %and3A_503 = vector.broadcast %and3A_502 : i32 to vector<16xi32>
      %and3A_504 = arith.andi %get3A_501, %and3A_503 : vector<16xi32>
      %and3A_505 = arith.constant 63 : i32
      %and3A_506 = vector.broadcast %and3A_505 : i32 to vector<16xi32>
      %and3A_507 = arith.andi %get3A_501, %and3A_506 : vector<16xi32>
      %shift_left3A_508 = arith.constant 6 : i32
      %shift_left3A_509 = vector.broadcast %shift_left3A_508 : i32 to vector<16xi32>
      %shift_left3A_510 = arith.shli %and3A_507, %shift_left3A_509 : vector<16xi32>
      %or3A_511 = arith.ori %and3A_504, %shift_left3A_510 : vector<16xi32>
      %shift_right_arithmetic3A_512 = arith.constant 6 : i32
      %shift_right_arithmetic3A_513 = vector.broadcast %shift_right_arithmetic3A_512 : i32 to vector<16xi32>
      %shift_right_arithmetic3A_514 = arith.shrsi %get3A_501, %shift_right_arithmetic3A_513 : vector<16xi32>
      %and3A_515 = arith.constant 63 : i32
      %and3A_516 = vector.broadcast %and3A_515 : i32 to vector<16xi32>
      %and3A_517 = arith.andi %shift_right_arithmetic3A_514, %and3A_516 : vector<16xi32>
      %or3A_518 = arith.ori %or3A_511, %and3A_517 : vector<16xi32>
      %gather3A_519 = tpu.vector_load_idx %arg6[%or3A_518] : memref<102400xi32, #tpu.memory_space<vmem>>[vector<16xi32>], vector<16xi32>,
      %shift_left3A_520 = arith.shli %gather3A_519, %broadcast_in_dim3A_13 : vector<16xi32>
      %bitcast3A_521 = vector.bitcast %shift_left3A_520 : vector<16xi32> to vector<16xf32>
      %and3A_522 = arith.andi %gather3A_519, %broadcast_in_dim3A_11 : vector<16xi32>
      %bitcast3A_523 = vector.bitcast %and3A_522 : vector<16xi32> to vector<16xf32>
      %add3A_524 = arith.addf %add3A_495, %bitcast3A_521 : vector<16xf32>
      %add3A_525 = arith.addf %add3A_496, %bitcast3A_523 : vector<16xf32>
      %scan3A_526 = arith.constant 7 : i32
      %scan3A_527 = arith.addi %scan3A_328, %scan3A_526 : i32
      %get3A_528 = arith.index_cast %scan3A_527 : i32 to index
      %get3A_529 = arith.constant 64 : index
      %get3A_530 = tpu.vector_load %arg7[%get3A_528, %get3A_529] {strides = array<i32>} : memref<200x128xi32, #tpu.memory_space<vmem>>, vector<16xi32>,
      %and3A_531 = arith.constant -4096 : i32
      %and3A_532 = vector.broadcast %and3A_531 : i32 to vector<16xi32>
      %and3A_533 = arith.andi %get3A_530, %and3A_532 : vector<16xi32>
      %and3A_534 = arith.constant 63 : i32
      %and3A_535 = vector.broadcast %and3A_534 : i32 to vector<16xi32>
      %and3A_536 = arith.andi %get3A_530, %and3A_535 : vector<16xi32>
      %shift_left3A_537 = arith.constant 6 : i32
      %shift_left3A_538 = vector.broadcast %shift_left3A_537 : i32 to vector<16xi32>
      %shift_left3A_539 = arith.shli %and3A_536, %shift_left3A_538 : vector<16xi32>
      %or3A_540 = arith.ori %and3A_533, %shift_left3A_539 : vector<16xi32>
      %shift_right_arithmetic3A_541 = arith.constant 6 : i32
      %shift_right_arithmetic3A_542 = vector.broadcast %shift_right_arithmetic3A_541 : i32 to vector<16xi32>
      %shift_right_arithmetic3A_543 = arith.shrsi %get3A_530, %shift_right_arithmetic3A_542 : vector<16xi32>
      %and3A_544 = arith.constant 63 : i32
      %and3A_545 = vector.broadcast %and3A_544 : i32 to vector<16xi32>
      %and3A_546 = arith.andi %shift_right_arithmetic3A_543, %and3A_545 : vector<16xi32>
      %or3A_547 = arith.ori %or3A_540, %and3A_546 : vector<16xi32>
      %gather3A_548 = tpu.vector_load_idx %arg6[%or3A_547] : memref<102400xi32, #tpu.memory_space<vmem>>[vector<16xi32>], vector<16xi32>,
      %shift_left3A_549 = arith.shli %gather3A_548, %broadcast_in_dim3A_13 : vector<16xi32>
      %bitcast3A_550 = vector.bitcast %shift_left3A_549 : vector<16xi32> to vector<16xf32>
      %and3A_551 = arith.andi %gather3A_548, %broadcast_in_dim3A_11 : vector<16xi32>
      %bitcast3A_552 = vector.bitcast %and3A_551 : vector<16xi32> to vector<16xf32>
      %add3A_553 = arith.addf %add3A_524, %bitcast3A_550 : vector<16xf32>
      %add3A_554 = arith.addf %add3A_525, %bitcast3A_552 : vector<16xf32>
      scf.yield %add3A_553, %add3A_554 : vector<16xf32>, vector<16xf32>
    }
    %scan3A_173 = arith.constant 200 : i32
    %get3A_174 = arith.constant 0 : i32
    %get3A_175 = arith.index_cast %get3A_174 : i32 to index
    %get3A_176 = arith.constant 0 : index
    %get3A_177 = tpu.vector_load %arg8[%get3A_175, %get3A_176] {strides = array<i32>} : memref<2x16xf32, #tpu.memory_space<vmem>>, vector<16xf32>,
    %add3A_178 = arith.addf %scan3A_172#0, %get3A_177 : vector<16xf32>
    %get3A_179 = arith.constant 1 : i32
    %get3A_180 = arith.index_cast %get3A_179 : i32 to index
    %get3A_181 = arith.constant 0 : index
    %get3A_182 = tpu.vector_load %arg8[%get3A_180, %get3A_181] {strides = array<i32>} : memref<2x16xf32, #tpu.memory_space<vmem>>, vector<16xf32>,
    %add3A_183 = arith.addf %scan3A_172#1, %get3A_182 : vector<16xf32>
    %neg3A_184 = arith.constant 0.000000e+00 : f32
    %neg3A_185 = vector.broadcast %neg3A_184 : f32 to vector<16xf32>
    %neg3A_186 = arith.subf %neg3A_185, %add3A_178 : vector<16xf32>
    %exp3A_187 = math.exp %neg3A_186 : vector<16xf32>
    %add3A_188 = arith.constant 1.000000e+00 : f32
    %add3A_189 = vector.broadcast %add3A_188 : f32 to vector<16xf32>
    %add3A_190 = arith.addf %add3A_189, %exp3A_187 : vector<16xf32>
    %div3A_191 = arith.constant 1.000000e+00 : f32
    %div3A_192 = vector.broadcast %div3A_191 : f32 to vector<16xf32>
    %div3A_193 = arith.divf %div3A_192, %add3A_190 : vector<16xf32>
    %swap3A_194 = arith.constant 64 : index
    %swap3A_195 = tpu.vector_load %arg9[%swap3A_194] {strides = array<i32>} : memref<256xf32, #tpu.memory_space<vmem>>, vector<16xf32>,
    tpu.vector_store %arg9[%swap3A_194], %div3A_193 {strides = array<i32>} : memref<256xf32, #tpu.memory_space<vmem>>, vector<16xf32>,
    %neg3A_196 = arith.constant 0.000000e+00 : f32
    %neg3A_197 = vector.broadcast %neg3A_196 : f32 to vector<16xf32>
    %neg3A_198 = arith.subf %neg3A_197, %add3A_183 : vector<16xf32>
    %exp3A_199 = math.exp %neg3A_198 : vector<16xf32>
    %add3A_200 = arith.constant 1.000000e+00 : f32
    %add3A_201 = vector.broadcast %add3A_200 : f32 to vector<16xf32>
    %add3A_202 = arith.addf %add3A_201, %exp3A_199 : vector<16xf32>
    %div3A_203 = arith.constant 1.000000e+00 : f32
    %div3A_204 = vector.broadcast %div3A_203 : f32 to vector<16xf32>
    %div3A_205 = arith.divf %div3A_204, %add3A_202 : vector<16xf32>
    %swap3A_206 = arith.constant 192 : index
    %swap3A_207 = tpu.vector_load %arg9[%swap3A_206] {strides = array<i32>} : memref<256xf32, #tpu.memory_space<vmem>>, vector<16xf32>,
    tpu.vector_store %arg9[%swap3A_206], %div3A_205 {strides = array<i32>} : memref<256xf32, #tpu.memory_space<vmem>>, vector<16xf32>,
    %scan3A_208 = arith.constant 0 : i32
    %scan3A_209 = arith.constant 200 : i32
    %scan3A_210 = arith.addi %scan3A_208, %scan3A_209 : i32
    %scan3A_211 = arith.constant 8 : i32
    %scan3A_212:2 = scf.for %scan3A_328 = %scan3A_208 to %scan3A_210 step %scan3A_211 iter_args(%scan3A_329 = %broadcast_in_dim3A_9, %scan3A_330 = %broadcast_in_dim3A_9) -> (vector<16xf32>, vector<16xf32>)  : i32 {
      %get3A_331 = arith.index_cast %scan3A_328 : i32 to index
      %get3A_332 = arith.constant 80 : index
      %get3A_333 = tpu.vector_load %arg7[%get3A_331, %get3A_332] {strides = array<i32>} : memref<200x128xi32, #tpu.memory_space<vmem>>, vector<16xi32>,
      %and3A = arith.constant -4096 : i32
      %and3A_334 = vector.broadcast %and3A : i32 to vector<16xi32>
      %and3A_335 = arith.andi %get3A_333, %and3A_334 : vector<16xi32>
      %and3A_336 = arith.constant 63 : i32
      %and3A_337 = vector.broadcast %and3A_336 : i32 to vector<16xi32>
      %and3A_338 = arith.andi %get3A_333, %and3A_337 : vector<16xi32>
      %shift_left3A = arith.constant 6 : i32
      %shift_left3A_339 = vector.broadcast %shift_left3A : i32 to vector<16xi32>
      %shift_left3A_340 = arith.shli %and3A_338, %shift_left3A_339 : vector<16xi32>
      %or3A = arith.ori %and3A_335, %shift_left3A_340 : vector<16xi32>
      %shift_right_arithmetic3A = arith.constant 6 : i32
      %shift_right_arithmetic3A_341 = vector.broadcast %shift_right_arithmetic3A : i32 to vector<16xi32>
      %shift_right_arithmetic3A_342 = arith.shrsi %get3A_333, %shift_right_arithmetic3A_341 : vector<16xi32>
      %and3A_343 = arith.constant 63 : i32
      %and3A_344 = vector.broadcast %and3A_343 : i32 to vector<16xi32>
      %and3A_345 = arith.andi %shift_right_arithmetic3A_342, %and3A_344 : vector<16xi32>
      %or3A_346 = arith.ori %or3A, %and3A_345 : vector<16xi32>
      %gather3A = tpu.vector_load_idx %arg6[%or3A_346] : memref<102400xi32, #tpu.memory_space<vmem>>[vector<16xi32>], vector<16xi32>,
      %shift_left3A_347 = arith.shli %gather3A, %broadcast_in_dim3A_13 : vector<16xi32>
      %bitcast3A = vector.bitcast %shift_left3A_347 : vector<16xi32> to vector<16xf32>
      %and3A_348 = arith.andi %gather3A, %broadcast_in_dim3A_11 : vector<16xi32>
      %bitcast3A_349 = vector.bitcast %and3A_348 : vector<16xi32> to vector<16xf32>
      %add3A_350 = arith.addf %scan3A_329, %bitcast3A : vector<16xf32>
      %add3A_351 = arith.addf %scan3A_330, %bitcast3A_349 : vector<16xf32>
      %scan3A_352 = arith.constant 1 : i32
      %scan3A_353 = arith.addi %scan3A_328, %scan3A_352 : i32
      %get3A_354 = arith.index_cast %scan3A_353 : i32 to index
      %get3A_355 = arith.constant 80 : index
      %get3A_356 = tpu.vector_load %arg7[%get3A_354, %get3A_355] {strides = array<i32>} : memref<200x128xi32, #tpu.memory_space<vmem>>, vector<16xi32>,
      %and3A_357 = arith.constant -4096 : i32
      %and3A_358 = vector.broadcast %and3A_357 : i32 to vector<16xi32>
      %and3A_359 = arith.andi %get3A_356, %and3A_358 : vector<16xi32>
      %and3A_360 = arith.constant 63 : i32
      %and3A_361 = vector.broadcast %and3A_360 : i32 to vector<16xi32>
      %and3A_362 = arith.andi %get3A_356, %and3A_361 : vector<16xi32>
      %shift_left3A_363 = arith.constant 6 : i32
      %shift_left3A_364 = vector.broadcast %shift_left3A_363 : i32 to vector<16xi32>
      %shift_left3A_365 = arith.shli %and3A_362, %shift_left3A_364 : vector<16xi32>
      %or3A_366 = arith.ori %and3A_359, %shift_left3A_365 : vector<16xi32>
      %shift_right_arithmetic3A_367 = arith.constant 6 : i32
      %shift_right_arithmetic3A_368 = vector.broadcast %shift_right_arithmetic3A_367 : i32 to vector<16xi32>
      %shift_right_arithmetic3A_369 = arith.shrsi %get3A_356, %shift_right_arithmetic3A_368 : vector<16xi32>
      %and3A_370 = arith.constant 63 : i32
      %and3A_371 = vector.broadcast %and3A_370 : i32 to vector<16xi32>
      %and3A_372 = arith.andi %shift_right_arithmetic3A_369, %and3A_371 : vector<16xi32>
      %or3A_373 = arith.ori %or3A_366, %and3A_372 : vector<16xi32>
      %gather3A_374 = tpu.vector_load_idx %arg6[%or3A_373] : memref<102400xi32, #tpu.memory_space<vmem>>[vector<16xi32>], vector<16xi32>,
      %shift_left3A_375 = arith.shli %gather3A_374, %broadcast_in_dim3A_13 : vector<16xi32>
      %bitcast3A_376 = vector.bitcast %shift_left3A_375 : vector<16xi32> to vector<16xf32>
      %and3A_377 = arith.andi %gather3A_374, %broadcast_in_dim3A_11 : vector<16xi32>
      %bitcast3A_378 = vector.bitcast %and3A_377 : vector<16xi32> to vector<16xf32>
      %add3A_379 = arith.addf %add3A_350, %bitcast3A_376 : vector<16xf32>
      %add3A_380 = arith.addf %add3A_351, %bitcast3A_378 : vector<16xf32>
      %scan3A_381 = arith.constant 2 : i32
      %scan3A_382 = arith.addi %scan3A_328, %scan3A_381 : i32
      %get3A_383 = arith.index_cast %scan3A_382 : i32 to index
      %get3A_384 = arith.constant 80 : index
      %get3A_385 = tpu.vector_load %arg7[%get3A_383, %get3A_384] {strides = array<i32>} : memref<200x128xi32, #tpu.memory_space<vmem>>, vector<16xi32>,
      %and3A_386 = arith.constant -4096 : i32
      %and3A_387 = vector.broadcast %and3A_386 : i32 to vector<16xi32>
      %and3A_388 = arith.andi %get3A_385, %and3A_387 : vector<16xi32>
      %and3A_389 = arith.constant 63 : i32
      %and3A_390 = vector.broadcast %and3A_389 : i32 to vector<16xi32>
      %and3A_391 = arith.andi %get3A_385, %and3A_390 : vector<16xi32>
      %shift_left3A_392 = arith.constant 6 : i32
      %shift_left3A_393 = vector.broadcast %shift_left3A_392 : i32 to vector<16xi32>
      %shift_left3A_394 = arith.shli %and3A_391, %shift_left3A_393 : vector<16xi32>
      %or3A_395 = arith.ori %and3A_388, %shift_left3A_394 : vector<16xi32>
      %shift_right_arithmetic3A_396 = arith.constant 6 : i32
      %shift_right_arithmetic3A_397 = vector.broadcast %shift_right_arithmetic3A_396 : i32 to vector<16xi32>
      %shift_right_arithmetic3A_398 = arith.shrsi %get3A_385, %shift_right_arithmetic3A_397 : vector<16xi32>
      %and3A_399 = arith.constant 63 : i32
      %and3A_400 = vector.broadcast %and3A_399 : i32 to vector<16xi32>
      %and3A_401 = arith.andi %shift_right_arithmetic3A_398, %and3A_400 : vector<16xi32>
      %or3A_402 = arith.ori %or3A_395, %and3A_401 : vector<16xi32>
      %gather3A_403 = tpu.vector_load_idx %arg6[%or3A_402] : memref<102400xi32, #tpu.memory_space<vmem>>[vector<16xi32>], vector<16xi32>,
      %shift_left3A_404 = arith.shli %gather3A_403, %broadcast_in_dim3A_13 : vector<16xi32>
      %bitcast3A_405 = vector.bitcast %shift_left3A_404 : vector<16xi32> to vector<16xf32>
      %and3A_406 = arith.andi %gather3A_403, %broadcast_in_dim3A_11 : vector<16xi32>
      %bitcast3A_407 = vector.bitcast %and3A_406 : vector<16xi32> to vector<16xf32>
      %add3A_408 = arith.addf %add3A_379, %bitcast3A_405 : vector<16xf32>
      %add3A_409 = arith.addf %add3A_380, %bitcast3A_407 : vector<16xf32>
      %scan3A_410 = arith.constant 3 : i32
      %scan3A_411 = arith.addi %scan3A_328, %scan3A_410 : i32
      %get3A_412 = arith.index_cast %scan3A_411 : i32 to index
      %get3A_413 = arith.constant 80 : index
      %get3A_414 = tpu.vector_load %arg7[%get3A_412, %get3A_413] {strides = array<i32>} : memref<200x128xi32, #tpu.memory_space<vmem>>, vector<16xi32>,
      %and3A_415 = arith.constant -4096 : i32
      %and3A_416 = vector.broadcast %and3A_415 : i32 to vector<16xi32>
      %and3A_417 = arith.andi %get3A_414, %and3A_416 : vector<16xi32>
      %and3A_418 = arith.constant 63 : i32
      %and3A_419 = vector.broadcast %and3A_418 : i32 to vector<16xi32>
      %and3A_420 = arith.andi %get3A_414, %and3A_419 : vector<16xi32>
      %shift_left3A_421 = arith.constant 6 : i32
      %shift_left3A_422 = vector.broadcast %shift_left3A_421 : i32 to vector<16xi32>
      %shift_left3A_423 = arith.shli %and3A_420, %shift_left3A_422 : vector<16xi32>
      %or3A_424 = arith.ori %and3A_417, %shift_left3A_423 : vector<16xi32>
      %shift_right_arithmetic3A_425 = arith.constant 6 : i32
      %shift_right_arithmetic3A_426 = vector.broadcast %shift_right_arithmetic3A_425 : i32 to vector<16xi32>
      %shift_right_arithmetic3A_427 = arith.shrsi %get3A_414, %shift_right_arithmetic3A_426 : vector<16xi32>
      %and3A_428 = arith.constant 63 : i32
      %and3A_429 = vector.broadcast %and3A_428 : i32 to vector<16xi32>
      %and3A_430 = arith.andi %shift_right_arithmetic3A_427, %and3A_429 : vector<16xi32>
      %or3A_431 = arith.ori %or3A_424, %and3A_430 : vector<16xi32>
      %gather3A_432 = tpu.vector_load_idx %arg6[%or3A_431] : memref<102400xi32, #tpu.memory_space<vmem>>[vector<16xi32>], vector<16xi32>,
      %shift_left3A_433 = arith.shli %gather3A_432, %broadcast_in_dim3A_13 : vector<16xi32>
      %bitcast3A_434 = vector.bitcast %shift_left3A_433 : vector<16xi32> to vector<16xf32>
      %and3A_435 = arith.andi %gather3A_432, %broadcast_in_dim3A_11 : vector<16xi32>
      %bitcast3A_436 = vector.bitcast %and3A_435 : vector<16xi32> to vector<16xf32>
      %add3A_437 = arith.addf %add3A_408, %bitcast3A_434 : vector<16xf32>
      %add3A_438 = arith.addf %add3A_409, %bitcast3A_436 : vector<16xf32>
      %scan3A_439 = arith.constant 4 : i32
      %scan3A_440 = arith.addi %scan3A_328, %scan3A_439 : i32
      %get3A_441 = arith.index_cast %scan3A_440 : i32 to index
      %get3A_442 = arith.constant 80 : index
      %get3A_443 = tpu.vector_load %arg7[%get3A_441, %get3A_442] {strides = array<i32>} : memref<200x128xi32, #tpu.memory_space<vmem>>, vector<16xi32>,
      %and3A_444 = arith.constant -4096 : i32
      %and3A_445 = vector.broadcast %and3A_444 : i32 to vector<16xi32>
      %and3A_446 = arith.andi %get3A_443, %and3A_445 : vector<16xi32>
      %and3A_447 = arith.constant 63 : i32
      %and3A_448 = vector.broadcast %and3A_447 : i32 to vector<16xi32>
      %and3A_449 = arith.andi %get3A_443, %and3A_448 : vector<16xi32>
      %shift_left3A_450 = arith.constant 6 : i32
      %shift_left3A_451 = vector.broadcast %shift_left3A_450 : i32 to vector<16xi32>
      %shift_left3A_452 = arith.shli %and3A_449, %shift_left3A_451 : vector<16xi32>
      %or3A_453 = arith.ori %and3A_446, %shift_left3A_452 : vector<16xi32>
      %shift_right_arithmetic3A_454 = arith.constant 6 : i32
      %shift_right_arithmetic3A_455 = vector.broadcast %shift_right_arithmetic3A_454 : i32 to vector<16xi32>
      %shift_right_arithmetic3A_456 = arith.shrsi %get3A_443, %shift_right_arithmetic3A_455 : vector<16xi32>
      %and3A_457 = arith.constant 63 : i32
      %and3A_458 = vector.broadcast %and3A_457 : i32 to vector<16xi32>
      %and3A_459 = arith.andi %shift_right_arithmetic3A_456, %and3A_458 : vector<16xi32>
      %or3A_460 = arith.ori %or3A_453, %and3A_459 : vector<16xi32>
      %gather3A_461 = tpu.vector_load_idx %arg6[%or3A_460] : memref<102400xi32, #tpu.memory_space<vmem>>[vector<16xi32>], vector<16xi32>,
      %shift_left3A_462 = arith.shli %gather3A_461, %broadcast_in_dim3A_13 : vector<16xi32>
      %bitcast3A_463 = vector.bitcast %shift_left3A_462 : vector<16xi32> to vector<16xf32>
      %and3A_464 = arith.andi %gather3A_461, %broadcast_in_dim3A_11 : vector<16xi32>
      %bitcast3A_465 = vector.bitcast %and3A_464 : vector<16xi32> to vector<16xf32>
      %add3A_466 = arith.addf %add3A_437, %bitcast3A_463 : vector<16xf32>
      %add3A_467 = arith.addf %add3A_438, %bitcast3A_465 : vector<16xf32>
      %scan3A_468 = arith.constant 5 : i32
      %scan3A_469 = arith.addi %scan3A_328, %scan3A_468 : i32
      %get3A_470 = arith.index_cast %scan3A_469 : i32 to index
      %get3A_471 = arith.constant 80 : index
      %get3A_472 = tpu.vector_load %arg7[%get3A_470, %get3A_471] {strides = array<i32>} : memref<200x128xi32, #tpu.memory_space<vmem>>, vector<16xi32>,
      %and3A_473 = arith.constant -4096 : i32
      %and3A_474 = vector.broadcast %and3A_473 : i32 to vector<16xi32>
      %and3A_475 = arith.andi %get3A_472, %and3A_474 : vector<16xi32>
      %and3A_476 = arith.constant 63 : i32
      %and3A_477 = vector.broadcast %and3A_476 : i32 to vector<16xi32>
      %and3A_478 = arith.andi %get3A_472, %and3A_477 : vector<16xi32>
      %shift_left3A_479 = arith.constant 6 : i32
      %shift_left3A_480 = vector.broadcast %shift_left3A_479 : i32 to vector<16xi32>
      %shift_left3A_481 = arith.shli %and3A_478, %shift_left3A_480 : vector<16xi32>
      %or3A_482 = arith.ori %and3A_475, %shift_left3A_481 : vector<16xi32>
      %shift_right_arithmetic3A_483 = arith.constant 6 : i32
      %shift_right_arithmetic3A_484 = vector.broadcast %shift_right_arithmetic3A_483 : i32 to vector<16xi32>
      %shift_right_arithmetic3A_485 = arith.shrsi %get3A_472, %shift_right_arithmetic3A_484 : vector<16xi32>
      %and3A_486 = arith.constant 63 : i32
      %and3A_487 = vector.broadcast %and3A_486 : i32 to vector<16xi32>
      %and3A_488 = arith.andi %shift_right_arithmetic3A_485, %and3A_487 : vector<16xi32>
      %or3A_489 = arith.ori %or3A_482, %and3A_488 : vector<16xi32>
      %gather3A_490 = tpu.vector_load_idx %arg6[%or3A_489] : memref<102400xi32, #tpu.memory_space<vmem>>[vector<16xi32>], vector<16xi32>,
      %shift_left3A_491 = arith.shli %gather3A_490, %broadcast_in_dim3A_13 : vector<16xi32>
      %bitcast3A_492 = vector.bitcast %shift_left3A_491 : vector<16xi32> to vector<16xf32>
      %and3A_493 = arith.andi %gather3A_490, %broadcast_in_dim3A_11 : vector<16xi32>
      %bitcast3A_494 = vector.bitcast %and3A_493 : vector<16xi32> to vector<16xf32>
      %add3A_495 = arith.addf %add3A_466, %bitcast3A_492 : vector<16xf32>
      %add3A_496 = arith.addf %add3A_467, %bitcast3A_494 : vector<16xf32>
      %scan3A_497 = arith.constant 6 : i32
      %scan3A_498 = arith.addi %scan3A_328, %scan3A_497 : i32
      %get3A_499 = arith.index_cast %scan3A_498 : i32 to index
      %get3A_500 = arith.constant 80 : index
      %get3A_501 = tpu.vector_load %arg7[%get3A_499, %get3A_500] {strides = array<i32>} : memref<200x128xi32, #tpu.memory_space<vmem>>, vector<16xi32>,
      %and3A_502 = arith.constant -4096 : i32
      %and3A_503 = vector.broadcast %and3A_502 : i32 to vector<16xi32>
      %and3A_504 = arith.andi %get3A_501, %and3A_503 : vector<16xi32>
      %and3A_505 = arith.constant 63 : i32
      %and3A_506 = vector.broadcast %and3A_505 : i32 to vector<16xi32>
      %and3A_507 = arith.andi %get3A_501, %and3A_506 : vector<16xi32>
      %shift_left3A_508 = arith.constant 6 : i32
      %shift_left3A_509 = vector.broadcast %shift_left3A_508 : i32 to vector<16xi32>
      %shift_left3A_510 = arith.shli %and3A_507, %shift_left3A_509 : vector<16xi32>
      %or3A_511 = arith.ori %and3A_504, %shift_left3A_510 : vector<16xi32>
      %shift_right_arithmetic3A_512 = arith.constant 6 : i32
      %shift_right_arithmetic3A_513 = vector.broadcast %shift_right_arithmetic3A_512 : i32 to vector<16xi32>
      %shift_right_arithmetic3A_514 = arith.shrsi %get3A_501, %shift_right_arithmetic3A_513 : vector<16xi32>
      %and3A_515 = arith.constant 63 : i32
      %and3A_516 = vector.broadcast %and3A_515 : i32 to vector<16xi32>
      %and3A_517 = arith.andi %shift_right_arithmetic3A_514, %and3A_516 : vector<16xi32>
      %or3A_518 = arith.ori %or3A_511, %and3A_517 : vector<16xi32>
      %gather3A_519 = tpu.vector_load_idx %arg6[%or3A_518] : memref<102400xi32, #tpu.memory_space<vmem>>[vector<16xi32>], vector<16xi32>,
      %shift_left3A_520 = arith.shli %gather3A_519, %broadcast_in_dim3A_13 : vector<16xi32>
      %bitcast3A_521 = vector.bitcast %shift_left3A_520 : vector<16xi32> to vector<16xf32>
      %and3A_522 = arith.andi %gather3A_519, %broadcast_in_dim3A_11 : vector<16xi32>
      %bitcast3A_523 = vector.bitcast %and3A_522 : vector<16xi32> to vector<16xf32>
      %add3A_524 = arith.addf %add3A_495, %bitcast3A_521 : vector<16xf32>
      %add3A_525 = arith.addf %add3A_496, %bitcast3A_523 : vector<16xf32>
      %scan3A_526 = arith.constant 7 : i32
      %scan3A_527 = arith.addi %scan3A_328, %scan3A_526 : i32
      %get3A_528 = arith.index_cast %scan3A_527 : i32 to index
      %get3A_529 = arith.constant 80 : index
      %get3A_530 = tpu.vector_load %arg7[%get3A_528, %get3A_529] {strides = array<i32>} : memref<200x128xi32, #tpu.memory_space<vmem>>, vector<16xi32>,
      %and3A_531 = arith.constant -4096 : i32
      %and3A_532 = vector.broadcast %and3A_531 : i32 to vector<16xi32>
      %and3A_533 = arith.andi %get3A_530, %and3A_532 : vector<16xi32>
      %and3A_534 = arith.constant 63 : i32
      %and3A_535 = vector.broadcast %and3A_534 : i32 to vector<16xi32>
      %and3A_536 = arith.andi %get3A_530, %and3A_535 : vector<16xi32>
      %shift_left3A_537 = arith.constant 6 : i32
      %shift_left3A_538 = vector.broadcast %shift_left3A_537 : i32 to vector<16xi32>
      %shift_left3A_539 = arith.shli %and3A_536, %shift_left3A_538 : vector<16xi32>
      %or3A_540 = arith.ori %and3A_533, %shift_left3A_539 : vector<16xi32>
      %shift_right_arithmetic3A_541 = arith.constant 6 : i32
      %shift_right_arithmetic3A_542 = vector.broadcast %shift_right_arithmetic3A_541 : i32 to vector<16xi32>
      %shift_right_arithmetic3A_543 = arith.shrsi %get3A_530, %shift_right_arithmetic3A_542 : vector<16xi32>
      %and3A_544 = arith.constant 63 : i32
      %and3A_545 = vector.broadcast %and3A_544 : i32 to vector<16xi32>
      %and3A_546 = arith.andi %shift_right_arithmetic3A_543, %and3A_545 : vector<16xi32>
      %or3A_547 = arith.ori %or3A_540, %and3A_546 : vector<16xi32>
      %gather3A_548 = tpu.vector_load_idx %arg6[%or3A_547] : memref<102400xi32, #tpu.memory_space<vmem>>[vector<16xi32>], vector<16xi32>,
      %shift_left3A_549 = arith.shli %gather3A_548, %broadcast_in_dim3A_13 : vector<16xi32>
      %bitcast3A_550 = vector.bitcast %shift_left3A_549 : vector<16xi32> to vector<16xf32>
      %and3A_551 = arith.andi %gather3A_548, %broadcast_in_dim3A_11 : vector<16xi32>
      %bitcast3A_552 = vector.bitcast %and3A_551 : vector<16xi32> to vector<16xf32>
      %add3A_553 = arith.addf %add3A_524, %bitcast3A_550 : vector<16xf32>
      %add3A_554 = arith.addf %add3A_525, %bitcast3A_552 : vector<16xf32>
      scf.yield %add3A_553, %add3A_554 : vector<16xf32>, vector<16xf32>
    }
    %scan3A_213 = arith.constant 200 : i32
    %get3A_214 = arith.constant 0 : i32
    %get3A_215 = arith.index_cast %get3A_214 : i32 to index
    %get3A_216 = arith.constant 0 : index
    %get3A_217 = tpu.vector_load %arg8[%get3A_215, %get3A_216] {strides = array<i32>} : memref<2x16xf32, #tpu.memory_space<vmem>>, vector<16xf32>,
    %add3A_218 = arith.addf %scan3A_212#0, %get3A_217 : vector<16xf32>
    %get3A_219 = arith.constant 1 : i32
    %get3A_220 = arith.index_cast %get3A_219 : i32 to index
    %get3A_221 = arith.constant 0 : index
    %get3A_222 = tpu.vector_load %arg8[%get3A_220, %get3A_221] {strides = array<i32>} : memref<2x16xf32, #tpu.memory_space<vmem>>, vector<16xf32>,
    %add3A_223 = arith.addf %scan3A_212#1, %get3A_222 : vector<16xf32>
    %neg3A_224 = arith.constant 0.000000e+00 : f32
    %neg3A_225 = vector.broadcast %neg3A_224 : f32 to vector<16xf32>
    %neg3A_226 = arith.subf %neg3A_225, %add3A_218 : vector<16xf32>
    %exp3A_227 = math.exp %neg3A_226 : vector<16xf32>
    %add3A_228 = arith.constant 1.000000e+00 : f32
    %add3A_229 = vector.broadcast %add3A_228 : f32 to vector<16xf32>
    %add3A_230 = arith.addf %add3A_229, %exp3A_227 : vector<16xf32>
    %div3A_231 = arith.constant 1.000000e+00 : f32
    %div3A_232 = vector.broadcast %div3A_231 : f32 to vector<16xf32>
    %div3A_233 = arith.divf %div3A_232, %add3A_230 : vector<16xf32>
    %swap3A_234 = arith.constant 80 : index
    %swap3A_235 = tpu.vector_load %arg9[%swap3A_234] {strides = array<i32>} : memref<256xf32, #tpu.memory_space<vmem>>, vector<16xf32>,
    tpu.vector_store %arg9[%swap3A_234], %div3A_233 {strides = array<i32>} : memref<256xf32, #tpu.memory_space<vmem>>, vector<16xf32>,
    %neg3A_236 = arith.constant 0.000000e+00 : f32
    %neg3A_237 = vector.broadcast %neg3A_236 : f32 to vector<16xf32>
    %neg3A_238 = arith.subf %neg3A_237, %add3A_223 : vector<16xf32>
    %exp3A_239 = math.exp %neg3A_238 : vector<16xf32>
    %add3A_240 = arith.constant 1.000000e+00 : f32
    %add3A_241 = vector.broadcast %add3A_240 : f32 to vector<16xf32>
    %add3A_242 = arith.addf %add3A_241, %exp3A_239 : vector<16xf32>
    %div3A_243 = arith.constant 1.000000e+00 : f32
    %div3A_244 = vector.broadcast %div3A_243 : f32 to vector<16xf32>
    %div3A_245 = arith.divf %div3A_244, %add3A_242 : vector<16xf32>
    %swap3A_246 = arith.constant 208 : index
    %swap3A_247 = tpu.vector_load %arg9[%swap3A_246] {strides = array<i32>} : memref<256xf32, #tpu.memory_space<vmem>>, vector<16xf32>,
    tpu.vector_store %arg9[%swap3A_246], %div3A_245 {strides = array<i32>} : memref<256xf32, #tpu.memory_space<vmem>>, vector<16xf32>,
    %scan3A_248 = arith.constant 0 : i32
    %scan3A_249 = arith.constant 200 : i32
    %scan3A_250 = arith.addi %scan3A_248, %scan3A_249 : i32
    %scan3A_251 = arith.constant 8 : i32
    %scan3A_252:2 = scf.for %scan3A_328 = %scan3A_248 to %scan3A_250 step %scan3A_251 iter_args(%scan3A_329 = %broadcast_in_dim3A_9, %scan3A_330 = %broadcast_in_dim3A_9) -> (vector<16xf32>, vector<16xf32>)  : i32 {
      %get3A_331 = arith.index_cast %scan3A_328 : i32 to index
      %get3A_332 = arith.constant 96 : index
      %get3A_333 = tpu.vector_load %arg7[%get3A_331, %get3A_332] {strides = array<i32>} : memref<200x128xi32, #tpu.memory_space<vmem>>, vector<16xi32>,
      %and3A = arith.constant -4096 : i32
      %and3A_334 = vector.broadcast %and3A : i32 to vector<16xi32>
      %and3A_335 = arith.andi %get3A_333, %and3A_334 : vector<16xi32>
      %and3A_336 = arith.constant 63 : i32
      %and3A_337 = vector.broadcast %and3A_336 : i32 to vector<16xi32>
      %and3A_338 = arith.andi %get3A_333, %and3A_337 : vector<16xi32>
      %shift_left3A = arith.constant 6 : i32
      %shift_left3A_339 = vector.broadcast %shift_left3A : i32 to vector<16xi32>
      %shift_left3A_340 = arith.shli %and3A_338, %shift_left3A_339 : vector<16xi32>
      %or3A = arith.ori %and3A_335, %shift_left3A_340 : vector<16xi32>
      %shift_right_arithmetic3A = arith.constant 6 : i32
      %shift_right_arithmetic3A_341 = vector.broadcast %shift_right_arithmetic3A : i32 to vector<16xi32>
      %shift_right_arithmetic3A_342 = arith.shrsi %get3A_333, %shift_right_arithmetic3A_341 : vector<16xi32>
      %and3A_343 = arith.constant 63 : i32
      %and3A_344 = vector.broadcast %and3A_343 : i32 to vector<16xi32>
      %and3A_345 = arith.andi %shift_right_arithmetic3A_342, %and3A_344 : vector<16xi32>
      %or3A_346 = arith.ori %or3A, %and3A_345 : vector<16xi32>
      %gather3A = tpu.vector_load_idx %arg6[%or3A_346] : memref<102400xi32, #tpu.memory_space<vmem>>[vector<16xi32>], vector<16xi32>,
      %shift_left3A_347 = arith.shli %gather3A, %broadcast_in_dim3A_13 : vector<16xi32>
      %bitcast3A = vector.bitcast %shift_left3A_347 : vector<16xi32> to vector<16xf32>
      %and3A_348 = arith.andi %gather3A, %broadcast_in_dim3A_11 : vector<16xi32>
      %bitcast3A_349 = vector.bitcast %and3A_348 : vector<16xi32> to vector<16xf32>
      %add3A_350 = arith.addf %scan3A_329, %bitcast3A : vector<16xf32>
      %add3A_351 = arith.addf %scan3A_330, %bitcast3A_349 : vector<16xf32>
      %scan3A_352 = arith.constant 1 : i32
      %scan3A_353 = arith.addi %scan3A_328, %scan3A_352 : i32
      %get3A_354 = arith.index_cast %scan3A_353 : i32 to index
      %get3A_355 = arith.constant 96 : index
      %get3A_356 = tpu.vector_load %arg7[%get3A_354, %get3A_355] {strides = array<i32>} : memref<200x128xi32, #tpu.memory_space<vmem>>, vector<16xi32>,
      %and3A_357 = arith.constant -4096 : i32
      %and3A_358 = vector.broadcast %and3A_357 : i32 to vector<16xi32>
      %and3A_359 = arith.andi %get3A_356, %and3A_358 : vector<16xi32>
      %and3A_360 = arith.constant 63 : i32
      %and3A_361 = vector.broadcast %and3A_360 : i32 to vector<16xi32>
      %and3A_362 = arith.andi %get3A_356, %and3A_361 : vector<16xi32>
      %shift_left3A_363 = arith.constant 6 : i32
      %shift_left3A_364 = vector.broadcast %shift_left3A_363 : i32 to vector<16xi32>
      %shift_left3A_365 = arith.shli %and3A_362, %shift_left3A_364 : vector<16xi32>
      %or3A_366 = arith.ori %and3A_359, %shift_left3A_365 : vector<16xi32>
      %shift_right_arithmetic3A_367 = arith.constant 6 : i32
      %shift_right_arithmetic3A_368 = vector.broadcast %shift_right_arithmetic3A_367 : i32 to vector<16xi32>
      %shift_right_arithmetic3A_369 = arith.shrsi %get3A_356, %shift_right_arithmetic3A_368 : vector<16xi32>
      %and3A_370 = arith.constant 63 : i32
      %and3A_371 = vector.broadcast %and3A_370 : i32 to vector<16xi32>
      %and3A_372 = arith.andi %shift_right_arithmetic3A_369, %and3A_371 : vector<16xi32>
      %or3A_373 = arith.ori %or3A_366, %and3A_372 : vector<16xi32>
      %gather3A_374 = tpu.vector_load_idx %arg6[%or3A_373] : memref<102400xi32, #tpu.memory_space<vmem>>[vector<16xi32>], vector<16xi32>,
      %shift_left3A_375 = arith.shli %gather3A_374, %broadcast_in_dim3A_13 : vector<16xi32>
      %bitcast3A_376 = vector.bitcast %shift_left3A_375 : vector<16xi32> to vector<16xf32>
      %and3A_377 = arith.andi %gather3A_374, %broadcast_in_dim3A_11 : vector<16xi32>
      %bitcast3A_378 = vector.bitcast %and3A_377 : vector<16xi32> to vector<16xf32>
      %add3A_379 = arith.addf %add3A_350, %bitcast3A_376 : vector<16xf32>
      %add3A_380 = arith.addf %add3A_351, %bitcast3A_378 : vector<16xf32>
      %scan3A_381 = arith.constant 2 : i32
      %scan3A_382 = arith.addi %scan3A_328, %scan3A_381 : i32
      %get3A_383 = arith.index_cast %scan3A_382 : i32 to index
      %get3A_384 = arith.constant 96 : index
      %get3A_385 = tpu.vector_load %arg7[%get3A_383, %get3A_384] {strides = array<i32>} : memref<200x128xi32, #tpu.memory_space<vmem>>, vector<16xi32>,
      %and3A_386 = arith.constant -4096 : i32
      %and3A_387 = vector.broadcast %and3A_386 : i32 to vector<16xi32>
      %and3A_388 = arith.andi %get3A_385, %and3A_387 : vector<16xi32>
      %and3A_389 = arith.constant 63 : i32
      %and3A_390 = vector.broadcast %and3A_389 : i32 to vector<16xi32>
      %and3A_391 = arith.andi %get3A_385, %and3A_390 : vector<16xi32>
      %shift_left3A_392 = arith.constant 6 : i32
      %shift_left3A_393 = vector.broadcast %shift_left3A_392 : i32 to vector<16xi32>
      %shift_left3A_394 = arith.shli %and3A_391, %shift_left3A_393 : vector<16xi32>
      %or3A_395 = arith.ori %and3A_388, %shift_left3A_394 : vector<16xi32>
      %shift_right_arithmetic3A_396 = arith.constant 6 : i32
      %shift_right_arithmetic3A_397 = vector.broadcast %shift_right_arithmetic3A_396 : i32 to vector<16xi32>
      %shift_right_arithmetic3A_398 = arith.shrsi %get3A_385, %shift_right_arithmetic3A_397 : vector<16xi32>
      %and3A_399 = arith.constant 63 : i32
      %and3A_400 = vector.broadcast %and3A_399 : i32 to vector<16xi32>
      %and3A_401 = arith.andi %shift_right_arithmetic3A_398, %and3A_400 : vector<16xi32>
      %or3A_402 = arith.ori %or3A_395, %and3A_401 : vector<16xi32>
      %gather3A_403 = tpu.vector_load_idx %arg6[%or3A_402] : memref<102400xi32, #tpu.memory_space<vmem>>[vector<16xi32>], vector<16xi32>,
      %shift_left3A_404 = arith.shli %gather3A_403, %broadcast_in_dim3A_13 : vector<16xi32>
      %bitcast3A_405 = vector.bitcast %shift_left3A_404 : vector<16xi32> to vector<16xf32>
      %and3A_406 = arith.andi %gather3A_403, %broadcast_in_dim3A_11 : vector<16xi32>
      %bitcast3A_407 = vector.bitcast %and3A_406 : vector<16xi32> to vector<16xf32>
      %add3A_408 = arith.addf %add3A_379, %bitcast3A_405 : vector<16xf32>
      %add3A_409 = arith.addf %add3A_380, %bitcast3A_407 : vector<16xf32>
      %scan3A_410 = arith.constant 3 : i32
      %scan3A_411 = arith.addi %scan3A_328, %scan3A_410 : i32
      %get3A_412 = arith.index_cast %scan3A_411 : i32 to index
      %get3A_413 = arith.constant 96 : index
      %get3A_414 = tpu.vector_load %arg7[%get3A_412, %get3A_413] {strides = array<i32>} : memref<200x128xi32, #tpu.memory_space<vmem>>, vector<16xi32>,
      %and3A_415 = arith.constant -4096 : i32
      %and3A_416 = vector.broadcast %and3A_415 : i32 to vector<16xi32>
      %and3A_417 = arith.andi %get3A_414, %and3A_416 : vector<16xi32>
      %and3A_418 = arith.constant 63 : i32
      %and3A_419 = vector.broadcast %and3A_418 : i32 to vector<16xi32>
      %and3A_420 = arith.andi %get3A_414, %and3A_419 : vector<16xi32>
      %shift_left3A_421 = arith.constant 6 : i32
      %shift_left3A_422 = vector.broadcast %shift_left3A_421 : i32 to vector<16xi32>
      %shift_left3A_423 = arith.shli %and3A_420, %shift_left3A_422 : vector<16xi32>
      %or3A_424 = arith.ori %and3A_417, %shift_left3A_423 : vector<16xi32>
      %shift_right_arithmetic3A_425 = arith.constant 6 : i32
      %shift_right_arithmetic3A_426 = vector.broadcast %shift_right_arithmetic3A_425 : i32 to vector<16xi32>
      %shift_right_arithmetic3A_427 = arith.shrsi %get3A_414, %shift_right_arithmetic3A_426 : vector<16xi32>
      %and3A_428 = arith.constant 63 : i32
      %and3A_429 = vector.broadcast %and3A_428 : i32 to vector<16xi32>
      %and3A_430 = arith.andi %shift_right_arithmetic3A_427, %and3A_429 : vector<16xi32>
      %or3A_431 = arith.ori %or3A_424, %and3A_430 : vector<16xi32>
      %gather3A_432 = tpu.vector_load_idx %arg6[%or3A_431] : memref<102400xi32, #tpu.memory_space<vmem>>[vector<16xi32>], vector<16xi32>,
      %shift_left3A_433 = arith.shli %gather3A_432, %broadcast_in_dim3A_13 : vector<16xi32>
      %bitcast3A_434 = vector.bitcast %shift_left3A_433 : vector<16xi32> to vector<16xf32>
      %and3A_435 = arith.andi %gather3A_432, %broadcast_in_dim3A_11 : vector<16xi32>
      %bitcast3A_436 = vector.bitcast %and3A_435 : vector<16xi32> to vector<16xf32>
      %add3A_437 = arith.addf %add3A_408, %bitcast3A_434 : vector<16xf32>
      %add3A_438 = arith.addf %add3A_409, %bitcast3A_436 : vector<16xf32>
      %scan3A_439 = arith.constant 4 : i32
      %scan3A_440 = arith.addi %scan3A_328, %scan3A_439 : i32
      %get3A_441 = arith.index_cast %scan3A_440 : i32 to index
      %get3A_442 = arith.constant 96 : index
      %get3A_443 = tpu.vector_load %arg7[%get3A_441, %get3A_442] {strides = array<i32>} : memref<200x128xi32, #tpu.memory_space<vmem>>, vector<16xi32>,
      %and3A_444 = arith.constant -4096 : i32
      %and3A_445 = vector.broadcast %and3A_444 : i32 to vector<16xi32>
      %and3A_446 = arith.andi %get3A_443, %and3A_445 : vector<16xi32>
      %and3A_447 = arith.constant 63 : i32
      %and3A_448 = vector.broadcast %and3A_447 : i32 to vector<16xi32>
      %and3A_449 = arith.andi %get3A_443, %and3A_448 : vector<16xi32>
      %shift_left3A_450 = arith.constant 6 : i32
      %shift_left3A_451 = vector.broadcast %shift_left3A_450 : i32 to vector<16xi32>
      %shift_left3A_452 = arith.shli %and3A_449, %shift_left3A_451 : vector<16xi32>
      %or3A_453 = arith.ori %and3A_446, %shift_left3A_452 : vector<16xi32>
      %shift_right_arithmetic3A_454 = arith.constant 6 : i32
      %shift_right_arithmetic3A_455 = vector.broadcast %shift_right_arithmetic3A_454 : i32 to vector<16xi32>
      %shift_right_arithmetic3A_456 = arith.shrsi %get3A_443, %shift_right_arithmetic3A_455 : vector<16xi32>
      %and3A_457 = arith.constant 63 : i32
      %and3A_458 = vector.broadcast %and3A_457 : i32 to vector<16xi32>
      %and3A_459 = arith.andi %shift_right_arithmetic3A_456, %and3A_458 : vector<16xi32>
      %or3A_460 = arith.ori %or3A_453, %and3A_459 : vector<16xi32>
      %gather3A_461 = tpu.vector_load_idx %arg6[%or3A_460] : memref<102400xi32, #tpu.memory_space<vmem>>[vector<16xi32>], vector<16xi32>,
      %shift_left3A_462 = arith.shli %gather3A_461, %broadcast_in_dim3A_13 : vector<16xi32>
      %bitcast3A_463 = vector.bitcast %shift_left3A_462 : vector<16xi32> to vector<16xf32>
      %and3A_464 = arith.andi %gather3A_461, %broadcast_in_dim3A_11 : vector<16xi32>
      %bitcast3A_465 = vector.bitcast %and3A_464 : vector<16xi32> to vector<16xf32>
      %add3A_466 = arith.addf %add3A_437, %bitcast3A_463 : vector<16xf32>
      %add3A_467 = arith.addf %add3A_438, %bitcast3A_465 : vector<16xf32>
      %scan3A_468 = arith.constant 5 : i32
      %scan3A_469 = arith.addi %scan3A_328, %scan3A_468 : i32
      %get3A_470 = arith.index_cast %scan3A_469 : i32 to index
      %get3A_471 = arith.constant 96 : index
      %get3A_472 = tpu.vector_load %arg7[%get3A_470, %get3A_471] {strides = array<i32>} : memref<200x128xi32, #tpu.memory_space<vmem>>, vector<16xi32>,
      %and3A_473 = arith.constant -4096 : i32
      %and3A_474 = vector.broadcast %and3A_473 : i32 to vector<16xi32>
      %and3A_475 = arith.andi %get3A_472, %and3A_474 : vector<16xi32>
      %and3A_476 = arith.constant 63 : i32
      %and3A_477 = vector.broadcast %and3A_476 : i32 to vector<16xi32>
      %and3A_478 = arith.andi %get3A_472, %and3A_477 : vector<16xi32>
      %shift_left3A_479 = arith.constant 6 : i32
      %shift_left3A_480 = vector.broadcast %shift_left3A_479 : i32 to vector<16xi32>
      %shift_left3A_481 = arith.shli %and3A_478, %shift_left3A_480 : vector<16xi32>
      %or3A_482 = arith.ori %and3A_475, %shift_left3A_481 : vector<16xi32>
      %shift_right_arithmetic3A_483 = arith.constant 6 : i32
      %shift_right_arithmetic3A_484 = vector.broadcast %shift_right_arithmetic3A_483 : i32 to vector<16xi32>
      %shift_right_arithmetic3A_485 = arith.shrsi %get3A_472, %shift_right_arithmetic3A_484 : vector<16xi32>
      %and3A_486 = arith.constant 63 : i32
      %and3A_487 = vector.broadcast %and3A_486 : i32 to vector<16xi32>
      %and3A_488 = arith.andi %shift_right_arithmetic3A_485, %and3A_487 : vector<16xi32>
      %or3A_489 = arith.ori %or3A_482, %and3A_488 : vector<16xi32>
      %gather3A_490 = tpu.vector_load_idx %arg6[%or3A_489] : memref<102400xi32, #tpu.memory_space<vmem>>[vector<16xi32>], vector<16xi32>,
      %shift_left3A_491 = arith.shli %gather3A_490, %broadcast_in_dim3A_13 : vector<16xi32>
      %bitcast3A_492 = vector.bitcast %shift_left3A_491 : vector<16xi32> to vector<16xf32>
      %and3A_493 = arith.andi %gather3A_490, %broadcast_in_dim3A_11 : vector<16xi32>
      %bitcast3A_494 = vector.bitcast %and3A_493 : vector<16xi32> to vector<16xf32>
      %add3A_495 = arith.addf %add3A_466, %bitcast3A_492 : vector<16xf32>
      %add3A_496 = arith.addf %add3A_467, %bitcast3A_494 : vector<16xf32>
      %scan3A_497 = arith.constant 6 : i32
      %scan3A_498 = arith.addi %scan3A_328, %scan3A_497 : i32
      %get3A_499 = arith.index_cast %scan3A_498 : i32 to index
      %get3A_500 = arith.constant 96 : index
      %get3A_501 = tpu.vector_load %arg7[%get3A_499, %get3A_500] {strides = array<i32>} : memref<200x128xi32, #tpu.memory_space<vmem>>, vector<16xi32>,
      %and3A_502 = arith.constant -4096 : i32
      %and3A_503 = vector.broadcast %and3A_502 : i32 to vector<16xi32>
      %and3A_504 = arith.andi %get3A_501, %and3A_503 : vector<16xi32>
      %and3A_505 = arith.constant 63 : i32
      %and3A_506 = vector.broadcast %and3A_505 : i32 to vector<16xi32>
      %and3A_507 = arith.andi %get3A_501, %and3A_506 : vector<16xi32>
      %shift_left3A_508 = arith.constant 6 : i32
      %shift_left3A_509 = vector.broadcast %shift_left3A_508 : i32 to vector<16xi32>
      %shift_left3A_510 = arith.shli %and3A_507, %shift_left3A_509 : vector<16xi32>
      %or3A_511 = arith.ori %and3A_504, %shift_left3A_510 : vector<16xi32>
      %shift_right_arithmetic3A_512 = arith.constant 6 : i32
      %shift_right_arithmetic3A_513 = vector.broadcast %shift_right_arithmetic3A_512 : i32 to vector<16xi32>
      %shift_right_arithmetic3A_514 = arith.shrsi %get3A_501, %shift_right_arithmetic3A_513 : vector<16xi32>
      %and3A_515 = arith.constant 63 : i32
      %and3A_516 = vector.broadcast %and3A_515 : i32 to vector<16xi32>
      %and3A_517 = arith.andi %shift_right_arithmetic3A_514, %and3A_516 : vector<16xi32>
      %or3A_518 = arith.ori %or3A_511, %and3A_517 : vector<16xi32>
      %gather3A_519 = tpu.vector_load_idx %arg6[%or3A_518] : memref<102400xi32, #tpu.memory_space<vmem>>[vector<16xi32>], vector<16xi32>,
      %shift_left3A_520 = arith.shli %gather3A_519, %broadcast_in_dim3A_13 : vector<16xi32>
      %bitcast3A_521 = vector.bitcast %shift_left3A_520 : vector<16xi32> to vector<16xf32>
      %and3A_522 = arith.andi %gather3A_519, %broadcast_in_dim3A_11 : vector<16xi32>
      %bitcast3A_523 = vector.bitcast %and3A_522 : vector<16xi32> to vector<16xf32>
      %add3A_524 = arith.addf %add3A_495, %bitcast3A_521 : vector<16xf32>
      %add3A_525 = arith.addf %add3A_496, %bitcast3A_523 : vector<16xf32>
      %scan3A_526 = arith.constant 7 : i32
      %scan3A_527 = arith.addi %scan3A_328, %scan3A_526 : i32
      %get3A_528 = arith.index_cast %scan3A_527 : i32 to index
      %get3A_529 = arith.constant 96 : index
      %get3A_530 = tpu.vector_load %arg7[%get3A_528, %get3A_529] {strides = array<i32>} : memref<200x128xi32, #tpu.memory_space<vmem>>, vector<16xi32>,
      %and3A_531 = arith.constant -4096 : i32
      %and3A_532 = vector.broadcast %and3A_531 : i32 to vector<16xi32>
      %and3A_533 = arith.andi %get3A_530, %and3A_532 : vector<16xi32>
      %and3A_534 = arith.constant 63 : i32
      %and3A_535 = vector.broadcast %and3A_534 : i32 to vector<16xi32>
      %and3A_536 = arith.andi %get3A_530, %and3A_535 : vector<16xi32>
      %shift_left3A_537 = arith.constant 6 : i32
      %shift_left3A_538 = vector.broadcast %shift_left3A_537 : i32 to vector<16xi32>
      %shift_left3A_539 = arith.shli %and3A_536, %shift_left3A_538 : vector<16xi32>
      %or3A_540 = arith.ori %and3A_533, %shift_left3A_539 : vector<16xi32>
      %shift_right_arithmetic3A_541 = arith.constant 6 : i32
      %shift_right_arithmetic3A_542 = vector.broadcast %shift_right_arithmetic3A_541 : i32 to vector<16xi32>
      %shift_right_arithmetic3A_543 = arith.shrsi %get3A_530, %shift_right_arithmetic3A_542 : vector<16xi32>
      %and3A_544 = arith.constant 63 : i32
      %and3A_545 = vector.broadcast %and3A_544 : i32 to vector<16xi32>
      %and3A_546 = arith.andi %shift_right_arithmetic3A_543, %and3A_545 : vector<16xi32>
      %or3A_547 = arith.ori %or3A_540, %and3A_546 : vector<16xi32>
      %gather3A_548 = tpu.vector_load_idx %arg6[%or3A_547] : memref<102400xi32, #tpu.memory_space<vmem>>[vector<16xi32>], vector<16xi32>,
      %shift_left3A_549 = arith.shli %gather3A_548, %broadcast_in_dim3A_13 : vector<16xi32>
      %bitcast3A_550 = vector.bitcast %shift_left3A_549 : vector<16xi32> to vector<16xf32>
      %and3A_551 = arith.andi %gather3A_548, %broadcast_in_dim3A_11 : vector<16xi32>
      %bitcast3A_552 = vector.bitcast %and3A_551 : vector<16xi32> to vector<16xf32>
      %add3A_553 = arith.addf %add3A_524, %bitcast3A_550 : vector<16xf32>
      %add3A_554 = arith.addf %add3A_525, %bitcast3A_552 : vector<16xf32>
      scf.yield %add3A_553, %add3A_554 : vector<16xf32>, vector<16xf32>
    }
    %scan3A_253 = arith.constant 200 : i32
    %get3A_254 = arith.constant 0 : i32
    %get3A_255 = arith.index_cast %get3A_254 : i32 to index
    %get3A_256 = arith.constant 0 : index
    %get3A_257 = tpu.vector_load %arg8[%get3A_255, %get3A_256] {strides = array<i32>} : memref<2x16xf32, #tpu.memory_space<vmem>>, vector<16xf32>,
    %add3A_258 = arith.addf %scan3A_252#0, %get3A_257 : vector<16xf32>
    %get3A_259 = arith.constant 1 : i32
    %get3A_260 = arith.index_cast %get3A_259 : i32 to index
    %get3A_261 = arith.constant 0 : index
    %get3A_262 = tpu.vector_load %arg8[%get3A_260, %get3A_261] {strides = array<i32>} : memref<2x16xf32, #tpu.memory_space<vmem>>, vector<16xf32>,
    %add3A_263 = arith.addf %scan3A_252#1, %get3A_262 : vector<16xf32>
    %neg3A_264 = arith.constant 0.000000e+00 : f32
    %neg3A_265 = vector.broadcast %neg3A_264 : f32 to vector<16xf32>
    %neg3A_266 = arith.subf %neg3A_265, %add3A_258 : vector<16xf32>
    %exp3A_267 = math.exp %neg3A_266 : vector<16xf32>
    %add3A_268 = arith.constant 1.000000e+00 : f32
    %add3A_269 = vector.broadcast %add3A_268 : f32 to vector<16xf32>
    %add3A_270 = arith.addf %add3A_269, %exp3A_267 : vector<16xf32>
    %div3A_271 = arith.constant 1.000000e+00 : f32
    %div3A_272 = vector.broadcast %div3A_271 : f32 to vector<16xf32>
    %div3A_273 = arith.divf %div3A_272, %add3A_270 : vector<16xf32>
    %swap3A_274 = arith.constant 96 : index
    %swap3A_275 = tpu.vector_load %arg9[%swap3A_274] {strides = array<i32>} : memref<256xf32, #tpu.memory_space<vmem>>, vector<16xf32>,
    tpu.vector_store %arg9[%swap3A_274], %div3A_273 {strides = array<i32>} : memref<256xf32, #tpu.memory_space<vmem>>, vector<16xf32>,
    %neg3A_276 = arith.constant 0.000000e+00 : f32
    %neg3A_277 = vector.broadcast %neg3A_276 : f32 to vector<16xf32>
    %neg3A_278 = arith.subf %neg3A_277, %add3A_263 : vector<16xf32>
    %exp3A_279 = math.exp %neg3A_278 : vector<16xf32>
    %add3A_280 = arith.constant 1.000000e+00 : f32
    %add3A_281 = vector.broadcast %add3A_280 : f32 to vector<16xf32>
    %add3A_282 = arith.addf %add3A_281, %exp3A_279 : vector<16xf32>
    %div3A_283 = arith.constant 1.000000e+00 : f32
    %div3A_284 = vector.broadcast %div3A_283 : f32 to vector<16xf32>
    %div3A_285 = arith.divf %div3A_284, %add3A_282 : vector<16xf32>
    %swap3A_286 = arith.constant 224 : index
    %swap3A_287 = tpu.vector_load %arg9[%swap3A_286] {strides = array<i32>} : memref<256xf32, #tpu.memory_space<vmem>>, vector<16xf32>,
    tpu.vector_store %arg9[%swap3A_286], %div3A_285 {strides = array<i32>} : memref<256xf32, #tpu.memory_space<vmem>>, vector<16xf32>,
    %scan3A_288 = arith.constant 0 : i32
    %scan3A_289 = arith.constant 200 : i32
    %scan3A_290 = arith.addi %scan3A_288, %scan3A_289 : i32
    %scan3A_291 = arith.constant 8 : i32
    %scan3A_292:2 = scf.for %scan3A_328 = %scan3A_288 to %scan3A_290 step %scan3A_291 iter_args(%scan3A_329 = %broadcast_in_dim3A_9, %scan3A_330 = %broadcast_in_dim3A_9) -> (vector<16xf32>, vector<16xf32>)  : i32 {
      %get3A_331 = arith.index_cast %scan3A_328 : i32 to index
      %get3A_332 = arith.constant 112 : index
      %get3A_333 = tpu.vector_load %arg7[%get3A_331, %get3A_332] {strides = array<i32>} : memref<200x128xi32, #tpu.memory_space<vmem>>, vector<16xi32>,
      %and3A = arith.constant -4096 : i32
      %and3A_334 = vector.broadcast %and3A : i32 to vector<16xi32>
      %and3A_335 = arith.andi %get3A_333, %and3A_334 : vector<16xi32>
      %and3A_336 = arith.constant 63 : i32
      %and3A_337 = vector.broadcast %and3A_336 : i32 to vector<16xi32>
      %and3A_338 = arith.andi %get3A_333, %and3A_337 : vector<16xi32>
      %shift_left3A = arith.constant 6 : i32
      %shift_left3A_339 = vector.broadcast %shift_left3A : i32 to vector<16xi32>
      %shift_left3A_340 = arith.shli %and3A_338, %shift_left3A_339 : vector<16xi32>
      %or3A = arith.ori %and3A_335, %shift_left3A_340 : vector<16xi32>
      %shift_right_arithmetic3A = arith.constant 6 : i32
      %shift_right_arithmetic3A_341 = vector.broadcast %shift_right_arithmetic3A : i32 to vector<16xi32>
      %shift_right_arithmetic3A_342 = arith.shrsi %get3A_333, %shift_right_arithmetic3A_341 : vector<16xi32>
      %and3A_343 = arith.constant 63 : i32
      %and3A_344 = vector.broadcast %and3A_343 : i32 to vector<16xi32>
      %and3A_345 = arith.andi %shift_right_arithmetic3A_342, %and3A_344 : vector<16xi32>
      %or3A_346 = arith.ori %or3A, %and3A_345 : vector<16xi32>
      %gather3A = tpu.vector_load_idx %arg6[%or3A_346] : memref<102400xi32, #tpu.memory_space<vmem>>[vector<16xi32>], vector<16xi32>,
      %shift_left3A_347 = arith.shli %gather3A, %broadcast_in_dim3A_13 : vector<16xi32>
      %bitcast3A = vector.bitcast %shift_left3A_347 : vector<16xi32> to vector<16xf32>
      %and3A_348 = arith.andi %gather3A, %broadcast_in_dim3A_11 : vector<16xi32>
      %bitcast3A_349 = vector.bitcast %and3A_348 : vector<16xi32> to vector<16xf32>
      %add3A_350 = arith.addf %scan3A_329, %bitcast3A : vector<16xf32>
      %add3A_351 = arith.addf %scan3A_330, %bitcast3A_349 : vector<16xf32>
      %scan3A_352 = arith.constant 1 : i32
      %scan3A_353 = arith.addi %scan3A_328, %scan3A_352 : i32
      %get3A_354 = arith.index_cast %scan3A_353 : i32 to index
      %get3A_355 = arith.constant 112 : index
      %get3A_356 = tpu.vector_load %arg7[%get3A_354, %get3A_355] {strides = array<i32>} : memref<200x128xi32, #tpu.memory_space<vmem>>, vector<16xi32>,
      %and3A_357 = arith.constant -4096 : i32
      %and3A_358 = vector.broadcast %and3A_357 : i32 to vector<16xi32>
      %and3A_359 = arith.andi %get3A_356, %and3A_358 : vector<16xi32>
      %and3A_360 = arith.constant 63 : i32
      %and3A_361 = vector.broadcast %and3A_360 : i32 to vector<16xi32>
      %and3A_362 = arith.andi %get3A_356, %and3A_361 : vector<16xi32>
      %shift_left3A_363 = arith.constant 6 : i32
      %shift_left3A_364 = vector.broadcast %shift_left3A_363 : i32 to vector<16xi32>
      %shift_left3A_365 = arith.shli %and3A_362, %shift_left3A_364 : vector<16xi32>
      %or3A_366 = arith.ori %and3A_359, %shift_left3A_365 : vector<16xi32>
      %shift_right_arithmetic3A_367 = arith.constant 6 : i32
      %shift_right_arithmetic3A_368 = vector.broadcast %shift_right_arithmetic3A_367 : i32 to vector<16xi32>
      %shift_right_arithmetic3A_369 = arith.shrsi %get3A_356, %shift_right_arithmetic3A_368 : vector<16xi32>
      %and3A_370 = arith.constant 63 : i32
      %and3A_371 = vector.broadcast %and3A_370 : i32 to vector<16xi32>
      %and3A_372 = arith.andi %shift_right_arithmetic3A_369, %and3A_371 : vector<16xi32>
      %or3A_373 = arith.ori %or3A_366, %and3A_372 : vector<16xi32>
      %gather3A_374 = tpu.vector_load_idx %arg6[%or3A_373] : memref<102400xi32, #tpu.memory_space<vmem>>[vector<16xi32>], vector<16xi32>,
      %shift_left3A_375 = arith.shli %gather3A_374, %broadcast_in_dim3A_13 : vector<16xi32>
      %bitcast3A_376 = vector.bitcast %shift_left3A_375 : vector<16xi32> to vector<16xf32>
      %and3A_377 = arith.andi %gather3A_374, %broadcast_in_dim3A_11 : vector<16xi32>
      %bitcast3A_378 = vector.bitcast %and3A_377 : vector<16xi32> to vector<16xf32>
      %add3A_379 = arith.addf %add3A_350, %bitcast3A_376 : vector<16xf32>
      %add3A_380 = arith.addf %add3A_351, %bitcast3A_378 : vector<16xf32>
      %scan3A_381 = arith.constant 2 : i32
      %scan3A_382 = arith.addi %scan3A_328, %scan3A_381 : i32
      %get3A_383 = arith.index_cast %scan3A_382 : i32 to index
      %get3A_384 = arith.constant 112 : index
      %get3A_385 = tpu.vector_load %arg7[%get3A_383, %get3A_384] {strides = array<i32>} : memref<200x128xi32, #tpu.memory_space<vmem>>, vector<16xi32>,
      %and3A_386 = arith.constant -4096 : i32
      %and3A_387 = vector.broadcast %and3A_386 : i32 to vector<16xi32>
      %and3A_388 = arith.andi %get3A_385, %and3A_387 : vector<16xi32>
      %and3A_389 = arith.constant 63 : i32
      %and3A_390 = vector.broadcast %and3A_389 : i32 to vector<16xi32>
      %and3A_391 = arith.andi %get3A_385, %and3A_390 : vector<16xi32>
      %shift_left3A_392 = arith.constant 6 : i32
      %shift_left3A_393 = vector.broadcast %shift_left3A_392 : i32 to vector<16xi32>
      %shift_left3A_394 = arith.shli %and3A_391, %shift_left3A_393 : vector<16xi32>
      %or3A_395 = arith.ori %and3A_388, %shift_left3A_394 : vector<16xi32>
      %shift_right_arithmetic3A_396 = arith.constant 6 : i32
      %shift_right_arithmetic3A_397 = vector.broadcast %shift_right_arithmetic3A_396 : i32 to vector<16xi32>
      %shift_right_arithmetic3A_398 = arith.shrsi %get3A_385, %shift_right_arithmetic3A_397 : vector<16xi32>
      %and3A_399 = arith.constant 63 : i32
      %and3A_400 = vector.broadcast %and3A_399 : i32 to vector<16xi32>
      %and3A_401 = arith.andi %shift_right_arithmetic3A_398, %and3A_400 : vector<16xi32>
      %or3A_402 = arith.ori %or3A_395, %and3A_401 : vector<16xi32>
      %gather3A_403 = tpu.vector_load_idx %arg6[%or3A_402] : memref<102400xi32, #tpu.memory_space<vmem>>[vector<16xi32>], vector<16xi32>,
      %shift_left3A_404 = arith.shli %gather3A_403, %broadcast_in_dim3A_13 : vector<16xi32>
      %bitcast3A_405 = vector.bitcast %shift_left3A_404 : vector<16xi32> to vector<16xf32>
      %and3A_406 = arith.andi %gather3A_403, %broadcast_in_dim3A_11 : vector<16xi32>
      %bitcast3A_407 = vector.bitcast %and3A_406 : vector<16xi32> to vector<16xf32>
      %add3A_408 = arith.addf %add3A_379, %bitcast3A_405 : vector<16xf32>
      %add3A_409 = arith.addf %add3A_380, %bitcast3A_407 : vector<16xf32>
      %scan3A_410 = arith.constant 3 : i32
      %scan3A_411 = arith.addi %scan3A_328, %scan3A_410 : i32
      %get3A_412 = arith.index_cast %scan3A_411 : i32 to index
      %get3A_413 = arith.constant 112 : index
      %get3A_414 = tpu.vector_load %arg7[%get3A_412, %get3A_413] {strides = array<i32>} : memref<200x128xi32, #tpu.memory_space<vmem>>, vector<16xi32>,
      %and3A_415 = arith.constant -4096 : i32
      %and3A_416 = vector.broadcast %and3A_415 : i32 to vector<16xi32>
      %and3A_417 = arith.andi %get3A_414, %and3A_416 : vector<16xi32>
      %and3A_418 = arith.constant 63 : i32
      %and3A_419 = vector.broadcast %and3A_418 : i32 to vector<16xi32>
      %and3A_420 = arith.andi %get3A_414, %and3A_419 : vector<16xi32>
      %shift_left3A_421 = arith.constant 6 : i32
      %shift_left3A_422 = vector.broadcast %shift_left3A_421 : i32 to vector<16xi32>
      %shift_left3A_423 = arith.shli %and3A_420, %shift_left3A_422 : vector<16xi32>
      %or3A_424 = arith.ori %and3A_417, %shift_left3A_423 : vector<16xi32>
      %shift_right_arithmetic3A_425 = arith.constant 6 : i32
      %shift_right_arithmetic3A_426 = vector.broadcast %shift_right_arithmetic3A_425 : i32 to vector<16xi32>
      %shift_right_arithmetic3A_427 = arith.shrsi %get3A_414, %shift_right_arithmetic3A_426 : vector<16xi32>
      %and3A_428 = arith.constant 63 : i32
      %and3A_429 = vector.broadcast %and3A_428 : i32 to vector<16xi32>
      %and3A_430 = arith.andi %shift_right_arithmetic3A_427, %and3A_429 : vector<16xi32>
      %or3A_431 = arith.ori %or3A_424, %and3A_430 : vector<16xi32>
      %gather3A_432 = tpu.vector_load_idx %arg6[%or3A_431] : memref<102400xi32, #tpu.memory_space<vmem>>[vector<16xi32>], vector<16xi32>,
      %shift_left3A_433 = arith.shli %gather3A_432, %broadcast_in_dim3A_13 : vector<16xi32>
      %bitcast3A_434 = vector.bitcast %shift_left3A_433 : vector<16xi32> to vector<16xf32>
      %and3A_435 = arith.andi %gather3A_432, %broadcast_in_dim3A_11 : vector<16xi32>
      %bitcast3A_436 = vector.bitcast %and3A_435 : vector<16xi32> to vector<16xf32>
      %add3A_437 = arith.addf %add3A_408, %bitcast3A_434 : vector<16xf32>
      %add3A_438 = arith.addf %add3A_409, %bitcast3A_436 : vector<16xf32>
      %scan3A_439 = arith.constant 4 : i32
      %scan3A_440 = arith.addi %scan3A_328, %scan3A_439 : i32
      %get3A_441 = arith.index_cast %scan3A_440 : i32 to index
      %get3A_442 = arith.constant 112 : index
      %get3A_443 = tpu.vector_load %arg7[%get3A_441, %get3A_442] {strides = array<i32>} : memref<200x128xi32, #tpu.memory_space<vmem>>, vector<16xi32>,
      %and3A_444 = arith.constant -4096 : i32
      %and3A_445 = vector.broadcast %and3A_444 : i32 to vector<16xi32>
      %and3A_446 = arith.andi %get3A_443, %and3A_445 : vector<16xi32>
      %and3A_447 = arith.constant 63 : i32
      %and3A_448 = vector.broadcast %and3A_447 : i32 to vector<16xi32>
      %and3A_449 = arith.andi %get3A_443, %and3A_448 : vector<16xi32>
      %shift_left3A_450 = arith.constant 6 : i32
      %shift_left3A_451 = vector.broadcast %shift_left3A_450 : i32 to vector<16xi32>
      %shift_left3A_452 = arith.shli %and3A_449, %shift_left3A_451 : vector<16xi32>
      %or3A_453 = arith.ori %and3A_446, %shift_left3A_452 : vector<16xi32>
      %shift_right_arithmetic3A_454 = arith.constant 6 : i32
      %shift_right_arithmetic3A_455 = vector.broadcast %shift_right_arithmetic3A_454 : i32 to vector<16xi32>
      %shift_right_arithmetic3A_456 = arith.shrsi %get3A_443, %shift_right_arithmetic3A_455 : vector<16xi32>
      %and3A_457 = arith.constant 63 : i32
      %and3A_458 = vector.broadcast %and3A_457 : i32 to vector<16xi32>
      %and3A_459 = arith.andi %shift_right_arithmetic3A_456, %and3A_458 : vector<16xi32>
      %or3A_460 = arith.ori %or3A_453, %and3A_459 : vector<16xi32>
      %gather3A_461 = tpu.vector_load_idx %arg6[%or3A_460] : memref<102400xi32, #tpu.memory_space<vmem>>[vector<16xi32>], vector<16xi32>,
      %shift_left3A_462 = arith.shli %gather3A_461, %broadcast_in_dim3A_13 : vector<16xi32>
      %bitcast3A_463 = vector.bitcast %shift_left3A_462 : vector<16xi32> to vector<16xf32>
      %and3A_464 = arith.andi %gather3A_461, %broadcast_in_dim3A_11 : vector<16xi32>
      %bitcast3A_465 = vector.bitcast %and3A_464 : vector<16xi32> to vector<16xf32>
      %add3A_466 = arith.addf %add3A_437, %bitcast3A_463 : vector<16xf32>
      %add3A_467 = arith.addf %add3A_438, %bitcast3A_465 : vector<16xf32>
      %scan3A_468 = arith.constant 5 : i32
      %scan3A_469 = arith.addi %scan3A_328, %scan3A_468 : i32
      %get3A_470 = arith.index_cast %scan3A_469 : i32 to index
      %get3A_471 = arith.constant 112 : index
      %get3A_472 = tpu.vector_load %arg7[%get3A_470, %get3A_471] {strides = array<i32>} : memref<200x128xi32, #tpu.memory_space<vmem>>, vector<16xi32>,
      %and3A_473 = arith.constant -4096 : i32
      %and3A_474 = vector.broadcast %and3A_473 : i32 to vector<16xi32>
      %and3A_475 = arith.andi %get3A_472, %and3A_474 : vector<16xi32>
      %and3A_476 = arith.constant 63 : i32
      %and3A_477 = vector.broadcast %and3A_476 : i32 to vector<16xi32>
      %and3A_478 = arith.andi %get3A_472, %and3A_477 : vector<16xi32>
      %shift_left3A_479 = arith.constant 6 : i32
      %shift_left3A_480 = vector.broadcast %shift_left3A_479 : i32 to vector<16xi32>
      %shift_left3A_481 = arith.shli %and3A_478, %shift_left3A_480 : vector<16xi32>
      %or3A_482 = arith.ori %and3A_475, %shift_left3A_481 : vector<16xi32>
      %shift_right_arithmetic3A_483 = arith.constant 6 : i32
      %shift_right_arithmetic3A_484 = vector.broadcast %shift_right_arithmetic3A_483 : i32 to vector<16xi32>
      %shift_right_arithmetic3A_485 = arith.shrsi %get3A_472, %shift_right_arithmetic3A_484 : vector<16xi32>
      %and3A_486 = arith.constant 63 : i32
      %and3A_487 = vector.broadcast %and3A_486 : i32 to vector<16xi32>
      %and3A_488 = arith.andi %shift_right_arithmetic3A_485, %and3A_487 : vector<16xi32>
      %or3A_489 = arith.ori %or3A_482, %and3A_488 : vector<16xi32>
      %gather3A_490 = tpu.vector_load_idx %arg6[%or3A_489] : memref<102400xi32, #tpu.memory_space<vmem>>[vector<16xi32>], vector<16xi32>,
      %shift_left3A_491 = arith.shli %gather3A_490, %broadcast_in_dim3A_13 : vector<16xi32>
      %bitcast3A_492 = vector.bitcast %shift_left3A_491 : vector<16xi32> to vector<16xf32>
      %and3A_493 = arith.andi %gather3A_490, %broadcast_in_dim3A_11 : vector<16xi32>
      %bitcast3A_494 = vector.bitcast %and3A_493 : vector<16xi32> to vector<16xf32>
      %add3A_495 = arith.addf %add3A_466, %bitcast3A_492 : vector<16xf32>
      %add3A_496 = arith.addf %add3A_467, %bitcast3A_494 : vector<16xf32>
      %scan3A_497 = arith.constant 6 : i32
      %scan3A_498 = arith.addi %scan3A_328, %scan3A_497 : i32
      %get3A_499 = arith.index_cast %scan3A_498 : i32 to index
      %get3A_500 = arith.constant 112 : index
      %get3A_501 = tpu.vector_load %arg7[%get3A_499, %get3A_500] {strides = array<i32>} : memref<200x128xi32, #tpu.memory_space<vmem>>, vector<16xi32>,
      %and3A_502 = arith.constant -4096 : i32
      %and3A_503 = vector.broadcast %and3A_502 : i32 to vector<16xi32>
      %and3A_504 = arith.andi %get3A_501, %and3A_503 : vector<16xi32>
      %and3A_505 = arith.constant 63 : i32
      %and3A_506 = vector.broadcast %and3A_505 : i32 to vector<16xi32>
      %and3A_507 = arith.andi %get3A_501, %and3A_506 : vector<16xi32>
      %shift_left3A_508 = arith.constant 6 : i32
      %shift_left3A_509 = vector.broadcast %shift_left3A_508 : i32 to vector<16xi32>
      %shift_left3A_510 = arith.shli %and3A_507, %shift_left3A_509 : vector<16xi32>
      %or3A_511 = arith.ori %and3A_504, %shift_left3A_510 : vector<16xi32>
      %shift_right_arithmetic3A_512 = arith.constant 6 : i32
      %shift_right_arithmetic3A_513 = vector.broadcast %shift_right_arithmetic3A_512 : i32 to vector<16xi32>
      %shift_right_arithmetic3A_514 = arith.shrsi %get3A_501, %shift_right_arithmetic3A_513 : vector<16xi32>
      %and3A_515 = arith.constant 63 : i32
      %and3A_516 = vector.broadcast %and3A_515 : i32 to vector<16xi32>
      %and3A_517 = arith.andi %shift_right_arithmetic3A_514, %and3A_516 : vector<16xi32>
      %or3A_518 = arith.ori %or3A_511, %and3A_517 : vector<16xi32>
      %gather3A_519 = tpu.vector_load_idx %arg6[%or3A_518] : memref<102400xi32, #tpu.memory_space<vmem>>[vector<16xi32>], vector<16xi32>,
      %shift_left3A_520 = arith.shli %gather3A_519, %broadcast_in_dim3A_13 : vector<16xi32>
      %bitcast3A_521 = vector.bitcast %shift_left3A_520 : vector<16xi32> to vector<16xf32>
      %and3A_522 = arith.andi %gather3A_519, %broadcast_in_dim3A_11 : vector<16xi32>
      %bitcast3A_523 = vector.bitcast %and3A_522 : vector<16xi32> to vector<16xf32>
      %add3A_524 = arith.addf %add3A_495, %bitcast3A_521 : vector<16xf32>
      %add3A_525 = arith.addf %add3A_496, %bitcast3A_523 : vector<16xf32>
      %scan3A_526 = arith.constant 7 : i32
      %scan3A_527 = arith.addi %scan3A_328, %scan3A_526 : i32
      %get3A_528 = arith.index_cast %scan3A_527 : i32 to index
      %get3A_529 = arith.constant 112 : index
      %get3A_530 = tpu.vector_load %arg7[%get3A_528, %get3A_529] {strides = array<i32>} : memref<200x128xi32, #tpu.memory_space<vmem>>, vector<16xi32>,
      %and3A_531 = arith.constant -4096 : i32
      %and3A_532 = vector.broadcast %and3A_531 : i32 to vector<16xi32>
      %and3A_533 = arith.andi %get3A_530, %and3A_532 : vector<16xi32>
      %and3A_534 = arith.constant 63 : i32
      %and3A_535 = vector.broadcast %and3A_534 : i32 to vector<16xi32>
      %and3A_536 = arith.andi %get3A_530, %and3A_535 : vector<16xi32>
      %shift_left3A_537 = arith.constant 6 : i32
      %shift_left3A_538 = vector.broadcast %shift_left3A_537 : i32 to vector<16xi32>
      %shift_left3A_539 = arith.shli %and3A_536, %shift_left3A_538 : vector<16xi32>
      %or3A_540 = arith.ori %and3A_533, %shift_left3A_539 : vector<16xi32>
      %shift_right_arithmetic3A_541 = arith.constant 6 : i32
      %shift_right_arithmetic3A_542 = vector.broadcast %shift_right_arithmetic3A_541 : i32 to vector<16xi32>
      %shift_right_arithmetic3A_543 = arith.shrsi %get3A_530, %shift_right_arithmetic3A_542 : vector<16xi32>
      %and3A_544 = arith.constant 63 : i32
      %and3A_545 = vector.broadcast %and3A_544 : i32 to vector<16xi32>
      %and3A_546 = arith.andi %shift_right_arithmetic3A_543, %and3A_545 : vector<16xi32>
      %or3A_547 = arith.ori %or3A_540, %and3A_546 : vector<16xi32>
      %gather3A_548 = tpu.vector_load_idx %arg6[%or3A_547] : memref<102400xi32, #tpu.memory_space<vmem>>[vector<16xi32>], vector<16xi32>,
      %shift_left3A_549 = arith.shli %gather3A_548, %broadcast_in_dim3A_13 : vector<16xi32>
      %bitcast3A_550 = vector.bitcast %shift_left3A_549 : vector<16xi32> to vector<16xf32>
      %and3A_551 = arith.andi %gather3A_548, %broadcast_in_dim3A_11 : vector<16xi32>
      %bitcast3A_552 = vector.bitcast %and3A_551 : vector<16xi32> to vector<16xf32>
      %add3A_553 = arith.addf %add3A_524, %bitcast3A_550 : vector<16xf32>
      %add3A_554 = arith.addf %add3A_525, %bitcast3A_552 : vector<16xf32>
      scf.yield %add3A_553, %add3A_554 : vector<16xf32>, vector<16xf32>
    }
    %scan3A_293 = arith.constant 200 : i32
    %get3A_294 = arith.constant 0 : i32
    %get3A_295 = arith.index_cast %get3A_294 : i32 to index
    %get3A_296 = arith.constant 0 : index
    %get3A_297 = tpu.vector_load %arg8[%get3A_295, %get3A_296] {strides = array<i32>} : memref<2x16xf32, #tpu.memory_space<vmem>>, vector<16xf32>,
    %add3A_298 = arith.addf %scan3A_292#0, %get3A_297 : vector<16xf32>
    %get3A_299 = arith.constant 1 : i32
    %get3A_300 = arith.index_cast %get3A_299 : i32 to index
    %get3A_301 = arith.constant 0 : index
    %get3A_302 = tpu.vector_load %arg8[%get3A_300, %get3A_301] {strides = array<i32>} : memref<2x16xf32, #tpu.memory_space<vmem>>, vector<16xf32>,
    %add3A_303 = arith.addf %scan3A_292#1, %get3A_302 : vector<16xf32>
    %neg3A_304 = arith.constant 0.000000e+00 : f32
    %neg3A_305 = vector.broadcast %neg3A_304 : f32 to vector<16xf32>
    %neg3A_306 = arith.subf %neg3A_305, %add3A_298 : vector<16xf32>
    %exp3A_307 = math.exp %neg3A_306 : vector<16xf32>
    %add3A_308 = arith.constant 1.000000e+00 : f32
    %add3A_309 = vector.broadcast %add3A_308 : f32 to vector<16xf32>
    %add3A_310 = arith.addf %add3A_309, %exp3A_307 : vector<16xf32>
    %div3A_311 = arith.constant 1.000000e+00 : f32
    %div3A_312 = vector.broadcast %div3A_311 : f32 to vector<16xf32>
    %div3A_313 = arith.divf %div3A_312, %add3A_310 : vector<16xf32>
    %swap3A_314 = arith.constant 112 : index
    %swap3A_315 = tpu.vector_load %arg9[%swap3A_314] {strides = array<i32>} : memref<256xf32, #tpu.memory_space<vmem>>, vector<16xf32>,
    tpu.vector_store %arg9[%swap3A_314], %div3A_313 {strides = array<i32>} : memref<256xf32, #tpu.memory_space<vmem>>, vector<16xf32>,
    %neg3A_316 = arith.constant 0.000000e+00 : f32
    %neg3A_317 = vector.broadcast %neg3A_316 : f32 to vector<16xf32>
    %neg3A_318 = arith.subf %neg3A_317, %add3A_303 : vector<16xf32>
    %exp3A_319 = math.exp %neg3A_318 : vector<16xf32>
    %add3A_320 = arith.constant 1.000000e+00 : f32
    %add3A_321 = vector.broadcast %add3A_320 : f32 to vector<16xf32>
    %add3A_322 = arith.addf %add3A_321, %exp3A_319 : vector<16xf32>
    %div3A_323 = arith.constant 1.000000e+00 : f32
    %div3A_324 = vector.broadcast %div3A_323 : f32 to vector<16xf32>
    %div3A_325 = arith.divf %div3A_324, %add3A_322 : vector<16xf32>
    %swap3A_326 = arith.constant 240 : index
    %swap3A_327 = tpu.vector_load %arg9[%swap3A_326] {strides = array<i32>} : memref<256xf32, #tpu.memory_space<vmem>>, vector<16xf32>,
    tpu.vector_store %arg9[%swap3A_326], %div3A_325 {strides = array<i32>} : memref<256xf32, #tpu.memory_space<vmem>>, vector<16xf32>,
    "tpu.region"() ({
      %run_scoped3A = tpu.sem_alloc : memref<!tpu.dma_semaphore, #tpu.memory_space<semaphore_mem>>
      %dma_start3A_328 = arith.constant 0 : i32
      %dma_start3A_329 = tpu.memref_slice %arg5[%add3A, %dma_start3A_328] : memref<32x256xf32, #tpu.memory_space<hbm>> -> memref<1x256xf32, #tpu.memory_space<hbm>>
      %dma_start3A_330 = tpu.memref_squeeze %dma_start3A_329 : memref<1x256xf32, #tpu.memory_space<hbm>> -> memref<256xf32, #tpu.memory_space<hbm>>
      %dma_start3A_331 = arith.constant 0 : i32
      %dma_start3A_332 = tpu.memref_slice %arg5[%add3A, %dma_start3A_331] : memref<32x256xf32, #tpu.memory_space<hbm>> -> memref<1x256xf32, #tpu.memory_space<hbm>>
      %dma_start3A_333 = tpu.memref_squeeze %dma_start3A_332 : memref<1x256xf32, #tpu.memory_space<hbm>> -> memref<256xf32, #tpu.memory_space<hbm>>
      tpu.enqueue_dma source(%arg9 : memref<256xf32, #tpu.memory_space<vmem>>) target(%dma_start3A_333 : memref<256xf32, #tpu.memory_space<hbm>>) target_semaphore(%run_scoped3A : memref<!tpu.dma_semaphore, #tpu.memory_space<semaphore_mem>>)
      %dma_wait3A_334 = arith.constant 0 : i32
      %dma_wait3A_335 = tpu.memref_slice %arg5[%add3A, %dma_wait3A_334] : memref<32x256xf32, #tpu.memory_space<hbm>> -> memref<1x256xf32, #tpu.memory_space<hbm>>
      %dma_wait3A_336 = tpu.memref_squeeze %dma_wait3A_335 : memref<1x256xf32, #tpu.memory_space<hbm>> -> memref<256xf32, #tpu.memory_space<hbm>>
      %dma_wait3A_337 = arith.constant 0 : i32
      %dma_wait3A_338 = tpu.memref_slice %arg5[%add3A, %dma_wait3A_337] : memref<32x256xf32, #tpu.memory_space<hbm>> -> memref<1x256xf32, #tpu.memory_space<hbm>>
      %dma_wait3A_339 = tpu.memref_squeeze %dma_wait3A_338 : memref<1x256xf32, #tpu.memory_space<hbm>> -> memref<256xf32, #tpu.memory_space<hbm>>
      tpu.wait_dma2 semaphore(%run_scoped3A : memref<!tpu.dma_semaphore, #tpu.memory_space<semaphore_mem>>) src(%arg9 : memref<256xf32, #tpu.memory_space<vmem>>) dst(%dma_wait3A_339 : memref<256xf32, #tpu.memory_space<hbm>>)
      tpu.yield
    }) : () -> ()
    return
  }
}

module attributes {stable_mosaic.version = 14 : i64} {
  func.func @_proj_body(%arg0: i32, %arg1: memref<300x4096xf32, #tpu.memory_space<vmem>>, %arg2: memref<300x16xf32, #tpu.memory_space<vmem>>, %arg3: memref<64x128xbf16, #tpu.memory_space<vmem>>) attributes {dimension_semantics = [#tpu.dimension_semantics<arbitrary>], iteration_bounds = array<i64: 25>, scalar_prefetch = 0 : i64, scratch_operands = 0 : i64, tpu.core_type = #tpu.core_type<tc>, window_params = [{transform_indices = @transform_0, window_bounds = array<i64: 300, 4096>}, {pipeline_mode = #tpu.pipeline_mode<synchronous>, transform_indices = @transform_1, window_bounds = array<i64: 300, 16>}, {transform_indices = @transform_2, window_bounds = array<i64: 64, 128>}]} {
    %get3A = arith.constant 0 : index
    %get3A_0 = arith.constant 0 : index
    %get3A_1 = vector.load %arg1[%get3A, %get3A_0] : memref<300x4096xf32, #tpu.memory_space<vmem>>, vector<300x4096xf32>
    %get3A_2 = arith.constant 0 : index
    %get3A_3 = arith.constant 0 : index
    %get3A_4 = vector.load %arg2[%get3A_2, %get3A_3] : memref<300x16xf32, #tpu.memory_space<vmem>>, vector<300x16xf32>
    %dot_general3A = arith.constant dense<0.000000e+00> : vector<4096x16xf32>
    %dot_general3A_5 = tpu.matmul %get3A_1, %get3A_4, %dot_general3A {dimension_numbers = #tpu.dot_dimension_numbers<[0], [0], [1], [1], [0, 1, 1, 1], [], []>, transpose_lhs_hint = false} : vector<300x4096xf32>, vector<300x16xf32>, vector<4096x16xf32> -> vector<4096x16xf32>
    %slice3A = vector.extract_strided_slice %dot_general3A_5 {offsets = [0, 0], sizes = [4096, 2], strides = [1, 1]} : vector<4096x16xf32> to vector<4096x2xf32>
    %slice3A_6 = vector.extract_strided_slice %slice3A {offsets = [0, 0], sizes = [64, 2], strides = [1, 1]} : vector<4096x2xf32> to vector<64x2xf32>
    %slice3A_7 = vector.extract_strided_slice %slice3A {offsets = [64, 0], sizes = [64, 2], strides = [1, 1]} : vector<4096x2xf32> to vector<64x2xf32>
    %slice3A_8 = vector.extract_strided_slice %slice3A {offsets = [128, 0], sizes = [64, 2], strides = [1, 1]} : vector<4096x2xf32> to vector<64x2xf32>
    %slice3A_9 = vector.extract_strided_slice %slice3A {offsets = [192, 0], sizes = [64, 2], strides = [1, 1]} : vector<4096x2xf32> to vector<64x2xf32>
    %slice3A_10 = vector.extract_strided_slice %slice3A {offsets = [256, 0], sizes = [64, 2], strides = [1, 1]} : vector<4096x2xf32> to vector<64x2xf32>
    %slice3A_11 = vector.extract_strided_slice %slice3A {offsets = [320, 0], sizes = [64, 2], strides = [1, 1]} : vector<4096x2xf32> to vector<64x2xf32>
    %slice3A_12 = vector.extract_strided_slice %slice3A {offsets = [384, 0], sizes = [64, 2], strides = [1, 1]} : vector<4096x2xf32> to vector<64x2xf32>
    %slice3A_13 = vector.extract_strided_slice %slice3A {offsets = [448, 0], sizes = [64, 2], strides = [1, 1]} : vector<4096x2xf32> to vector<64x2xf32>
    %slice3A_14 = vector.extract_strided_slice %slice3A {offsets = [512, 0], sizes = [64, 2], strides = [1, 1]} : vector<4096x2xf32> to vector<64x2xf32>
    %slice3A_15 = vector.extract_strided_slice %slice3A {offsets = [576, 0], sizes = [64, 2], strides = [1, 1]} : vector<4096x2xf32> to vector<64x2xf32>
    %slice3A_16 = vector.extract_strided_slice %slice3A {offsets = [640, 0], sizes = [64, 2], strides = [1, 1]} : vector<4096x2xf32> to vector<64x2xf32>
    %slice3A_17 = vector.extract_strided_slice %slice3A {offsets = [704, 0], sizes = [64, 2], strides = [1, 1]} : vector<4096x2xf32> to vector<64x2xf32>
    %slice3A_18 = vector.extract_strided_slice %slice3A {offsets = [768, 0], sizes = [64, 2], strides = [1, 1]} : vector<4096x2xf32> to vector<64x2xf32>
    %slice3A_19 = vector.extract_strided_slice %slice3A {offsets = [832, 0], sizes = [64, 2], strides = [1, 1]} : vector<4096x2xf32> to vector<64x2xf32>
    %slice3A_20 = vector.extract_strided_slice %slice3A {offsets = [896, 0], sizes = [64, 2], strides = [1, 1]} : vector<4096x2xf32> to vector<64x2xf32>
    %slice3A_21 = vector.extract_strided_slice %slice3A {offsets = [960, 0], sizes = [64, 2], strides = [1, 1]} : vector<4096x2xf32> to vector<64x2xf32>
    %slice3A_22 = vector.extract_strided_slice %slice3A {offsets = [1024, 0], sizes = [64, 2], strides = [1, 1]} : vector<4096x2xf32> to vector<64x2xf32>
    %slice3A_23 = vector.extract_strided_slice %slice3A {offsets = [1088, 0], sizes = [64, 2], strides = [1, 1]} : vector<4096x2xf32> to vector<64x2xf32>
    %slice3A_24 = vector.extract_strided_slice %slice3A {offsets = [1152, 0], sizes = [64, 2], strides = [1, 1]} : vector<4096x2xf32> to vector<64x2xf32>
    %slice3A_25 = vector.extract_strided_slice %slice3A {offsets = [1216, 0], sizes = [64, 2], strides = [1, 1]} : vector<4096x2xf32> to vector<64x2xf32>
    %slice3A_26 = vector.extract_strided_slice %slice3A {offsets = [1280, 0], sizes = [64, 2], strides = [1, 1]} : vector<4096x2xf32> to vector<64x2xf32>
    %slice3A_27 = vector.extract_strided_slice %slice3A {offsets = [1344, 0], sizes = [64, 2], strides = [1, 1]} : vector<4096x2xf32> to vector<64x2xf32>
    %slice3A_28 = vector.extract_strided_slice %slice3A {offsets = [1408, 0], sizes = [64, 2], strides = [1, 1]} : vector<4096x2xf32> to vector<64x2xf32>
    %slice3A_29 = vector.extract_strided_slice %slice3A {offsets = [1472, 0], sizes = [64, 2], strides = [1, 1]} : vector<4096x2xf32> to vector<64x2xf32>
    %slice3A_30 = vector.extract_strided_slice %slice3A {offsets = [1536, 0], sizes = [64, 2], strides = [1, 1]} : vector<4096x2xf32> to vector<64x2xf32>
    %slice3A_31 = vector.extract_strided_slice %slice3A {offsets = [1600, 0], sizes = [64, 2], strides = [1, 1]} : vector<4096x2xf32> to vector<64x2xf32>
    %slice3A_32 = vector.extract_strided_slice %slice3A {offsets = [1664, 0], sizes = [64, 2], strides = [1, 1]} : vector<4096x2xf32> to vector<64x2xf32>
    %slice3A_33 = vector.extract_strided_slice %slice3A {offsets = [1728, 0], sizes = [64, 2], strides = [1, 1]} : vector<4096x2xf32> to vector<64x2xf32>
    %slice3A_34 = vector.extract_strided_slice %slice3A {offsets = [1792, 0], sizes = [64, 2], strides = [1, 1]} : vector<4096x2xf32> to vector<64x2xf32>
    %slice3A_35 = vector.extract_strided_slice %slice3A {offsets = [1856, 0], sizes = [64, 2], strides = [1, 1]} : vector<4096x2xf32> to vector<64x2xf32>
    %slice3A_36 = vector.extract_strided_slice %slice3A {offsets = [1920, 0], sizes = [64, 2], strides = [1, 1]} : vector<4096x2xf32> to vector<64x2xf32>
    %slice3A_37 = vector.extract_strided_slice %slice3A {offsets = [1984, 0], sizes = [64, 2], strides = [1, 1]} : vector<4096x2xf32> to vector<64x2xf32>
    %slice3A_38 = vector.extract_strided_slice %slice3A {offsets = [2048, 0], sizes = [64, 2], strides = [1, 1]} : vector<4096x2xf32> to vector<64x2xf32>
    %slice3A_39 = vector.extract_strided_slice %slice3A {offsets = [2112, 0], sizes = [64, 2], strides = [1, 1]} : vector<4096x2xf32> to vector<64x2xf32>
    %slice3A_40 = vector.extract_strided_slice %slice3A {offsets = [2176, 0], sizes = [64, 2], strides = [1, 1]} : vector<4096x2xf32> to vector<64x2xf32>
    %slice3A_41 = vector.extract_strided_slice %slice3A {offsets = [2240, 0], sizes = [64, 2], strides = [1, 1]} : vector<4096x2xf32> to vector<64x2xf32>
    %slice3A_42 = vector.extract_strided_slice %slice3A {offsets = [2304, 0], sizes = [64, 2], strides = [1, 1]} : vector<4096x2xf32> to vector<64x2xf32>
    %slice3A_43 = vector.extract_strided_slice %slice3A {offsets = [2368, 0], sizes = [64, 2], strides = [1, 1]} : vector<4096x2xf32> to vector<64x2xf32>
    %slice3A_44 = vector.extract_strided_slice %slice3A {offsets = [2432, 0], sizes = [64, 2], strides = [1, 1]} : vector<4096x2xf32> to vector<64x2xf32>
    %slice3A_45 = vector.extract_strided_slice %slice3A {offsets = [2496, 0], sizes = [64, 2], strides = [1, 1]} : vector<4096x2xf32> to vector<64x2xf32>
    %slice3A_46 = vector.extract_strided_slice %slice3A {offsets = [2560, 0], sizes = [64, 2], strides = [1, 1]} : vector<4096x2xf32> to vector<64x2xf32>
    %slice3A_47 = vector.extract_strided_slice %slice3A {offsets = [2624, 0], sizes = [64, 2], strides = [1, 1]} : vector<4096x2xf32> to vector<64x2xf32>
    %slice3A_48 = vector.extract_strided_slice %slice3A {offsets = [2688, 0], sizes = [64, 2], strides = [1, 1]} : vector<4096x2xf32> to vector<64x2xf32>
    %slice3A_49 = vector.extract_strided_slice %slice3A {offsets = [2752, 0], sizes = [64, 2], strides = [1, 1]} : vector<4096x2xf32> to vector<64x2xf32>
    %slice3A_50 = vector.extract_strided_slice %slice3A {offsets = [2816, 0], sizes = [64, 2], strides = [1, 1]} : vector<4096x2xf32> to vector<64x2xf32>
    %slice3A_51 = vector.extract_strided_slice %slice3A {offsets = [2880, 0], sizes = [64, 2], strides = [1, 1]} : vector<4096x2xf32> to vector<64x2xf32>
    %slice3A_52 = vector.extract_strided_slice %slice3A {offsets = [2944, 0], sizes = [64, 2], strides = [1, 1]} : vector<4096x2xf32> to vector<64x2xf32>
    %slice3A_53 = vector.extract_strided_slice %slice3A {offsets = [3008, 0], sizes = [64, 2], strides = [1, 1]} : vector<4096x2xf32> to vector<64x2xf32>
    %slice3A_54 = vector.extract_strided_slice %slice3A {offsets = [3072, 0], sizes = [64, 2], strides = [1, 1]} : vector<4096x2xf32> to vector<64x2xf32>
    %slice3A_55 = vector.extract_strided_slice %slice3A {offsets = [3136, 0], sizes = [64, 2], strides = [1, 1]} : vector<4096x2xf32> to vector<64x2xf32>
    %slice3A_56 = vector.extract_strided_slice %slice3A {offsets = [3200, 0], sizes = [64, 2], strides = [1, 1]} : vector<4096x2xf32> to vector<64x2xf32>
    %slice3A_57 = vector.extract_strided_slice %slice3A {offsets = [3264, 0], sizes = [64, 2], strides = [1, 1]} : vector<4096x2xf32> to vector<64x2xf32>
    %slice3A_58 = vector.extract_strided_slice %slice3A {offsets = [3328, 0], sizes = [64, 2], strides = [1, 1]} : vector<4096x2xf32> to vector<64x2xf32>
    %slice3A_59 = vector.extract_strided_slice %slice3A {offsets = [3392, 0], sizes = [64, 2], strides = [1, 1]} : vector<4096x2xf32> to vector<64x2xf32>
    %slice3A_60 = vector.extract_strided_slice %slice3A {offsets = [3456, 0], sizes = [64, 2], strides = [1, 1]} : vector<4096x2xf32> to vector<64x2xf32>
    %slice3A_61 = vector.extract_strided_slice %slice3A {offsets = [3520, 0], sizes = [64, 2], strides = [1, 1]} : vector<4096x2xf32> to vector<64x2xf32>
    %slice3A_62 = vector.extract_strided_slice %slice3A {offsets = [3584, 0], sizes = [64, 2], strides = [1, 1]} : vector<4096x2xf32> to vector<64x2xf32>
    %slice3A_63 = vector.extract_strided_slice %slice3A {offsets = [3648, 0], sizes = [64, 2], strides = [1, 1]} : vector<4096x2xf32> to vector<64x2xf32>
    %slice3A_64 = vector.extract_strided_slice %slice3A {offsets = [3712, 0], sizes = [64, 2], strides = [1, 1]} : vector<4096x2xf32> to vector<64x2xf32>
    %slice3A_65 = vector.extract_strided_slice %slice3A {offsets = [3776, 0], sizes = [64, 2], strides = [1, 1]} : vector<4096x2xf32> to vector<64x2xf32>
    %slice3A_66 = vector.extract_strided_slice %slice3A {offsets = [3840, 0], sizes = [64, 2], strides = [1, 1]} : vector<4096x2xf32> to vector<64x2xf32>
    %slice3A_67 = vector.extract_strided_slice %slice3A {offsets = [3904, 0], sizes = [64, 2], strides = [1, 1]} : vector<4096x2xf32> to vector<64x2xf32>
    %slice3A_68 = vector.extract_strided_slice %slice3A {offsets = [3968, 0], sizes = [64, 2], strides = [1, 1]} : vector<4096x2xf32> to vector<64x2xf32>
    %slice3A_69 = vector.extract_strided_slice %slice3A {offsets = [4032, 0], sizes = [64, 2], strides = [1, 1]} : vector<4096x2xf32> to vector<64x2xf32>
    %concatenate3A = tpu.concatenate %slice3A_6, %slice3A_7, %slice3A_8, %slice3A_9, %slice3A_10, %slice3A_11, %slice3A_12, %slice3A_13, %slice3A_14, %slice3A_15, %slice3A_16, %slice3A_17, %slice3A_18, %slice3A_19, %slice3A_20, %slice3A_21, %slice3A_22, %slice3A_23, %slice3A_24, %slice3A_25, %slice3A_26, %slice3A_27, %slice3A_28, %slice3A_29, %slice3A_30, %slice3A_31, %slice3A_32, %slice3A_33, %slice3A_34, %slice3A_35, %slice3A_36, %slice3A_37, %slice3A_38, %slice3A_39, %slice3A_40, %slice3A_41, %slice3A_42, %slice3A_43, %slice3A_44, %slice3A_45, %slice3A_46, %slice3A_47, %slice3A_48, %slice3A_49, %slice3A_50, %slice3A_51, %slice3A_52, %slice3A_53, %slice3A_54, %slice3A_55, %slice3A_56, %slice3A_57, %slice3A_58, %slice3A_59, %slice3A_60, %slice3A_61, %slice3A_62, %slice3A_63, %slice3A_64, %slice3A_65, %slice3A_66, %slice3A_67, %slice3A_68, %slice3A_69 in 1 : vector<64x2xf32>, vector<64x2xf32>, vector<64x2xf32>, vector<64x2xf32>, vector<64x2xf32>, vector<64x2xf32>, vector<64x2xf32>, vector<64x2xf32>, vector<64x2xf32>, vector<64x2xf32>, vector<64x2xf32>, vector<64x2xf32>, vector<64x2xf32>, vector<64x2xf32>, vector<64x2xf32>, vector<64x2xf32>, vector<64x2xf32>, vector<64x2xf32>, vector<64x2xf32>, vector<64x2xf32>, vector<64x2xf32>, vector<64x2xf32>, vector<64x2xf32>, vector<64x2xf32>, vector<64x2xf32>, vector<64x2xf32>, vector<64x2xf32>, vector<64x2xf32>, vector<64x2xf32>, vector<64x2xf32>, vector<64x2xf32>, vector<64x2xf32>, vector<64x2xf32>, vector<64x2xf32>, vector<64x2xf32>, vector<64x2xf32>, vector<64x2xf32>, vector<64x2xf32>, vector<64x2xf32>, vector<64x2xf32>, vector<64x2xf32>, vector<64x2xf32>, vector<64x2xf32>, vector<64x2xf32>, vector<64x2xf32>, vector<64x2xf32>, vector<64x2xf32>, vector<64x2xf32>, vector<64x2xf32>, vector<64x2xf32>, vector<64x2xf32>, vector<64x2xf32>, vector<64x2xf32>, vector<64x2xf32>, vector<64x2xf32>, vector<64x2xf32>, vector<64x2xf32>, vector<64x2xf32>, vector<64x2xf32>, vector<64x2xf32>, vector<64x2xf32>, vector<64x2xf32>, vector<64x2xf32>, vector<64x2xf32> -> vector<64x128xf32>
    %convert_element_type3A = arith.truncf %concatenate3A : vector<64x128xf32> to vector<64x128xbf16>
    %swap3A = arith.constant 0 : index
    %swap3A_70 = arith.constant 0 : index
    %swap3A_71 = vector.load %arg3[%swap3A, %swap3A_70] : memref<64x128xbf16, #tpu.memory_space<vmem>>, vector<64x128xbf16>
    tpu.vector_store %arg3[%swap3A, %swap3A_70], %convert_element_type3A {strides = array<i32>} : memref<64x128xbf16, #tpu.memory_space<vmem>>, vector<64x128xbf16>,
    return
  }
  func.func @transform_0(%arg0: i32) -> (i32, i32) {
    %c0_i32 = arith.constant 0 : i32
    %c0_i32_0 = arith.constant 0 : i32
    return %c0_i32, %arg0 : i32, i32
  }
  func.func @transform_1(%arg0: i32) -> (i32, i32) {
    %c0_i32 = arith.constant 0 : i32
    %c0_i32_0 = arith.constant 0 : i32
    %c0_i32_1 = arith.constant 0 : i32
    return %c0_i32, %c0_i32_0 : i32, i32
  }
  func.func @transform_2(%arg0: i32) -> (i32, i32) {
    %c0_i32 = arith.constant 0 : i32
    %c0_i32_0 = arith.constant 0 : i32
    return %arg0, %c0_i32 : i32, i32
  }
}

</mosaic_0001>

<sc_bundles>
// kernel: kernel.4.cloned.1.call-start
scs
__scs_entry_jumppad:
0x0: {  	(pc) =	sbr.rel $0x88, $3  }
0x1: {  	(tag) =	ssettag $0x0;
	lr =	simm.s32 $0x1  }
0x2: {  	[smem:$0x3F9D] =	sst lr;
	_ =	strace $0xD0000000  }
0x3: {  	_ = 	snop  }
0x4: {  	_ = 	snop  }
0x5: {  	_ = 	snop  }
0x6: {  	_ = 	snop  }
0x7: {  	_ = 	snop  }
__scs_overlays_trampoline_lowered:
0x8: {  	[smem:$0x3FAC] =	sst s0  }
0x9: {  	[smem:$0x3FAD] =	sst s1  }
0xa: {  	[smem:$0x3FAE] =	sst s2  }
0xb: {  	[smem:$0x3FAF] =	sst s3  }
0xc: {  	[smem:$0x3FB0] =	sst s4  }
0xd: {  	[smem:$0x3FB1] =	sst s5  }
0xe: {  	[smem:$0x3FB2] =	sst s6  }
0xf: {  	[smem:$0x3FB3] =	sst s7  }
0x10: {  	[smem:$0x3FB4] =	sst s8  }
0x11: {  	[smem:$0x3FB5] =	sst s9;
	s0 =	simm.s32 @!p0 $0x0  }
0x12: {  	s1 =	sld [smem:$0x3F9B];
	s0 =	simm.s32 @p0 $0x1  }
0x13: {  	[smem:$0x3FB6] =	sst s0;
	s0 =	simm.s32 @!p1 $0x0  }
0x14: {  	s2 =	sld [smem:$0x3F9A];
	s0 =	simm.s32 @p1 $0x1  }
0x15: {  	[smem:$0x3FB7] =	sst s0;
	s0 =	simm.s32 @!p2 $0x0  }
0x16: {  	s3 =	sld [smem:$0x3FDB];
	s0 =	simm.s32 @p2 $0x1  }
0x17: {  	s4 =	simm.s32 $0x1BF5;
	[smem:$0x3FB9] =	sst s0  }
0x18: {  	s0 =	sld [smem:$0x3F9C];
	_ =	swait.ge [sflag:s4], $0x0  }
0x19: {  	s7 =	sld [smem:$0x3F9D]  }
0x1a: {  	s8 =	sadd.s32 $0xFFFFE003, lr  }
0x1b: {  	s9 =	sadd.s32 $0xFFFFFEF7, lr;
	s5 =	simm.s32 $0xFFFFFFFF;
	p2 =	slt.u32 s8, $0xFFFFF086  }
0x1c: {  	p1 =	slt.u32 s9, $0xF7A;
	s5 =	simm.s32 @!p2 $0x0  }
0x1d: {  	s5 =	simm.s32 @p1 $0x1;
	p0 =	seq.s32 s7, s2  }
0x1e: {  	s7 =	smul.u32 @!p0 $0xF7A, s2;
	p2 =	seq.s32 @!p0 s5, $0x0  }
0x1f: {  	s9 =	smul.u32 $0xF7A, s1;
	s8 =	simm.s32 @!p0 $0x1BF5;
	p2 =	por !p2, p0  }
0x20: {  	[sflag:s8] =	ssyncset.s32 @!p0 $0xFFFFF086;
	s6 =	sadd.s32 @!p0 s3, s7;
	s7 =	simm.s32 @!p0 $0x108  }
0x21: {  	s3 =	sadd.s32 s3, s9;
	s6 =	sadd.s32 @!p0 $0x88, s6;
	s7 =	simm.s32 @p2 $0x1082  }
0x22: {  	[simem:s7], [sflag:s8] =	dma.local @!p0 [hbm:s6], $0xF7A  }
0x23: {  	s9 =	sor.u32 $0xD0000000, s2;
	s6 =	simm.s32 $0x108;
	_ =	swait.ge @!p0 [sflag:s8], $0x0  }
0x24: {  	s3 =	sadd.s32 $0x88, s3;
	s6 =	simm.s32 @!p1 $0x1082;
	[sflag:s4] =	ssyncset.s32 $0xFFFFF086  }
0x25: {  	[simem:s6], [sflag:s4] =	dma.local [hbm:s3], $0xF7A  }
0x26: {  	[smem:$0x3F9D] =	sst s1;
	(tag) =	ssettag s2;
	_ =	strace s9  }
0x27: {  	s1 =	sld [smem:$0x3FAD]  }
0x28: {  	s2 =	sld [smem:$0x3FAE]  }
0x29: {  	s4 =	sld [smem:$0x3FB0]  }
0x2a: {  	p0 =	seq.s32 s5, $0x0;
	s5 =	sld [smem:$0x3FB1]  }
0x2b: {  	s6 =	sld [smem:$0x3FB2]  }
0x2c: {  	s7 =	sld [smem:$0x3FB3]  }
0x2d: {  	s3 =	simm.s32 $0x108;
	s8 =	sld [smem:$0x3FB4]  }
0x2e: {  	s3 =	simm.s32 @!p0 $0x1082;
	s9 =	sld [smem:$0x3FB5]  }
0x2f: {  	lr =	sadd.s32 s0, s3;
	s0 =	sld [smem:$0x3FAC]  }
0x30: {  	s3 =	sld [smem:$0x3FAF]  }
0x31: {  	[smem:$0x3FB8] =	sst s10  }
0x32: {  	s10 =	sld [smem:$0x3FB6];
	_ =	sdelay $0x3  }
0x33: {  	p0 =	seq.s32 s10, $0x1;
	s10 =	sld [smem:$0x3FB8];
	_ =	sdelay $0x3  }
0x34: {  	[smem:$0x3FB8] =	sst s10  }
0x35: {  	s10 =	sld [smem:$0x3FB7];
	_ =	sdelay $0x3  }
0x36: {  	p1 =	seq.s32 s10, $0x1;
	s10 =	sld [smem:$0x3FB8];
	_ =	sdelay $0x3  }
0x37: {  	[smem:$0x3FB8] =	sst s10  }
0x38: {  	s10 =	sld [smem:$0x3FB9]  }
0x39: {  	_ = 	snop;
	(pc) =	sbr.ind lr, $3  }
0x3a: {  	_ = 	snop  }
0x3b: {  	_ = 	snop  }
0x3c: {  	p2 =	seq.s32 s10, $0x1;
	s10 =	sld [smem:$0x3FB8]  }
0x3d: {  	_ =	shalt  }
0x3e: {  	_ =	shalt  }
0x3f: {  	_ =	shalt  }
0x40: {  	_ =	shalt  }
0x41: {  	_ =	shalt  }
0x42: {  	_ =	shalt  }
0x43: {  	_ =	shalt  }
0x44: {  	_ =	shalt  }
0x45: {  	_ =	shalt  }
0x46: {  	_ =	shalt  }
0x47: {  	_ =	shalt  }
0x48: {  	_ =	shalt  }
0x49: {  	_ =	shalt  }
0x4a: {  	_ =	shalt  }
0x4b: {  	_ =	shalt  }
0x4c: {  	_ =	shalt  }
0x4d: {  	_ =	shalt  }
0x4e: {  	_ =	shalt  }
0x4f: {  	_ =	shalt  }
0x50: {  	_ =	shalt  }
0x51: {  	_ =	shalt  }
0x52: {  	_ =	shalt  }
0x53: {  	_ =	shalt  }
0x54: {  	_ =	shalt  }
0x55: {  	_ =	shalt  }
0x56: {  	_ =	shalt  }
0x57: {  	_ =	shalt  }
0x58: {  	_ =	shalt  }
0x59: {  	_ =	shalt  }
0x5a: {  	_ =	shalt  }
0x5b: {  	_ =	shalt  }
0x5c: {  	_ =	shalt  }
0x5d: {  	_ =	shalt  }
0x5e: {  	_ =	shalt  }
0x5f: {  	_ =	shalt  }
0x60: {  	_ =	shalt  }
0x61: {  	_ =	shalt  }
0x62: {  	_ =	shalt  }
0x63: {  	_ =	shalt  }
0x64: {  	_ =	shalt  }
0x65: {  	_ =	shalt  }
0x66: {  	_ =	shalt  }
0x67: {  	_ =	shalt  }
0x68: {  	_ =	shalt  }
0x69: {  	_ =	shalt  }
0x6a: {  	_ =	shalt  }
0x6b: {  	_ =	shalt  }
0x6c: {  	_ =	shalt  }
0x6d: {  	_ =	shalt  }
0x6e: {  	_ =	shalt  }
0x6f: {  	_ =	shalt  }
0x70: {  	_ =	shalt  }
0x71: {  	_ =	shalt  }
0x72: {  	_ =	shalt  }
0x73: {  	_ =	shalt  }
0x74: {  	_ =	shalt  }
0x75: {  	_ =	shalt  }
0x76: {  	_ =	shalt  }
0x77: {  	_ =	shalt  }
0x78: {  	_ =	shalt  }
0x79: {  	_ =	shalt  }
0x7a: {  	_ =	shalt  }
0x7b: {  	_ =	shalt  }
0x7c: {  	_ =	shalt  }
0x7d: {  	_ =	shalt  }
0x7e: {  	_ =	shalt  }
0x7f: {  	_ =	shalt  }
0x80: {  	_ =	shalt  }
0x81: {  	_ =	shalt  }
0x82: {  	_ =	shalt  }
0x83: {  	_ =	shalt  }
0x84: {  	_ =	shalt  }
0x85: {  	_ =	shalt  }
0x86: {  	_ =	shalt  }
0x87: {  	_ =	shalt  }
.Lfunc_end0:
.L_simem_size_0:
called_computation_lowered:
.L_overlay_start_0:
0x88: {  	s2 =	sld [smem:$0x3FD9]  }
0x89: {  	s3 =	sld [smem:$0x3FFE];
	_ =	sdelay $0x1  }
0x8a: {  	s1 =	srdreg.scid  }
0x8b: {  	s0 =	sand.u32 $0x1, s1  }
0x8c: {  	s17 =	sshll.u32 s0, $0xA;
	s2 =	sadd.s32 s3, s2  }
0x8d: {  	s2 =	sadd.s32 s2, s17  }
0x8e: {  	[smem:$0x3FC4] =	sst s2  }
0x8f: {  	_ = 	snop  }
0x90: {  	s2 =	sld [smem:$0x3FD0];
	(tm) =	ssettm $0x1  }
0x91: {  	s18 =	sld [smem:$0x3FFB];
	_ =	sdelay $0x3  }
0x92: {  	_ =	strace s18  }
0x93: {  	s3 =	sld [smem:$0x3FFC];
	_ =	sdelay $0x3  }
0x94: {  	_ =	strace s3  }
0x95: {  	s3 =	sld [smem:$0x3FFD];
	_ =	sdelay $0x3  }
0x96: {  	_ =	strace s3  }
0x97: {  	_ =	strace $0x8FFFFFFF  }
0x98: {  	s19 =	sld [smem:$0x3FDB];
	_ =	sdelay $0x1  }
0x99: {  	s4 =	simm.s32 $_scs_section_size  }
0x9a: {  	s5 =	simm.s32 $_size__tile_overlayer_lowered;
	s6 =	simm.s32 $_tile_overlayer_lowered  }
0x9b: {  	s22 =	simm.s32 $0x1BFF;
	s21 =	sshll.u32 s6, $0x1;
	s3 =	sadd.s32 s4, s19  }
0x9c: {  	s7 =	simm.s32 $0x0;
	s20 =	sshll.u32 s5, $0x1;
	s5 =	sadd.s32 s21, s3  }
0x9d: {  	[timem:s7], [sflag:s22] =	dma.local [hbm:s5], s20  }
0x9e: {  	_ =	swait.ge [sflag:s22], s20  }
0x9f: {  	s4 =	ssub.s32 $0x0, s20;
	[sflag:s22] =	ssyncset.done $0x0  }
0xa0: {  	[sflag:s22] =	ssyncadd.s32 s4;
	_ =	sdelay $0x1  }
0xa1: {  	s23 =	simm.s32 $0x1B8B  }
0xa2: {  	_ =	swait.ge [sflag:s23], $0x1  }
0xa3: {  	[sflag:s23] =	ssyncset.done $0x0  }
0xa4: {  	s25 =	simm.s32 $0x1B8E;
	s24 =	sld [smem:$0x3FFE];
	[sflag:s23] =	ssyncadd.s32 $0xFFFFFFFF  }
0xa5: {  	s26 =	simm.s32 $execute0_lowered;
	[smem:$0x3FD2] =	sst s25  }
0xa6: {  	s5 =	sshll.u32 s26, $0x1;
	_ =	strace $0x80000046;
	[dreg:$0x1] =	wrdreg $0xFFFFFFFF  }
0xa7: {  	s28 =	simm.s32 $_size_execute0_lowered;
	s3 =	sadd.s32 s3, s5;
	[dreg:$0x0] =	wrdreg $0x0  }
0xa8: {  	s5 =	sshll.u32 s28, $0x1;
	[dreg:$0x2] =	wrdreg s3  }
0xa9: {  	[dreg:$0x3] =	wrdreg s5  }
0xaa: {  	[dreg:$0x4] =	wrdreg $0xC0  }
0xab: {  	_ =	task [dreg:s7], $0x5FFFF  }
0xac: {  	[dreg:$0x1] =	wrdreg $0xFFFFFFFF  }
0xad: {  	[dreg:$0x0] =	wrdreg $0x60  }
0xae: {  	[dreg:$0x2] =	wrdreg s24  }
0xaf: {  	[dreg:$0x3] =	wrdreg s2  }
0xb0: {  	[dreg:$0x4] =	wrdreg $0x9  }
0xb1: {  	_ =	task.clear_ibuf [dreg:s7], $0x5FFFF;
	_ =	strace $0x90000046  }
0xb2: {  	s29 =	simm.s32 $0x9;
	_ =	strace $0x80000048  }
0xb3: {  	_ =	swait.ge [sflag:s29], $0x1  }
0xb4: {  	[sflag:s29] =	ssyncadd.s32 $0xFFFFFFFF  }
0xb5: {  	_ =	strace $0x90000048  }
0xb6: {  	_ =	sfence  }
0xb7: {  	s30 =	sld [smem:$0x0];
	_ =	sdelay $0x2  }
0xb8: {  	s31 =	sshll.u32 s1, $0xD;
	s1 =	sshrl.u32 s1, $0x2  }
0xb9: {  	s3 =	sand.u32 $0x4000, s31;
	s1 =	sadd.s32 s1, s30  }
0xba: {  	s0 =	sor.u32 s3, s0;
	s1 =	sshll.u32 s1, $0x11  }
0xbb: {  	s0 =	sor.u32 s1, s0  }
0xbc: {  	s0 =	sadd.s32 $0x8F2B, s0  }
0xbd: {  	[sflag:s0] =	ssyncadd.remote.s32 $0x1  }
0xbe: {  	_ =	sfence.sel $0xFFFF  }
0xbf: {  	[dreg:$0x0] =	wrdreg $0xFFFFFFFF;
	(pc) =	sbr.abs _section_cstart, $3  }
0xc0: {  	[dreg:$0x1] =	wrdreg $0xFFFFFFFF  }
0xc1: {  	_ =	task.clear_ibuf [dreg:s7], $0x2FFFF;
	_ =	strace $0x9FFFFFFF  }
0xc2: {  	(tm) =	ssettm $0x7FFFFFFF  }
0xc3: {  	_ =	shalt  }
tec
execute0_lowered:
.L_overlay_start_1:
0x0: {  	(tag) =	ssettag $0x1  }
0x1: {  	s1 =	rddreg [dreg:$0x0]  }
0x2: {  	s6 =	rddreg [dreg:$0x1]  }
0x3: {  	s0 =	rddreg [dreg:$0x2]  }
0x4: {  	s3 =	simm.s32 $0x0;
	s4 =	srdreg.scid;
	s2 =	stileid.u32  }
0x5: {  	s10 =	simm.s32 $0x19000;
	s11 =	simm.s32 $0x1F400;
	s12 =	simm.s32 $0x3  }
0x6: {  	s13 =	simm.s32 $0x2;
	s14 =	simm.s32 $0x1;
	s15 =	simm.s32 $0x1F420  }
0x7: {  	[smem:$0x7FF] =	sst s3;
	s4 =	sand.u32 $0x1, s4;
	s5 =	sshll.u32 s2, $0x1  }
0x8: {  	s16 =	simm.s32 $0x0;
	_ =	strace $0x80000047;
	s5 =	sor.u32 s4, s5  }
0x9: {  	s7 =	ssub.s32 $0x2, s4;
	s4 =	sadd.s32 $0x200, s1;
	s8 =	sshll.u32 s5, $0x4  }
0xa: {  	s9 =	sshrl.u32 s7, $0x1;
	s31 =	sshll.u32 s5, $0x5;
	s8 =	sadd.s32 s8, s1  }
0xb: {  	s7 =	ssub.s32 s7, s9;
	s6 =	sadd.s32 s6, s31;
	s9 =	simm.s32 $0x1000  }
0xc: {  	s5 =	sadd.s32 $0x3400, s8;
	s7 =	smax.u32 s7, $0x1;
	s8 =	simm.s32 $0x80  }
.LBB2_1:
0xd: {  	[tilespmem:s3], [sflag:$0x1] =	stream.linear.gather [hbm4b:s4+s3], $0x19000, $0x38;
	[tilespmem:$0x1F520] =	vst v63  }
0xe: {  	_ = 	snop  }
0xf: {  	[tilespmem:s10], [sflag:$0x2] =	stream.strided.gather [hbm4b:s5+s8], $0x6400, s9, s8, $0x38;
	[tilespmem:$0x1F520] =	vst v63  }
0x10: {  	_ = 	snop  }
0x11: {  	[tilespmem:s11], [sflag:$0x3] =	stream.linear.gather [hbm4b:s1+s3], $0x20, $0x38;
	[tilespmem:$0x1F520] =	vst v63  }
0x12: {  	_ =	swait.ge [sflag:s12], $0x20  }
0x13: {  	[sflag:s12] =	ssyncset.done $0x0  }
0x14: {  	[sflag:s12] =	ssyncadd.s32 $0xFFFFFFE0  }
0x15: {  	_ =	swait.ge [sflag:s13], $0x6400  }
0x16: {  	[sflag:s13] =	ssyncset.done $0x0  }
0x17: {  	[sflag:s13] =	ssyncadd.s32 $0xFFFF9C00  }
0x18: {  	_ =	swait.ge [sflag:s14], $0x19000  }
0x19: {  	[sflag:s14] =	ssyncset.done $0x0  }
0x1a: {  	s17 =	simm.s32 $0x19200;
	[sflag:s14] =	ssyncadd.s32 $0xFFFE7000  }
0x1b: {  	v1 =	vld [tilespmem:s17+$0x180]  }
0x1c: {  	v4 =	vld [tilespmem:s17+$0x100]  }
0x1d: {  	v5 =	vld [tilespmem:s17+$0x80]  }
0x1e: {  	v6 =	vld [tilespmem:s17+$0xFFFFFF80]  }
0x1f: {  	v7 =	vld [tilespmem:s17+$0xFFFFFE80]  }
0x20: {  	v8 =	vld [tilespmem:s17+$0xFFFFFE00]  }
0x21: {  	v9 =	vld [tilespmem:s17+$0xFFFFFF00]  }
0x22: {  	v3 =	vimm.f32 $0.0e+00;
	v0 =	vand.u32 $0xFFFFF000, v1;
	v12 =	vshrl.u32 v1, $0x6  }
0x23: {  	v15 =	vshll.u32 v1, $0x6;
	v1 =	vand.u32 $0xFFFFF000, v4;
	v2 =	vshrl.u32 v4, $0x6  }
0x24: {  	v4 =	vshll.u32 v4, $0x6;
	v13 =	vand.u32 $0xFFFFF000, v5;
	v14 =	vshrl.u32 v5, $0x6  }
0x25: {  	v10 =	vand.u32 $0xFFFFF000, v6;
	v11 =	vshll.u32 v8, $0x6;
	v16 =	vand.u32 $0xFFFFF000, v7  }
0x26: {  	v17 =	vand.u32 $0xFFFFF000, v9;
	v18 =	vand.u32 $0xFFFFF000, v8;
	v8 =	vshrl.u32 v8, $0x6  }
0x27: {  	v19 =	vld [tilespmem:s17+$0x0];
	v59 =	vshll.u32 v7, $0x6;
	v7 =	vshrl.u32 v7, $0x6;
	v60 =	vshll.u32 v9, $0x6  }
0x28: {  	v9 =	vshrl.u32 v9, $0x6;
	v61 =	vshll.u32 v6, $0x6;
	v11 =	vand.u32 $0xFC0, v11  }
0x29: {  	v8 =	vand.u32 $0x3F, v8;
	v11 =	vor.u32 v18, v11;
	v18 =	vand.u32 $0xFC0, v59  }
0x2a: {  	v7 =	vand.u32 $0x3F, v7;
	v16 =	vor.u32 v16, v18;
	v8 =	vor.u32 v8, v11  }
0x2b: {  	v6 =	vshrl.u32 v6, $0x6;
	v11 =	vor.u32 v7, v16;
	v7 =	vand.u32 $0xFC0, v60  }
0x2c: {  	v62 =	vshll.u32 v19, $0x6;
	v9 =	vand.u32 $0x3F, v9;
	v7 =	vor.u32 v17, v7  }
0x2d: {  	v63 =	vshrl.u32 v19, $0x6;
	v16 =	vand.u32 $0xFC0, v61;
	v17 =	vor.u32 v9, v7  }
0x2e: {  	v5 =	vshll.u32 v5, $0x6;
	v6 =	vand.u32 $0x3F, v6;
	v7 =	vor.u32 v10, v16  }
0x2f: {  	v9 =	vand.u32 $0xFFFFF000, v19;
	v10 =	vor.u32 v6, v7;
	v6 =	vand.u32 $0xFC0, v62;
	v7 =	vld.idx.msk [tilespmem:v8+s3+$0x0], $0xffff  }
0x30: {  	v5 =	vand.u32 $0xFC0, v5;
	v8 =	vor.u32 v9, v6;
	v9 =	vand.u32 $0x3F, v63  }
0x31: {  	v14 =	vand.u32 $0x3F, v14;
	v13 =	vor.u32 v13, v5;
	v6 =	vld.idx.msk [tilespmem:v11+s3+$0x0], $0xffff;
	v11 =	vor.u32 v9, v8  }
0x32: {  	s18 =	simm.s32 $0x19600;
	s17 =	simm.s32 $0x0;
	v5 =	vimm.f32 $0.0e+00;
	v9 =	vand.u32 $0x3F, v12;
	v12 =	vand.u32 $0xFC0, v15;
	v8 =	vld.idx.msk [tilespmem:v17+s3+$0x0], $0xffff  }
.LBB2_2:
0x33: {  	v15 =	vld [tilespmem:s18+$0x180];
	v13 =	vor.u32 v14, v13;
	v4 =	vand.u32 $0xFC0, v4;
	v2 =	vand.u32 $0x3F, v2  }
0x34: {  	v14 =	vshll.u32 v7, $0x10;
	v7 =	vand.u32 $0xFFFF0000, v7;
	v10 =	vld.idx.msk [tilespmem:v10+s3+$0x0], $0xffff;
	v1 =	vor.u32 v1, v4  }
0x35: {  	v3 =	vadd.f32 v14, v3;
	v5 =	vadd.f32 v7, v5;
	v4 =	vld [tilespmem:s18+$0x100];
	v1 =	vor.u32 v2, v1  }
0x36: {  	v0 =	vor.u32 v0, v12;
	v2 =	vshll.u32 v6, $0x10;
	v6 =	vand.u32 $0xFFFF0000, v6;
	v7 =	vld.idx.msk [tilespmem:v11+s3+$0x0], $0xffff  }
0x37: {  	v2 =	vadd.f32 v2, v3;
	v3 =	vadd.f32 v6, v5;
	v5 =	vor.u32 v9, v0;
	v11 =	vld [tilespmem:s18+$0x80]  }
0x38: {  	v0 =	vshll.u32 v8, $0x10;
	v6 =	vand.u32 $0xFFFF0000, v8;
	v8 =	vld.idx.msk [tilespmem:v13+s3+$0x0], $0xffff  }
0x39: {  	v2 =	vadd.f32 v0, v2;
	v3 =	vadd.f32 v6, v3;
	v9 =	vld [tilespmem:s18+$0x0]  }
0x3a: {  	v0 =	vand.u32 $0xFFFFF000, v15;
	v6 =	vshll.u32 v10, $0x10;
	v10 =	vand.u32 $0xFFFF0000, v10;
	v12 =	vld.idx.msk [tilespmem:v1+s3+$0x0], $0xffff  }
0x3b: {  	v14 =	vshrl.u32 v15, $0x6;
	v2 =	vadd.f32 v6, v2;
	v3 =	vadd.f32 v10, v3;
	v13 =	vld [tilespmem:s18+$0xFFFFFF80]  }
0x3c: {  	v15 =	vshll.u32 v15, $0x6;
	v6 =	vshll.u32 v7, $0x10;
	v7 =	vand.u32 $0xFFFF0000, v7;
	v5 =	vld.idx.msk [tilespmem:v5+s3+$0x0], $0xffff  }
0x3d: {  	v1 =	vand.u32 $0xFFFFF000, v4;
	v6 =	vadd.f32 v6, v2;
	v3 =	vadd.f32 v7, v3;
	v10 =	vld [tilespmem:s18+$0xFFFFFF00]  }
0x3e: {  	v2 =	vshrl.u32 v4, $0x6;
	v16 =	vshll.u32 v8, $0x10;
	v8 =	vand.u32 $0xFFFF0000, v8;
	v7 =	vld [tilespmem:s18+$0xFFFFFE80]  }
0x3f: {  	s17 =	sadd.s32 $0x8, s17;
	v4 =	vshll.u32 v4, $0x6;
	v6 =	vadd.f32 v16, v6;
	v3 =	vadd.f32 v8, v3;
	v17 =	vld [tilespmem:s18+$0xFFFFFE00]  }
0x40: {  	p0 =	slt.u32 s17, $0xC0;
	v16 =	vand.u32 $0xFFFFF000, v11;
	v8 =	vshll.u32 v12, $0x10;
	v12 =	vand.u32 $0xFFFF0000, v12  }
0x41: {  	v18 =	vshrl.u32 v11, $0x6;
	v6 =	vadd.f32 v8, v6;
	v8 =	vadd.f32 v12, v3  }
0x42: {  	v12 =	vand.u32 $0xFFFFF000, v9;
	v3 =	vshll.u32 v5, $0x10;
	v5 =	vand.u32 $0xFFFF0000, v5  }
0x43: {  	v19 =	vand.u32 $0xFFFFF000, v13;
	v3 =	vadd.f32 v3, v6;
	v5 =	vadd.f32 v5, v8  }
0x44: {  	v20 =	vand.u32 $0xFFFFF000, v10;
	v8 =	vand.u32 $0xFFFFF000, v7;
	v6 =	vshll.u32 v17, $0x6  }
0x45: {  	v21 =	vand.u32 $0xFFFFF000, v17;
	v17 =	vshrl.u32 v17, $0x6;
	v6 =	vand.u32 $0xFC0, v6  }
0x46: {  	v17 =	vand.u32 $0x3F, v17;
	v6 =	vor.u32 v21, v6;
	v21 =	vshll.u32 v7, $0x6  }
0x47: {  	v7 =	vshrl.u32 v7, $0x6;
	v6 =	vor.u32 v17, v6;
	v17 =	vand.u32 $0xFC0, v21  }
0x48: {  	v7 =	vand.u32 $0x3F, v7;
	v8 =	vor.u32 v8, v17;
	v17 =	vshll.u32 v10, $0x6  }
0x49: {  	v10 =	vshrl.u32 v10, $0x6;
	v8 =	vor.u32 v7, v8;
	v7 =	vand.u32 $0xFC0, v17  }
0x4a: {  	v10 =	vand.u32 $0x3F, v10;
	v17 =	vshll.u32 v13, $0x6;
	v7 =	vor.u32 v20, v7  }
0x4b: {  	v13 =	vshrl.u32 v13, $0x6;
	v20 =	vor.u32 v10, v7;
	v10 =	vand.u32 $0xFC0, v17  }
.Ltmp0:
0x4c: {  	v7 =	vld.idx.msk [tilespmem:v6+s3+$0x0], $0xffff;
	v6 =	vor.u32 v19, v10;
	v10 =	vand.u32 $0x3F, v13;
	v13 =	vshll.u32 v9, $0x6;
	(pc) =	sbr.rel @p0 .LBB2_2-.Ltmp0, $4  }
0x4d: {  	v9 =	vshrl.u32 v9, $0x6;
	v10 =	vor.u32 v10, v6;
	v13 =	vand.u32 $0xFC0, v13  }
0x4e: {  	v9 =	vand.u32 $0x3F, v9;
	v6 =	vld.idx.msk [tilespmem:v8+s3+$0x0], $0xffff;
	v8 =	vor.u32 v12, v13;
	v12 =	vshll.u32 v11, $0x6  }
0x4f: {  	v11 =	vor.u32 v9, v8;
	v12 =	vand.u32 $0xFC0, v12;
	v9 =	vand.u32 $0x3F, v14  }
0x50: {  	s18 =	sadd.s32 $0x400, s18;
	v14 =	vand.u32 $0x3F, v18;
	v8 =	vld.idx.msk [tilespmem:v20+s3+$0x0], $0xffff;
	v13 =	vor.u32 v16, v12;
	v12 =	vand.u32 $0xFC0, v15  }
0x51: {  	_ =	sdelay $0x2  }
0x52: {  	v13 =	vor.u32 v14, v13;
	v4 =	vand.u32 $0xFC0, v4;
	v14 =	vshll.u32 v7, $0x10  }
0x53: {  	v2 =	vand.u32 $0x3F, v2;
	v10 =	vld.idx.msk [tilespmem:v10+s3+$0x0], $0xffff;
	v1 =	vor.u32 v1, v4;
	v3 =	vadd.f32 v14, v3  }
0x54: {  	v1 =	vor.u32 v2, v1;
	v2 =	vshll.u32 v6, $0x10  }
0x55: {  	v0 =	vor.u32 v0, v12;
	v4 =	vld.idx.msk [tilespmem:v11+s3+$0x0], $0xffff;
	v2 =	vadd.f32 v2, v3  }
0x56: {  	v0 =	vor.u32 v9, v0;
	v3 =	vshll.u32 v8, $0x10  }
0x57: {  	v9 =	vld.idx.msk [tilespmem:v13+s3+$0x0], $0xffff;
	v2 =	vadd.f32 v3, v2  }
0x58: {  	v3 =	vshll.u32 v10, $0x10  }
0x59: {  	v1 =	vld.idx.msk [tilespmem:v1+s3+$0x0], $0xffff;
	v2 =	vadd.f32 v3, v2  }
0x5a: {  	v3 =	vshll.u32 v4, $0x10  }
0x5b: {  	v0 =	vld.idx.msk [tilespmem:v0+s3+$0x0], $0xffff;
	v2 =	vadd.f32 v3, v2  }
0x5c: {  	v3 =	vshll.u32 v9, $0x10  }
0x5d: {  	v2 =	vadd.f32 v3, v2  }
0x5e: {  	v11 =	vld [tilespmem:$0x1F400];
	v3 =	vshll.u32 v1, $0x10  }
0x5f: {  	v7 =	vand.u32 $0xFFFF0000, v7;
	v2 =	vadd.f32 v3, v2  }
0x60: {  	v3 =	vadd.f32 v7, v5;
	v5 =	vshll.u32 v0, $0x10  }
0x61: {  	v6 =	vand.u32 $0xFFFF0000, v6;
	v2 =	vadd.f32 v5, v2  }
0x62: {  	v3 =	vadd.f32 v6, v3  }
0x63: {  	v5 =	vand.u32 $0xFFFF0000, v8;
	v2 =	vadd.f32 v11, v2  }
0x64: {  	v3 =	vadd.f32 v5, v3  }
0x65: {  	v5 =	vand.u32 $0xFFFF0000, v10;
	v2 =	vsub.f32 $0.0e+00, v2  }
0x66: {  	v3 =	vadd.f32 v5, v3  }
0x67: {  	v4 =	vand.u32 $0xFFFF0000, v4;
	v2 =	vmul.f32 $1.442695020e+00, v2  }
0x68: {  	v3 =	vadd.f32 v4, v3  }
0x69: {  	v4 =	vand.u32 $0xFFFF0000, v9;
	(erf) = vpow2.f32 v2  }
0x6a: {  	v2 =	vadd.f32 v4, v3  }
0x6b: {  	v1 =	vand.u32 $0xFFFF0000, v1;
	v3 =	vld [tilespmem:$0x1F410]  }
0x6c: {  	v1 =	vadd.f32 v1, v2  }
0x6d: {  	v0 =	vand.u32 $0xFFFF0000, v0  }
0x6e: {  	v0 =	vadd.f32 v0, v1;
	_ =	sdelay $0x1  }
0x6f: {  	v0 =	vadd.f32 v3, v0;
	_ =	sdelay $0x1  }
0x70: {  	v0 =	vsub.f32 $0.0e+00, v0;
	v1 =	vpop (erf)  }
0x71: {  	v1 =	vadd.f32 $1.000000000e+00, v1  }
0x72: {  	v0 =	vmul.f32 $1.442695020e+00, v0  }
0x73: {  	(erf) = vrcp.f32 v1  }
0x74: {  	(erf) = vpow2.f32 v0;
	_ =	sdelay $0x7  }
0x75: {  	v0 =	vpop (erf)  }
0x76: {  	v1 =	vpop (erf)  }
0x77: {  	v1 =	vadd.f32 $1.000000000e+00, v1;
	_ =	sdelay $0x1  }
0x78: {  	(erf) = vrcp.f32 v1;
	_ =	sdelay $0x8  }
0x79: {  	[tilespmem:$0x1F420] =	vst v0;
	v0 =	vpop (erf)  }
0x7a: {  	s17 =	simm.s32 $0x19210;
	[tilespmem:$0x1F4A0] =	vst v0  }
0x7b: {  	v1 =	vld [tilespmem:s17+$0x180]  }
0x7c: {  	v4 =	vld [tilespmem:s17+$0x100]  }
0x7d: {  	v5 =	vld [tilespmem:s17+$0x80]  }
0x7e: {  	v6 =	vld [tilespmem:s17+$0xFFFFFF80]  }
0x7f: {  	v7 =	vld [tilespmem:s17+$0xFFFFFE80]  }
0x80: {  	v8 =	vld [tilespmem:s17+$0xFFFFFE00]  }
0x81: {  	v9 =	vld [tilespmem:s17+$0xFFFFFF00]  }
0x82: {  	v3 =	vimm.f32 $0.0e+00;
	v0 =	vand.u32 $0xFFFFF000, v1;
	v12 =	vshrl.u32 v1, $0x6  }
0x83: {  	v15 =	vshll.u32 v1, $0x6;
	v1 =	vand.u32 $0xFFFFF000, v4;
	v2 =	vshrl.u32 v4, $0x6  }
0x84: {  	v4 =	vshll.u32 v4, $0x6;
	v13 =	vand.u32 $0xFFFFF000, v5;
	v14 =	vshrl.u32 v5, $0x6  }
0x85: {  	v10 =	vand.u32 $0xFFFFF000, v6;
	v11 =	vshll.u32 v8, $0x6;
	v16 =	vand.u32 $0xFFFFF000, v7  }
0x86: {  	v17 =	vand.u32 $0xFFFFF000, v9;
	v18 =	vand.u32 $0xFFFFF000, v8;
	v8 =	vshrl.u32 v8, $0x6  }
0x87: {  	v19 =	vld [tilespmem:s17+$0x0];
	v59 =	vshll.u32 v7, $0x6;
	v7 =	vshrl.u32 v7, $0x6;
	v60 =	vshll.u32 v9, $0x6  }
0x88: {  	v9 =	vshrl.u32 v9, $0x6;
	v61 =	vshll.u32 v6, $0x6;
	v11 =	vand.u32 $0xFC0, v11  }
0x89: {  	v8 =	vand.u32 $0x3F, v8;
	v11 =	vor.u32 v18, v11;
	v18 =	vand.u32 $0xFC0, v59  }
0x8a: {  	v7 =	vand.u32 $0x3F, v7;
	v16 =	vor.u32 v16, v18;
	v8 =	vor.u32 v8, v11  }
0x8b: {  	v6 =	vshrl.u32 v6, $0x6;
	v11 =	vor.u32 v7, v16;
	v7 =	vand.u32 $0xFC0, v60  }
0x8c: {  	v62 =	vshll.u32 v19, $0x6;
	v9 =	vand.u32 $0x3F, v9;
	v7 =	vor.u32 v17, v7  }
0x8d: {  	v63 =	vshrl.u32 v19, $0x6;
	v16 =	vand.u32 $0xFC0, v61;
	v17 =	vor.u32 v9, v7  }
0x8e: {  	v5 =	vshll.u32 v5, $0x6;
	v6 =	vand.u32 $0x3F, v6;
	v7 =	vor.u32 v10, v16  }
0x8f: {  	v9 =	vand.u32 $0xFFFFF000, v19;
	v10 =	vor.u32 v6, v7;
	v6 =	vand.u32 $0xFC0, v62;
	v7 =	vld.idx.msk [tilespmem:v8+s3+$0x0], $0xffff  }
0x90: {  	v5 =	vand.u32 $0xFC0, v5;
	v8 =	vor.u32 v9, v6;
	v9 =	vand.u32 $0x3F, v63  }
0x91: {  	v14 =	vand.u32 $0x3F, v14;
	v13 =	vor.u32 v13, v5;
	v6 =	vld.idx.msk [tilespmem:v11+s3+$0x0], $0xffff;
	v11 =	vor.u32 v9, v8  }
0x92: {  	s18 =	simm.s32 $0x19610;
	s17 =	simm.s32 $0x0;
	v5 =	vimm.f32 $0.0e+00;
	v9 =	vand.u32 $0x3F, v12;
	v12 =	vand.u32 $0xFC0, v15;
	v8 =	vld.idx.msk [tilespmem:v17+s3+$0x0], $0xffff  }
.LBB2_4:
0x93: {  	v15 =	vld [tilespmem:s18+$0x180];
	v13 =	vor.u32 v14, v13;
	v4 =	vand.u32 $0xFC0, v4;
	v2 =	vand.u32 $0x3F, v2  }
0x94: {  	v14 =	vshll.u32 v7, $0x10;
	v7 =	vand.u32 $0xFFFF0000, v7;
	v10 =	vld.idx.msk [tilespmem:v10+s3+$0x0], $0xffff;
	v1 =	vor.u32 v1, v4  }
0x95: {  	v3 =	vadd.f32 v14, v3;
	v5 =	vadd.f32 v7, v5;
	v4 =	vld [tilespmem:s18+$0x100];
	v1 =	vor.u32 v2, v1  }
0x96: {  	v0 =	vor.u32 v0, v12;
	v2 =	vshll.u32 v6, $0x10;
	v6 =	vand.u32 $0xFFFF0000, v6;
	v7 =	vld.idx.msk [tilespmem:v11+s3+$0x0], $0xffff  }
0x97: {  	v2 =	vadd.f32 v2, v3;
	v3 =	vadd.f32 v6, v5;
	v5 =	vor.u32 v9, v0;
	v11 =	vld [tilespmem:s18+$0x80]  }
0x98: {  	v0 =	vshll.u32 v8, $0x10;
	v6 =	vand.u32 $0xFFFF0000, v8;
	v8 =	vld.idx.msk [tilespmem:v13+s3+$0x0], $0xffff  }
0x99: {  	v2 =	vadd.f32 v0, v2;
	v3 =	vadd.f32 v6, v3;
	v9 =	vld [tilespmem:s18+$0x0]  }
0x9a: {  	v0 =	vand.u32 $0xFFFFF000, v15;
	v6 =	vshll.u32 v10, $0x10;
	v10 =	vand.u32 $0xFFFF0000, v10;
	v12 =	vld.idx.msk [tilespmem:v1+s3+$0x0], $0xffff  }
0x9b: {  	v14 =	vshrl.u32 v15, $0x6;
	v2 =	vadd.f32 v6, v2;
	v3 =	vadd.f32 v10, v3;
	v13 =	vld [tilespmem:s18+$0xFFFFFF80]  }
0x9c: {  	v15 =	vshll.u32 v15, $0x6;
	v6 =	vshll.u32 v7, $0x10;
	v7 =	vand.u32 $0xFFFF0000, v7;
	v5 =	vld.idx.msk [tilespmem:v5+s3+$0x0], $0xffff  }
0x9d: {  	v1 =	vand.u32 $0xFFFFF000, v4;
	v6 =	vadd.f32 v6, v2;
	v3 =	vadd.f32 v7, v3;
	v10 =	vld [tilespmem:s18+$0xFFFFFF00]  }
0x9e: {  	v2 =	vshrl.u32 v4, $0x6;
	v16 =	vshll.u32 v8, $0x10;
	v8 =	vand.u32 $0xFFFF0000, v8;
	v7 =	vld [tilespmem:s18+$0xFFFFFE80]  }
0x9f: {  	s17 =	sadd.s32 $0x8, s17;
	v4 =	vshll.u32 v4, $0x6;
	v6 =	vadd.f32 v16, v6;
	v3 =	vadd.f32 v8, v3;
	v17 =	vld [tilespmem:s18+$0xFFFFFE00]  }
0xa0: {  	p0 =	slt.u32 s17, $0xC0;
	v16 =	vand.u32 $0xFFFFF000, v11;
	v8 =	vshll.u32 v12, $0x10;
	v12 =	vand.u32 $0xFFFF0000, v12  }
0xa1: {  	v18 =	vshrl.u32 v11, $0x6;
	v6 =	vadd.f32 v8, v6;
	v8 =	vadd.f32 v12, v3  }
0xa2: {  	v12 =	vand.u32 $0xFFFFF000, v9;
	v3 =	vshll.u32 v5, $0x10;
	v5 =	vand.u32 $0xFFFF0000, v5  }
0xa3: {  	v19 =	vand.u32 $0xFFFFF000, v13;
	v3 =	vadd.f32 v3, v6;
	v5 =	vadd.f32 v5, v8  }
0xa4: {  	v20 =	vand.u32 $0xFFFFF000, v10;
	v8 =	vand.u32 $0xFFFFF000, v7;
	v6 =	vshll.u32 v17, $0x6  }
0xa5: {  	v21 =	vand.u32 $0xFFFFF000, v17;
	v17 =	vshrl.u32 v17, $0x6;
	v6 =	vand.u32 $0xFC0, v6  }
0xa6: {  	v17 =	vand.u32 $0x3F, v17;
	v6 =	vor.u32 v21, v6;
	v21 =	vshll.u32 v7, $0x6  }
0xa7: {  	v7 =	vshrl.u32 v7, $0x6;
	v6 =	vor.u32 v17, v6;
	v17 =	vand.u32 $0xFC0, v21  }
0xa8: {  	v7 =	vand.u32 $0x3F, v7;
	v8 =	vor.u32 v8, v17;
	v17 =	vshll.u32 v10, $0x6  }
0xa9: {  	v10 =	vshrl.u32 v10, $0x6;
	v8 =	vor.u32 v7, v8;
	v7 =	vand.u32 $0xFC0, v17  }
0xaa: {  	v10 =	vand.u32 $0x3F, v10;
	v17 =	vshll.u32 v13, $0x6;
	v7 =	vor.u32 v20, v7  }
0xab: {  	v13 =	vshrl.u32 v13, $0x6;
	v20 =	vor.u32 v10, v7;
	v10 =	vand.u32 $0xFC0, v17  }
.Ltmp1:
0xac: {  	v7 =	vld.idx.msk [tilespmem:v6+s3+$0x0], $0xffff;
	v6 =	vor.u32 v19, v10;
	v10 =	vand.u32 $0x3F, v13;
	v13 =	vshll.u32 v9, $0x6;
	(pc) =	sbr.rel @p0 .LBB2_4-.Ltmp1, $4  }
0xad: {  	v9 =	vshrl.u32 v9, $0x6;
	v10 =	vor.u32 v10, v6;
	v13 =	vand.u32 $0xFC0, v13  }
0xae: {  	v9 =	vand.u32 $0x3F, v9;
	v6 =	vld.idx.msk [tilespmem:v8+s3+$0x0], $0xffff;
	v8 =	vor.u32 v12, v13;
	v12 =	vshll.u32 v11, $0x6  }
0xaf: {  	v11 =	vor.u32 v9, v8;
	v12 =	vand.u32 $0xFC0, v12;
	v9 =	vand.u32 $0x3F, v14  }
0xb0: {  	s18 =	sadd.s32 $0x400, s18;
	v14 =	vand.u32 $0x3F, v18;
	v8 =	vld.idx.msk [tilespmem:v20+s3+$0x0], $0xffff;
	v13 =	vor.u32 v16, v12;
	v12 =	vand.u32 $0xFC0, v15  }
0xb1: {  	_ =	sdelay $0x2  }
0xb2: {  	v13 =	vor.u32 v14, v13;
	v4 =	vand.u32 $0xFC0, v4;
	v14 =	vshll.u32 v7, $0x10  }
0xb3: {  	v2 =	vand.u32 $0x3F, v2;
	v10 =	vld.idx.msk [tilespmem:v10+s3+$0x0], $0xffff;
	v1 =	vor.u32 v1, v4;
	v3 =	vadd.f32 v14, v3  }
0xb4: {  	v1 =	vor.u32 v2, v1;
	v2 =	vshll.u32 v6, $0x10  }
0xb5: {  	v0 =	vor.u32 v0, v12;
	v4 =	vld.idx.msk [tilespmem:v11+s3+$0x0], $0xffff;
	v2 =	vadd.f32 v2, v3  }
0xb6: {  	v0 =	vor.u32 v9, v0;
	v3 =	vshll.u32 v8, $0x10  }
0xb7: {  	v9 =	vld.idx.msk [tilespmem:v13+s3+$0x0], $0xffff;
	v2 =	vadd.f32 v3, v2  }
0xb8: {  	v3 =	vshll.u32 v10, $0x10  }
0xb9: {  	v1 =	vld.idx.msk [tilespmem:v1+s3+$0x0], $0xffff;
	v2 =	vadd.f32 v3, v2  }
0xba: {  	v3 =	vshll.u32 v4, $0x10  }
0xbb: {  	v0 =	vld.idx.msk [tilespmem:v0+s3+$0x0], $0xffff;
	v2 =	vadd.f32 v3, v2  }
0xbc: {  	v3 =	vshll.u32 v9, $0x10  }
0xbd: {  	v2 =	vadd.f32 v3, v2  }
0xbe: {  	v11 =	vld [tilespmem:$0x1F400];
	v3 =	vshll.u32 v1, $0x10  }
0xbf: {  	v7 =	vand.u32 $0xFFFF0000, v7;
	v2 =	vadd.f32 v3, v2  }
0xc0: {  	v3 =	vadd.f32 v7, v5;
	v5 =	vshll.u32 v0, $0x10  }
0xc1: {  	v6 =	vand.u32 $0xFFFF0000, v6;
	v2 =	vadd.f32 v5, v2  }
0xc2: {  	v3 =	vadd.f32 v6, v3  }
0xc3: {  	v5 =	vand.u32 $0xFFFF0000, v8;
	v2 =	vadd.f32 v11, v2  }
0xc4: {  	v3 =	vadd.f32 v5, v3  }
0xc5: {  	v5 =	vand.u32 $0xFFFF0000, v10;
	v2 =	vsub.f32 $0.0e+00, v2  }
0xc6: {  	v3 =	vadd.f32 v5, v3  }
0xc7: {  	v4 =	vand.u32 $0xFFFF0000, v4;
	v2 =	vmul.f32 $1.442695020e+00, v2  }
0xc8: {  	v3 =	vadd.f32 v4, v3  }
0xc9: {  	v4 =	vand.u32 $0xFFFF0000, v9;
	(erf) = vpow2.f32 v2  }
0xca: {  	v2 =	vadd.f32 v4, v3  }
0xcb: {  	v1 =	vand.u32 $0xFFFF0000, v1;
	v3 =	vld [tilespmem:$0x1F410]  }
0xcc: {  	v1 =	vadd.f32 v1, v2  }
0xcd: {  	v0 =	vand.u32 $0xFFFF0000, v0  }
0xce: {  	v0 =	vadd.f32 v0, v1;
	_ =	sdelay $0x1  }
0xcf: {  	v0 =	vadd.f32 v3, v0;
	_ =	sdelay $0x1  }
0xd0: {  	v0 =	vsub.f32 $0.0e+00, v0;
	v1 =	vpop (erf)  }
0xd1: {  	v1 =	vadd.f32 $1.000000000e+00, v1  }
0xd2: {  	v0 =	vmul.f32 $1.442695020e+00, v0  }
0xd3: {  	(erf) = vrcp.f32 v1  }
0xd4: {  	(erf) = vpow2.f32 v0;
	_ =	sdelay $0x7  }
0xd5: {  	v0 =	vpop (erf)  }
0xd6: {  	v1 =	vpop (erf)  }
0xd7: {  	v1 =	vadd.f32 $1.000000000e+00, v1;
	_ =	sdelay $0x1  }
0xd8: {  	(erf) = vrcp.f32 v1;
	_ =	sdelay $0x8  }
0xd9: {  	[tilespmem:$0x1F430] =	vst v0;
	v0 =	vpop (erf)  }
0xda: {  	s17 =	simm.s32 $0x19220;
	[tilespmem:$0x1F4B0] =	vst v0  }
0xdb: {  	v1 =	vld [tilespmem:s17+$0x180]  }
0xdc: {  	v4 =	vld [tilespmem:s17+$0x100]  }
0xdd: {  	v5 =	vld [tilespmem:s17+$0x80]  }
0xde: {  	v6 =	vld [tilespmem:s17+$0xFFFFFF80]  }
0xdf: {  	v7 =	vld [tilespmem:s17+$0xFFFFFE80]  }
0xe0: {  	v8 =	vld [tilespmem:s17+$0xFFFFFE00]  }
0xe1: {  	v9 =	vld [tilespmem:s17+$0xFFFFFF00]  }
0xe2: {  	v3 =	vimm.f32 $0.0e+00;
	v0 =	vand.u32 $0xFFFFF000, v1;
	v12 =	vshrl.u32 v1, $0x6  }
0xe3: {  	v15 =	vshll.u32 v1, $0x6;
	v1 =	vand.u32 $0xFFFFF000, v4;
	v2 =	vshrl.u32 v4, $0x6  }
0xe4: {  	v4 =	vshll.u32 v4, $0x6;
	v13 =	vand.u32 $0xFFFFF000, v5;
	v14 =	vshrl.u32 v5, $0x6  }
0xe5: {  	v10 =	vand.u32 $0xFFFFF000, v6;
	v11 =	vshll.u32 v8, $0x6;
	v16 =	vand.u32 $0xFFFFF000, v7  }
0xe6: {  	v17 =	vand.u32 $0xFFFFF000, v9;
	v18 =	vand.u32 $0xFFFFF000, v8;
	v8 =	vshrl.u32 v8, $0x6  }
0xe7: {  	v19 =	vld [tilespmem:s17+$0x0];
	v59 =	vshll.u32 v7, $0x6;
	v7 =	vshrl.u32 v7, $0x6;
	v60 =	vshll.u32 v9, $0x6  }
0xe8: {  	v9 =	vshrl.u32 v9, $0x6;
	v61 =	vshll.u32 v6, $0x6;
	v11 =	vand.u32 $0xFC0, v11  }
0xe9: {  	v8 =	vand.u32 $0x3F, v8;
	v11 =	vor.u32 v18, v11;
	v18 =	vand.u32 $0xFC0, v59  }
0xea: {  	v7 =	vand.u32 $0x3F, v7;
	v16 =	vor.u32 v16, v18;
	v8 =	vor.u32 v8, v11  }
0xeb: {  	v6 =	vshrl.u32 v6, $0x6;
	v11 =	vor.u32 v7, v16;
	v7 =	vand.u32 $0xFC0, v60  }
0xec: {  	v62 =	vshll.u32 v19, $0x6;
	v9 =	vand.u32 $0x3F, v9;
	v7 =	vor.u32 v17, v7  }
0xed: {  	v63 =	vshrl.u32 v19, $0x6;
	v16 =	vand.u32 $0xFC0, v61;
	v17 =	vor.u32 v9, v7  }
0xee: {  	v5 =	vshll.u32 v5, $0x6;
	v6 =	vand.u32 $0x3F, v6;
	v7 =	vor.u32 v10, v16  }
0xef: {  	v9 =	vand.u32 $0xFFFFF000, v19;
	v10 =	vor.u32 v6, v7;
	v6 =	vand.u32 $0xFC0, v62;
	v7 =	vld.idx.msk [tilespmem:v8+s3+$0x0], $0xffff  }
0xf0: {  	v5 =	vand.u32 $0xFC0, v5;
	v8 =	vor.u32 v9, v6;
	v9 =	vand.u32 $0x3F, v63  }
0xf1: {  	v14 =	vand.u32 $0x3F, v14;
	v13 =	vor.u32 v13, v5;
	v6 =	vld.idx.msk [tilespmem:v11+s3+$0x0], $0xffff;
	v11 =	vor.u32 v9, v8  }
0xf2: {  	s18 =	simm.s32 $0x19620;
	s17 =	simm.s32 $0x0;
	v5 =	vimm.f32 $0.0e+00;
	v9 =	vand.u32 $0x3F, v12;
	v12 =	vand.u32 $0xFC0, v15;
	v8 =	vld.idx.msk [tilespmem:v17+s3+$0x0], $0xffff  }
.LBB2_6:
0xf3: {  	v15 =	vld [tilespmem:s18+$0x180];
	v13 =	vor.u32 v14, v13;
	v4 =	vand.u32 $0xFC0, v4;
	v2 =	vand.u32 $0x3F, v2  }
0xf4: {  	v14 =	vshll.u32 v7, $0x10;
	v7 =	vand.u32 $0xFFFF0000, v7;
	v10 =	vld.idx.msk [tilespmem:v10+s3+$0x0], $0xffff;
	v1 =	vor.u32 v1, v4  }
0xf5: {  	v3 =	vadd.f32 v14, v3;
	v5 =	vadd.f32 v7, v5;
	v4 =	vld [tilespmem:s18+$0x100];
	v1 =	vor.u32 v2, v1  }
0xf6: {  	v0 =	vor.u32 v0, v12;
	v2 =	vshll.u32 v6, $0x10;
	v6 =	vand.u32 $0xFFFF0000, v6;
	v7 =	vld.idx.msk [tilespmem:v11+s3+$0x0], $0xffff  }
0xf7: {  	v2 =	vadd.f32 v2, v3;
	v3 =	vadd.f32 v6, v5;
	v5 =	vor.u32 v9, v0;
	v11 =	vld [tilespmem:s18+$0x80]  }
0xf8: {  	v0 =	vshll.u32 v8, $0x10;
	v6 =	vand.u32 $0xFFFF0000, v8;
	v8 =	vld.idx.msk [tilespmem:v13+s3+$0x0], $0xffff  }
0xf9: {  	v2 =	vadd.f32 v0, v2;
	v3 =	vadd.f32 v6, v3;
	v9 =	vld [tilespmem:s18+$0x0]  }
0xfa: {  	v0 =	vand.u32 $0xFFFFF000, v15;
	v6 =	vshll.u32 v10, $0x10;
	v10 =	vand.u32 $0xFFFF0000, v10;
	v12 =	vld.idx.msk [tilespmem:v1+s3+$0x0], $0xffff  }
0xfb: {  	v14 =	vshrl.u32 v15, $0x6;
	v2 =	vadd.f32 v6, v2;
	v3 =	vadd.f32 v10, v3;
	v13 =	vld [tilespmem:s18+$0xFFFFFF80]  }
0xfc: {  	v15 =	vshll.u32 v15, $0x6;
	v6 =	vshll.u32 v7, $0x10;
	v7 =	vand.u32 $0xFFFF0000, v7;
	v5 =	vld.idx.msk [tilespmem:v5+s3+$0x0], $0xffff  }
0xfd: {  	v1 =	vand.u32 $0xFFFFF000, v4;
	v6 =	vadd.f32 v6, v2;
	v3 =	vadd.f32 v7, v3;
	v10 =	vld [tilespmem:s18+$0xFFFFFF00]  }
0xfe: {  	v2 =	vshrl.u32 v4, $0x6;
	v16 =	vshll.u32 v8, $0x10;
	v8 =	vand.u32 $0xFFFF0000, v8;
	v7 =	vld [tilespmem:s18+$0xFFFFFE80]  }
0xff: {  	s17 =	sadd.s32 $0x8, s17;
	v4 =	vshll.u32 v4, $0x6;
	v6 =	vadd.f32 v16, v6;
	v3 =	vadd.f32 v8, v3;
	v17 =	vld [tilespmem:s18+$0xFFFFFE00]  }
0x100: {  	p0 =	slt.u32 s17, $0xC0;
	v16 =	vand.u32 $0xFFFFF000, v11;
	v8 =	vshll.u32 v12, $0x10;
	v12 =	vand.u32 $0xFFFF0000, v12  }
0x101: {  	v18 =	vshrl.u32 v11, $0x6;
	v6 =	vadd.f32 v8, v6;
	v8 =	vadd.f32 v12, v3  }
0x102: {  	v12 =	vand.u32 $0xFFFFF000, v9;
	v3 =	vshll.u32 v5, $0x10;
	v5 =	vand.u32 $0xFFFF0000, v5  }
0x103: {  	v19 =	vand.u32 $0xFFFFF000, v13;
	v3 =	vadd.f32 v3, v6;
	v5 =	vadd.f32 v5, v8  }
0x104: {  	v20 =	vand.u32 $0xFFFFF000, v10;
	v8 =	vand.u32 $0xFFFFF000, v7;
	v6 =	vshll.u32 v17, $0x6  }
0x105: {  	v21 =	vand.u32 $0xFFFFF000, v17;
	v17 =	vshrl.u32 v17, $0x6;
	v6 =	vand.u32 $0xFC0, v6  }
0x106: {  	v17 =	vand.u32 $0x3F, v17;
	v6 =	vor.u32 v21, v6;
	v21 =	vshll.u32 v7, $0x6  }
0x107: {  	v7 =	vshrl.u32 v7, $0x6;
	v6 =	vor.u32 v17, v6;
	v17 =	vand.u32 $0xFC0, v21  }
0x108: {  	v7 =	vand.u32 $0x3F, v7;
	v8 =	vor.u32 v8, v17;
	v17 =	vshll.u32 v10, $0x6  }
0x109: {  	v10 =	vshrl.u32 v10, $0x6;
	v8 =	vor.u32 v7, v8;
	v7 =	vand.u32 $0xFC0, v17  }
0x10a: {  	v10 =	vand.u32 $0x3F, v10;
	v17 =	vshll.u32 v13, $0x6;
	v7 =	vor.u32 v20, v7  }
0x10b: {  	v13 =	vshrl.u32 v13, $0x6;
	v20 =	vor.u32 v10, v7;
	v10 =	vand.u32 $0xFC0, v17  }
.Ltmp2:
0x10c: {  	v7 =	vld.idx.msk [tilespmem:v6+s3+$0x0], $0xffff;
	v6 =	vor.u32 v19, v10;
	v10 =	vand.u32 $0x3F, v13;
	v13 =	vshll.u32 v9, $0x6;
	(pc) =	sbr.rel @p0 .LBB2_6-.Ltmp2, $4  }
0x10d: {  	v9 =	vshrl.u32 v9, $0x6;
	v10 =	vor.u32 v10, v6;
	v13 =	vand.u32 $0xFC0, v13  }
0x10e: {  	v9 =	vand.u32 $0x3F, v9;
	v6 =	vld.idx.msk [tilespmem:v8+s3+$0x0], $0xffff;
	v8 =	vor.u32 v12, v13;
	v12 =	vshll.u32 v11, $0x6  }
0x10f: {  	v11 =	vor.u32 v9, v8;
	v12 =	vand.u32 $0xFC0, v12;
	v9 =	vand.u32 $0x3F, v14  }
0x110: {  	s18 =	sadd.s32 $0x400, s18;
	v14 =	vand.u32 $0x3F, v18;
	v8 =	vld.idx.msk [tilespmem:v20+s3+$0x0], $0xffff;
	v13 =	vor.u32 v16, v12;
	v12 =	vand.u32 $0xFC0, v15  }
0x111: {  	_ =	sdelay $0x2  }
0x112: {  	v13 =	vor.u32 v14, v13;
	v4 =	vand.u32 $0xFC0, v4;
	v14 =	vshll.u32 v7, $0x10  }
0x113: {  	v2 =	vand.u32 $0x3F, v2;
	v10 =	vld.idx.msk [tilespmem:v10+s3+$0x0], $0xffff;
	v1 =	vor.u32 v1, v4;
	v3 =	vadd.f32 v14, v3  }
0x114: {  	v1 =	vor.u32 v2, v1;
	v2 =	vshll.u32 v6, $0x10  }
0x115: {  	v0 =	vor.u32 v0, v12;
	v4 =	vld.idx.msk [tilespmem:v11+s3+$0x0], $0xffff;
	v2 =	vadd.f32 v2, v3  }
0x116: {  	v0 =	vor.u32 v9, v0;
	v3 =	vshll.u32 v8, $0x10  }
0x117: {  	v9 =	vld.idx.msk [tilespmem:v13+s3+$0x0], $0xffff;
	v2 =	vadd.f32 v3, v2  }
0x118: {  	v3 =	vshll.u32 v10, $0x10  }
0x119: {  	v1 =	vld.idx.msk [tilespmem:v1+s3+$0x0], $0xffff;
	v2 =	vadd.f32 v3, v2  }
0x11a: {  	v3 =	vshll.u32 v4, $0x10  }
0x11b: {  	v0 =	vld.idx.msk [tilespmem:v0+s3+$0x0], $0xffff;
	v2 =	vadd.f32 v3, v2  }
0x11c: {  	v3 =	vshll.u32 v9, $0x10  }
0x11d: {  	v2 =	vadd.f32 v3, v2  }
0x11e: {  	v11 =	vld [tilespmem:$0x1F400];
	v3 =	vshll.u32 v1, $0x10  }
0x11f: {  	v7 =	vand.u32 $0xFFFF0000, v7;
	v2 =	vadd.f32 v3, v2  }
0x120: {  	v3 =	vadd.f32 v7, v5;
	v5 =	vshll.u32 v0, $0x10  }
0x121: {  	v6 =	vand.u32 $0xFFFF0000, v6;
	v2 =	vadd.f32 v5, v2  }
0x122: {  	v3 =	vadd.f32 v6, v3  }
0x123: {  	v5 =	vand.u32 $0xFFFF0000, v8;
	v2 =	vadd.f32 v11, v2  }
0x124: {  	v3 =	vadd.f32 v5, v3  }
0x125: {  	v5 =	vand.u32 $0xFFFF0000, v10;
	v2 =	vsub.f32 $0.0e+00, v2  }
0x126: {  	v3 =	vadd.f32 v5, v3  }
0x127: {  	v4 =	vand.u32 $0xFFFF0000, v4;
	v2 =	vmul.f32 $1.442695020e+00, v2  }
0x128: {  	v3 =	vadd.f32 v4, v3  }
0x129: {  	v4 =	vand.u32 $0xFFFF0000, v9;
	(erf) = vpow2.f32 v2  }
0x12a: {  	v2 =	vadd.f32 v4, v3  }
0x12b: {  	v1 =	vand.u32 $0xFFFF0000, v1;
	v3 =	vld [tilespmem:$0x1F410]  }
0x12c: {  	v1 =	vadd.f32 v1, v2  }
0x12d: {  	v0 =	vand.u32 $0xFFFF0000, v0  }
0x12e: {  	v0 =	vadd.f32 v0, v1;
	_ =	sdelay $0x1  }
0x12f: {  	v0 =	vadd.f32 v3, v0;
	_ =	sdelay $0x1  }
0x130: {  	v0 =	vsub.f32 $0.0e+00, v0;
	v1 =	vpop (erf)  }
0x131: {  	v1 =	vadd.f32 $1.000000000e+00, v1  }
0x132: {  	v0 =	vmul.f32 $1.442695020e+00, v0  }
0x133: {  	(erf) = vrcp.f32 v1  }
0x134: {  	(erf) = vpow2.f32 v0;
	_ =	sdelay $0x7  }
0x135: {  	v0 =	vpop (erf)  }
0x136: {  	v1 =	vpop (erf)  }
0x137: {  	v1 =	vadd.f32 $1.000000000e+00, v1;
	_ =	sdelay $0x1  }
0x138: {  	(erf) = vrcp.f32 v1;
	_ =	sdelay $0x8  }
0x139: {  	[tilespmem:$0x1F440] =	vst v0;
	v0 =	vpop (erf)  }
0x13a: {  	s17 =	simm.s32 $0x19230;
	[tilespmem:$0x1F4C0] =	vst v0  }
0x13b: {  	v1 =	vld [tilespmem:s17+$0x180]  }
0x13c: {  	v4 =	vld [tilespmem:s17+$0x100]  }
0x13d: {  	v5 =	vld [tilespmem:s17+$0x80]  }
0x13e: {  	v6 =	vld [tilespmem:s17+$0xFFFFFF80]  }
0x13f: {  	v7 =	vld [tilespmem:s17+$0xFFFFFE80]  }
0x140: {  	v8 =	vld [tilespmem:s17+$0xFFFFFE00]  }
0x141: {  	v9 =	vld [tilespmem:s17+$0xFFFFFF00]  }
0x142: {  	v3 =	vimm.f32 $0.0e+00;
	v0 =	vand.u32 $0xFFFFF000, v1;
	v12 =	vshrl.u32 v1, $0x6  }
0x143: {  	v15 =	vshll.u32 v1, $0x6;
	v1 =	vand.u32 $0xFFFFF000, v4;
	v2 =	vshrl.u32 v4, $0x6  }
0x144: {  	v4 =	vshll.u32 v4, $0x6;
	v13 =	vand.u32 $0xFFFFF000, v5;
	v14 =	vshrl.u32 v5, $0x6  }
0x145: {  	v10 =	vand.u32 $0xFFFFF000, v6;
	v11 =	vshll.u32 v8, $0x6;
	v16 =	vand.u32 $0xFFFFF000, v7  }
0x146: {  	v17 =	vand.u32 $0xFFFFF000, v9;
	v18 =	vand.u32 $0xFFFFF000, v8;
	v8 =	vshrl.u32 v8, $0x6  }
0x147: {  	v19 =	vld [tilespmem:s17+$0x0];
	v59 =	vshll.u32 v7, $0x6;
	v7 =	vshrl.u32 v7, $0x6;
	v60 =	vshll.u32 v9, $0x6  }
0x148: {  	v9 =	vshrl.u32 v9, $0x6;
	v61 =	vshll.u32 v6, $0x6;
	v11 =	vand.u32 $0xFC0, v11  }
0x149: {  	v8 =	vand.u32 $0x3F, v8;
	v11 =	vor.u32 v18, v11;
	v18 =	vand.u32 $0xFC0, v59  }
0x14a: {  	v7 =	vand.u32 $0x3F, v7;
	v16 =	vor.u32 v16, v18;
	v8 =	vor.u32 v8, v11  }
0x14b: {  	v6 =	vshrl.u32 v6, $0x6;
	v11 =	vor.u32 v7, v16;
	v7 =	vand.u32 $0xFC0, v60  }
0x14c: {  	v62 =	vshll.u32 v19, $0x6;
	v9 =	vand.u32 $0x3F, v9;
	v7 =	vor.u32 v17, v7  }
0x14d: {  	v63 =	vshrl.u32 v19, $0x6;
	v16 =	vand.u32 $0xFC0, v61;
	v17 =	vor.u32 v9, v7  }
0x14e: {  	v5 =	vshll.u32 v5, $0x6;
	v6 =	vand.u32 $0x3F, v6;
	v7 =	vor.u32 v10, v16  }
0x14f: {  	v9 =	vand.u32 $0xFFFFF000, v19;
	v10 =	vor.u32 v6, v7;
	v6 =	vand.u32 $0xFC0, v62;
	v7 =	vld.idx.msk [tilespmem:v8+s3+$0x0], $0xffff  }
0x150: {  	v5 =	vand.u32 $0xFC0, v5;
	v8 =	vor.u32 v9, v6;
	v9 =	vand.u32 $0x3F, v63  }
0x151: {  	v14 =	vand.u32 $0x3F, v14;
	v13 =	vor.u32 v13, v5;
	v6 =	vld.idx.msk [tilespmem:v11+s3+$0x0], $0xffff;
	v11 =	vor.u32 v9, v8  }
0x152: {  	s18 =	simm.s32 $0x19630;
	s17 =	simm.s32 $0x0;
	v5 =	vimm.f32 $0.0e+00;
	v9 =	vand.u32 $0x3F, v12;
	v12 =	vand.u32 $0xFC0, v15;
	v8 =	vld.idx.msk [tilespmem:v17+s3+$0x0], $0xffff  }
.LBB2_8:
0x153: {  	v15 =	vld [tilespmem:s18+$0x180];
	v13 =	vor.u32 v14, v13;
	v4 =	vand.u32 $0xFC0, v4;
	v2 =	vand.u32 $0x3F, v2  }
0x154: {  	v14 =	vshll.u32 v7, $0x10;
	v7 =	vand.u32 $0xFFFF0000, v7;
	v10 =	vld.idx.msk [tilespmem:v10+s3+$0x0], $0xffff;
	v1 =	vor.u32 v1, v4  }
0x155: {  	v3 =	vadd.f32 v14, v3;
	v5 =	vadd.f32 v7, v5;
	v4 =	vld [tilespmem:s18+$0x100];
	v1 =	vor.u32 v2, v1  }
0x156: {  	v0 =	vor.u32 v0, v12;
	v2 =	vshll.u32 v6, $0x10;
	v6 =	vand.u32 $0xFFFF0000, v6;
	v7 =	vld.idx.msk [tilespmem:v11+s3+$0x0], $0xffff  }
0x157: {  	v2 =	vadd.f32 v2, v3;
	v3 =	vadd.f32 v6, v5;
	v5 =	vor.u32 v9, v0;
	v11 =	vld [tilespmem:s18+$0x80]  }
0x158: {  	v0 =	vshll.u32 v8, $0x10;
	v6 =	vand.u32 $0xFFFF0000, v8;
	v8 =	vld.idx.msk [tilespmem:v13+s3+$0x0], $0xffff  }
0x159: {  	v2 =	vadd.f32 v0, v2;
	v3 =	vadd.f32 v6, v3;
	v9 =	vld [tilespmem:s18+$0x0]  }
0x15a: {  	v0 =	vand.u32 $0xFFFFF000, v15;
	v6 =	vshll.u32 v10, $0x10;
	v10 =	vand.u32 $0xFFFF0000, v10;
	v12 =	vld.idx.msk [tilespmem:v1+s3+$0x0], $0xffff  }
0x15b: {  	v14 =	vshrl.u32 v15, $0x6;
	v2 =	vadd.f32 v6, v2;
	v3 =	vadd.f32 v10, v3;
	v13 =	vld [tilespmem:s18+$0xFFFFFF80]  }
0x15c: {  	v15 =	vshll.u32 v15, $0x6;
	v6 =	vshll.u32 v7, $0x10;
	v7 =	vand.u32 $0xFFFF0000, v7;
	v5 =	vld.idx.msk [tilespmem:v5+s3+$0x0], $0xffff  }
0x15d: {  	v1 =	vand.u32 $0xFFFFF000, v4;
	v6 =	vadd.f32 v6, v2;
	v3 =	vadd.f32 v7, v3;
	v10 =	vld [tilespmem:s18+$0xFFFFFF00]  }
0x15e: {  	v2 =	vshrl.u32 v4, $0x6;
	v16 =	vshll.u32 v8, $0x10;
	v8 =	vand.u32 $0xFFFF0000, v8;
	v7 =	vld [tilespmem:s18+$0xFFFFFE80]  }
0x15f: {  	s17 =	sadd.s32 $0x8, s17;
	v4 =	vshll.u32 v4, $0x6;
	v6 =	vadd.f32 v16, v6;
	v3 =	vadd.f32 v8, v3;
	v17 =	vld [tilespmem:s18+$0xFFFFFE00]  }
0x160: {  	p0 =	slt.u32 s17, $0xC0;
	v16 =	vand.u32 $0xFFFFF000, v11;
	v8 =	vshll.u32 v12, $0x10;
	v12 =	vand.u32 $0xFFFF0000, v12  }
0x161: {  	v18 =	vshrl.u32 v11, $0x6;
	v6 =	vadd.f32 v8, v6;
	v8 =	vadd.f32 v12, v3  }
0x162: {  	v12 =	vand.u32 $0xFFFFF000, v9;
	v3 =	vshll.u32 v5, $0x10;
	v5 =	vand.u32 $0xFFFF0000, v5  }
0x163: {  	v19 =	vand.u32 $0xFFFFF000, v13;
	v3 =	vadd.f32 v3, v6;
	v5 =	vadd.f32 v5, v8  }
0x164: {  	v20 =	vand.u32 $0xFFFFF000, v10;
	v8 =	vand.u32 $0xFFFFF000, v7;
	v6 =	vshll.u32 v17, $0x6  }
0x165: {  	v21 =	vand.u32 $0xFFFFF000, v17;
	v17 =	vshrl.u32 v17, $0x6;
	v6 =	vand.u32 $0xFC0, v6  }
0x166: {  	v17 =	vand.u32 $0x3F, v17;
	v6 =	vor.u32 v21, v6;
	v21 =	vshll.u32 v7, $0x6  }
0x167: {  	v7 =	vshrl.u32 v7, $0x6;
	v6 =	vor.u32 v17, v6;
	v17 =	vand.u32 $0xFC0, v21  }
0x168: {  	v7 =	vand.u32 $0x3F, v7;
	v8 =	vor.u32 v8, v17;
	v17 =	vshll.u32 v10, $0x6  }
0x169: {  	v10 =	vshrl.u32 v10, $0x6;
	v8 =	vor.u32 v7, v8;
	v7 =	vand.u32 $0xFC0, v17  }
0x16a: {  	v10 =	vand.u32 $0x3F, v10;
	v17 =	vshll.u32 v13, $0x6;
	v7 =	vor.u32 v20, v7  }
0x16b: {  	v13 =	vshrl.u32 v13, $0x6;
	v20 =	vor.u32 v10, v7;
	v10 =	vand.u32 $0xFC0, v17  }
.Ltmp3:
0x16c: {  	v7 =	vld.idx.msk [tilespmem:v6+s3+$0x0], $0xffff;
	v6 =	vor.u32 v19, v10;
	v10 =	vand.u32 $0x3F, v13;
	v13 =	vshll.u32 v9, $0x6;
	(pc) =	sbr.rel @p0 .LBB2_8-.Ltmp3, $4  }
0x16d: {  	v9 =	vshrl.u32 v9, $0x6;
	v10 =	vor.u32 v10, v6;
	v13 =	vand.u32 $0xFC0, v13  }
0x16e: {  	v9 =	vand.u32 $0x3F, v9;
	v6 =	vld.idx.msk [tilespmem:v8+s3+$0x0], $0xffff;
	v8 =	vor.u32 v12, v13;
	v12 =	vshll.u32 v11, $0x6  }
0x16f: {  	v11 =	vor.u32 v9, v8;
	v12 =	vand.u32 $0xFC0, v12;
	v9 =	vand.u32 $0x3F, v14  }
0x170: {  	s18 =	sadd.s32 $0x400, s18;
	v14 =	vand.u32 $0x3F, v18;
	v8 =	vld.idx.msk [tilespmem:v20+s3+$0x0], $0xffff;
	v13 =	vor.u32 v16, v12;
	v12 =	vand.u32 $0xFC0, v15  }
0x171: {  	_ =	sdelay $0x2  }
0x172: {  	v13 =	vor.u32 v14, v13;
	v4 =	vand.u32 $0xFC0, v4;
	v14 =	vshll.u32 v7, $0x10  }
0x173: {  	v2 =	vand.u32 $0x3F, v2;
	v10 =	vld.idx.msk [tilespmem:v10+s3+$0x0], $0xffff;
	v1 =	vor.u32 v1, v4;
	v3 =	vadd.f32 v14, v3  }
0x174: {  	v1 =	vor.u32 v2, v1;
	v2 =	vshll.u32 v6, $0x10  }
0x175: {  	v0 =	vor.u32 v0, v12;
	v4 =	vld.idx.msk [tilespmem:v11+s3+$0x0], $0xffff;
	v2 =	vadd.f32 v2, v3  }
0x176: {  	v0 =	vor.u32 v9, v0;
	v3 =	vshll.u32 v8, $0x10  }
0x177: {  	v9 =	vld.idx.msk [tilespmem:v13+s3+$0x0], $0xffff;
	v2 =	vadd.f32 v3, v2  }
0x178: {  	v3 =	vshll.u32 v10, $0x10  }
0x179: {  	v1 =	vld.idx.msk [tilespmem:v1+s3+$0x0], $0xffff;
	v2 =	vadd.f32 v3, v2  }
0x17a: {  	v3 =	vshll.u32 v4, $0x10  }
0x17b: {  	v0 =	vld.idx.msk [tilespmem:v0+s3+$0x0], $0xffff;
	v2 =	vadd.f32 v3, v2  }
0x17c: {  	v3 =	vshll.u32 v9, $0x10  }
0x17d: {  	v2 =	vadd.f32 v3, v2  }
0x17e: {  	v11 =	vld [tilespmem:$0x1F400];
	v3 =	vshll.u32 v1, $0x10  }
0x17f: {  	v7 =	vand.u32 $0xFFFF0000, v7;
	v2 =	vadd.f32 v3, v2  }
0x180: {  	v3 =	vadd.f32 v7, v5;
	v5 =	vshll.u32 v0, $0x10  }
0x181: {  	v6 =	vand.u32 $0xFFFF0000, v6;
	v2 =	vadd.f32 v5, v2  }
0x182: {  	v3 =	vadd.f32 v6, v3  }
0x183: {  	v5 =	vand.u32 $0xFFFF0000, v8;
	v2 =	vadd.f32 v11, v2  }
0x184: {  	v3 =	vadd.f32 v5, v3  }
0x185: {  	v5 =	vand.u32 $0xFFFF0000, v10;
	v2 =	vsub.f32 $0.0e+00, v2  }
0x186: {  	v3 =	vadd.f32 v5, v3  }
0x187: {  	v4 =	vand.u32 $0xFFFF0000, v4;
	v2 =	vmul.f32 $1.442695020e+00, v2  }
0x188: {  	v3 =	vadd.f32 v4, v3  }
0x189: {  	v4 =	vand.u32 $0xFFFF0000, v9;
	(erf) = vpow2.f32 v2  }
0x18a: {  	v2 =	vadd.f32 v4, v3  }
0x18b: {  	v1 =	vand.u32 $0xFFFF0000, v1;
	v3 =	vld [tilespmem:$0x1F410]  }
0x18c: {  	v1 =	vadd.f32 v1, v2  }
0x18d: {  	v0 =	vand.u32 $0xFFFF0000, v0  }
0x18e: {  	v0 =	vadd.f32 v0, v1;
	_ =	sdelay $0x1  }
0x18f: {  	v0 =	vadd.f32 v3, v0;
	_ =	sdelay $0x1  }
0x190: {  	v0 =	vsub.f32 $0.0e+00, v0;
	v1 =	vpop (erf)  }
0x191: {  	v1 =	vadd.f32 $1.000000000e+00, v1  }
0x192: {  	v0 =	vmul.f32 $1.442695020e+00, v0  }
0x193: {  	(erf) = vrcp.f32 v1  }
0x194: {  	(erf) = vpow2.f32 v0;
	_ =	sdelay $0x7  }
0x195: {  	v0 =	vpop (erf)  }
0x196: {  	v1 =	vpop (erf)  }
0x197: {  	v1 =	vadd.f32 $1.000000000e+00, v1;
	_ =	sdelay $0x1  }
0x198: {  	(erf) = vrcp.f32 v1;
	_ =	sdelay $0x8  }
0x199: {  	[tilespmem:$0x1F450] =	vst v0;
	v0 =	vpop (erf)  }
0x19a: {  	s17 =	simm.s32 $0x19240;
	[tilespmem:$0x1F4D0] =	vst v0  }
0x19b: {  	v1 =	vld [tilespmem:s17+$0x180]  }
0x19c: {  	v4 =	vld [tilespmem:s17+$0x100]  }
0x19d: {  	v5 =	vld [tilespmem:s17+$0x80]  }
0x19e: {  	v6 =	vld [tilespmem:s17+$0xFFFFFF80]  }
0x19f: {  	v7 =	vld [tilespmem:s17+$0xFFFFFE80]  }
0x1a0: {  	v8 =	vld [tilespmem:s17+$0xFFFFFE00]  }
0x1a1: {  	v9 =	vld [tilespmem:s17+$0xFFFFFF00]  }
0x1a2: {  	v3 =	vimm.f32 $0.0e+00;
	v0 =	vand.u32 $0xFFFFF000, v1;
	v12 =	vshrl.u32 v1, $0x6  }
0x1a3: {  	v15 =	vshll.u32 v1, $0x6;
	v1 =	vand.u32 $0xFFFFF000, v4;
	v2 =	vshrl.u32 v4, $0x6  }
0x1a4: {  	v4 =	vshll.u32 v4, $0x6;
	v13 =	vand.u32 $0xFFFFF000, v5;
	v14 =	vshrl.u32 v5, $0x6  }
0x1a5: {  	v10 =	vand.u32 $0xFFFFF000, v6;
	v11 =	vshll.u32 v8, $0x6;
	v16 =	vand.u32 $0xFFFFF000, v7  }
0x1a6: {  	v17 =	vand.u32 $0xFFFFF000, v9;
	v18 =	vand.u32 $0xFFFFF000, v8;
	v8 =	vshrl.u32 v8, $0x6  }
0x1a7: {  	v19 =	vld [tilespmem:s17+$0x0];
	v59 =	vshll.u32 v7, $0x6;
	v7 =	vshrl.u32 v7, $0x6;
	v60 =	vshll.u32 v9, $0x6  }
0x1a8: {  	v9 =	vshrl.u32 v9, $0x6;
	v61 =	vshll.u32 v6, $0x6;
	v11 =	vand.u32 $0xFC0, v11  }
0x1a9: {  	v8 =	vand.u32 $0x3F, v8;
	v11 =	vor.u32 v18, v11;
	v18 =	vand.u32 $0xFC0, v59  }
0x1aa: {  	v7 =	vand.u32 $0x3F, v7;
	v16 =	vor.u32 v16, v18;
	v8 =	vor.u32 v8, v11  }
0x1ab: {  	v6 =	vshrl.u32 v6, $0x6;
	v11 =	vor.u32 v7, v16;
	v7 =	vand.u32 $0xFC0, v60  }
0x1ac: {  	v62 =	vshll.u32 v19, $0x6;
	v9 =	vand.u32 $0x3F, v9;
	v7 =	vor.u32 v17, v7  }
0x1ad: {  	v63 =	vshrl.u32 v19, $0x6;
	v16 =	vand.u32 $0xFC0, v61;
	v17 =	vor.u32 v9, v7  }
0x1ae: {  	v5 =	vshll.u32 v5, $0x6;
	v6 =	vand.u32 $0x3F, v6;
	v7 =	vor.u32 v10, v16  }
0x1af: {  	v9 =	vand.u32 $0xFFFFF000, v19;
	v10 =	vor.u32 v6, v7;
	v6 =	vand.u32 $0xFC0, v62;
	v7 =	vld.idx.msk [tilespmem:v8+s3+$0x0], $0xffff  }
0x1b0: {  	v5 =	vand.u32 $0xFC0, v5;
	v8 =	vor.u32 v9, v6;
	v9 =	vand.u32 $0x3F, v63  }
0x1b1: {  	v14 =	vand.u32 $0x3F, v14;
	v13 =	vor.u32 v13, v5;
	v6 =	vld.idx.msk [tilespmem:v11+s3+$0x0], $0xffff;
	v11 =	vor.u32 v9, v8  }
0x1b2: {  	s18 =	simm.s32 $0x19640;
	s17 =	simm.s32 $0x0;
	v5 =	vimm.f32 $0.0e+00;
	v9 =	vand.u32 $0x3F, v12;
	v12 =	vand.u32 $0xFC0, v15;
	v8 =	vld.idx.msk [tilespmem:v17+s3+$0x0], $0xffff  }
.LBB2_10:
0x1b3: {  	v15 =	vld [tilespmem:s18+$0x180];
	v13 =	vor.u32 v14, v13;
	v4 =	vand.u32 $0xFC0, v4;
	v2 =	vand.u32 $0x3F, v2  }
0x1b4: {  	v14 =	vshll.u32 v7, $0x10;
	v7 =	vand.u32 $0xFFFF0000, v7;
	v10 =	vld.idx.msk [tilespmem:v10+s3+$0x0], $0xffff;
	v1 =	vor.u32 v1, v4  }
0x1b5: {  	v3 =	vadd.f32 v14, v3;
	v5 =	vadd.f32 v7, v5;
	v4 =	vld [tilespmem:s18+$0x100];
	v1 =	vor.u32 v2, v1  }
0x1b6: {  	v0 =	vor.u32 v0, v12;
	v2 =	vshll.u32 v6, $0x10;
	v6 =	vand.u32 $0xFFFF0000, v6;
	v7 =	vld.idx.msk [tilespmem:v11+s3+$0x0], $0xffff  }
0x1b7: {  	v2 =	vadd.f32 v2, v3;
	v3 =	vadd.f32 v6, v5;
	v5 =	vor.u32 v9, v0;
	v11 =	vld [tilespmem:s18+$0x80]  }
0x1b8: {  	v0 =	vshll.u32 v8, $0x10;
	v6 =	vand.u32 $0xFFFF0000, v8;
	v8 =	vld.idx.msk [tilespmem:v13+s3+$0x0], $0xffff  }
0x1b9: {  	v2 =	vadd.f32 v0, v2;
	v3 =	vadd.f32 v6, v3;
	v9 =	vld [tilespmem:s18+$0x0]  }
0x1ba: {  	v0 =	vand.u32 $0xFFFFF000, v15;
	v6 =	vshll.u32 v10, $0x10;
	v10 =	vand.u32 $0xFFFF0000, v10;
	v12 =	vld.idx.msk [tilespmem:v1+s3+$0x0], $0xffff  }
0x1bb: {  	v14 =	vshrl.u32 v15, $0x6;
	v2 =	vadd.f32 v6, v2;
	v3 =	vadd.f32 v10, v3;
	v13 =	vld [tilespmem:s18+$0xFFFFFF80]  }
0x1bc: {  	v15 =	vshll.u32 v15, $0x6;
	v6 =	vshll.u32 v7, $0x10;
	v7 =	vand.u32 $0xFFFF0000, v7;
	v5 =	vld.idx.msk [tilespmem:v5+s3+$0x0], $0xffff  }
0x1bd: {  	v1 =	vand.u32 $0xFFFFF000, v4;
	v6 =	vadd.f32 v6, v2;
	v3 =	vadd.f32 v7, v3;
	v10 =	vld [tilespmem:s18+$0xFFFFFF00]  }
0x1be: {  	v2 =	vshrl.u32 v4, $0x6;
	v16 =	vshll.u32 v8, $0x10;
	v8 =	vand.u32 $0xFFFF0000, v8;
	v7 =	vld [tilespmem:s18+$0xFFFFFE80]  }
0x1bf: {  	s17 =	sadd.s32 $0x8, s17;
	v4 =	vshll.u32 v4, $0x6;
	v6 =	vadd.f32 v16, v6;
	v3 =	vadd.f32 v8, v3;
	v17 =	vld [tilespmem:s18+$0xFFFFFE00]  }
0x1c0: {  	p0 =	slt.u32 s17, $0xC0;
	v16 =	vand.u32 $0xFFFFF000, v11;
	v8 =	vshll.u32 v12, $0x10;
	v12 =	vand.u32 $0xFFFF0000, v12  }
0x1c1: {  	v18 =	vshrl.u32 v11, $0x6;
	v6 =	vadd.f32 v8, v6;
	v8 =	vadd.f32 v12, v3  }
0x1c2: {  	v12 =	vand.u32 $0xFFFFF000, v9;
	v3 =	vshll.u32 v5, $0x10;
	v5 =	vand.u32 $0xFFFF0000, v5  }
0x1c3: {  	v19 =	vand.u32 $0xFFFFF000, v13;
	v3 =	vadd.f32 v3, v6;
	v5 =	vadd.f32 v5, v8  }
0x1c4: {  	v20 =	vand.u32 $0xFFFFF000, v10;
	v8 =	vand.u32 $0xFFFFF000, v7;
	v6 =	vshll.u32 v17, $0x6  }
0x1c5: {  	v21 =	vand.u32 $0xFFFFF000, v17;
	v17 =	vshrl.u32 v17, $0x6;
	v6 =	vand.u32 $0xFC0, v6  }
0x1c6: {  	v17 =	vand.u32 $0x3F, v17;
	v6 =	vor.u32 v21, v6;
	v21 =	vshll.u32 v7, $0x6  }
0x1c7: {  	v7 =	vshrl.u32 v7, $0x6;
	v6 =	vor.u32 v17, v6;
	v17 =	vand.u32 $0xFC0, v21  }
0x1c8: {  	v7 =	vand.u32 $0x3F, v7;
	v8 =	vor.u32 v8, v17;
	v17 =	vshll.u32 v10, $0x6  }
0x1c9: {  	v10 =	vshrl.u32 v10, $0x6;
	v8 =	vor.u32 v7, v8;
	v7 =	vand.u32 $0xFC0, v17  }
0x1ca: {  	v10 =	vand.u32 $0x3F, v10;
	v17 =	vshll.u32 v13, $0x6;
	v7 =	vor.u32 v20, v7  }
0x1cb: {  	v13 =	vshrl.u32 v13, $0x6;
	v20 =	vor.u32 v10, v7;
	v10 =	vand.u32 $0xFC0, v17  }
.Ltmp4:
0x1cc: {  	v7 =	vld.idx.msk [tilespmem:v6+s3+$0x0], $0xffff;
	v6 =	vor.u32 v19, v10;
	v10 =	vand.u32 $0x3F, v13;
	v13 =	vshll.u32 v9, $0x6;
	(pc) =	sbr.rel @p0 .LBB2_10-.Ltmp4, $4  }
0x1cd: {  	v9 =	vshrl.u32 v9, $0x6;
	v10 =	vor.u32 v10, v6;
	v13 =	vand.u32 $0xFC0, v13  }
0x1ce: {  	v9 =	vand.u32 $0x3F, v9;
	v6 =	vld.idx.msk [tilespmem:v8+s3+$0x0], $0xffff;
	v8 =	vor.u32 v12, v13;
	v12 =	vshll.u32 v11, $0x6  }
0x1cf: {  	v11 =	vor.u32 v9, v8;
	v12 =	vand.u32 $0xFC0, v12;
	v9 =	vand.u32 $0x3F, v14  }
0x1d0: {  	s18 =	sadd.s32 $0x400, s18;
	v14 =	vand.u32 $0x3F, v18;
	v8 =	vld.idx.msk [tilespmem:v20+s3+$0x0], $0xffff;
	v13 =	vor.u32 v16, v12;
	v12 =	vand.u32 $0xFC0, v15  }
0x1d1: {  	_ =	sdelay $0x2  }
0x1d2: {  	v13 =	vor.u32 v14, v13;
	v4 =	vand.u32 $0xFC0, v4;
	v14 =	vshll.u32 v7, $0x10  }
0x1d3: {  	v2 =	vand.u32 $0x3F, v2;
	v10 =	vld.idx.msk [tilespmem:v10+s3+$0x0], $0xffff;
	v1 =	vor.u32 v1, v4;
	v3 =	vadd.f32 v14, v3  }
0x1d4: {  	v1 =	vor.u32 v2, v1;
	v2 =	vshll.u32 v6, $0x10  }
0x1d5: {  	v0 =	vor.u32 v0, v12;
	v4 =	vld.idx.msk [tilespmem:v11+s3+$0x0], $0xffff;
	v2 =	vadd.f32 v2, v3  }
0x1d6: {  	v0 =	vor.u32 v9, v0;
	v3 =	vshll.u32 v8, $0x10  }
0x1d7: {  	v9 =	vld.idx.msk [tilespmem:v13+s3+$0x0], $0xffff;
	v2 =	vadd.f32 v3, v2  }
0x1d8: {  	v3 =	vshll.u32 v10, $0x10  }
0x1d9: {  	v1 =	vld.idx.msk [tilespmem:v1+s3+$0x0], $0xffff;
	v2 =	vadd.f32 v3, v2  }
0x1da: {  	v3 =	vshll.u32 v4, $0x10  }
0x1db: {  	v0 =	vld.idx.msk [tilespmem:v0+s3+$0x0], $0xffff;
	v2 =	vadd.f32 v3, v2  }
0x1dc: {  	v3 =	vshll.u32 v9, $0x10  }
0x1dd: {  	v2 =	vadd.f32 v3, v2  }
0x1de: {  	v11 =	vld [tilespmem:$0x1F400];
	v3 =	vshll.u32 v1, $0x10  }
0x1df: {  	v7 =	vand.u32 $0xFFFF0000, v7;
	v2 =	vadd.f32 v3, v2  }
0x1e0: {  	v3 =	vadd.f32 v7, v5;
	v5 =	vshll.u32 v0, $0x10  }
0x1e1: {  	v6 =	vand.u32 $0xFFFF0000, v6;
	v2 =	vadd.f32 v5, v2  }
0x1e2: {  	v3 =	vadd.f32 v6, v3  }
0x1e3: {  	v5 =	vand.u32 $0xFFFF0000, v8;
	v2 =	vadd.f32 v11, v2  }
0x1e4: {  	v3 =	vadd.f32 v5, v3  }
0x1e5: {  	v5 =	vand.u32 $0xFFFF0000, v10;
	v2 =	vsub.f32 $0.0e+00, v2  }
0x1e6: {  	v3 =	vadd.f32 v5, v3  }
0x1e7: {  	v4 =	vand.u32 $0xFFFF0000, v4;
	v2 =	vmul.f32 $1.442695020e+00, v2  }
0x1e8: {  	v3 =	vadd.f32 v4, v3  }
0x1e9: {  	v4 =	vand.u32 $0xFFFF0000, v9;
	(erf) = vpow2.f32 v2  }
0x1ea: {  	v2 =	vadd.f32 v4, v3  }
0x1eb: {  	v1 =	vand.u32 $0xFFFF0000, v1;
	v3 =	vld [tilespmem:$0x1F410]  }
0x1ec: {  	v1 =	vadd.f32 v1, v2  }
0x1ed: {  	v0 =	vand.u32 $0xFFFF0000, v0  }
0x1ee: {  	v0 =	vadd.f32 v0, v1;
	_ =	sdelay $0x1  }
0x1ef: {  	v0 =	vadd.f32 v3, v0;
	_ =	sdelay $0x1  }
0x1f0: {  	v0 =	vsub.f32 $0.0e+00, v0;
	v1 =	vpop (erf)  }
0x1f1: {  	v1 =	vadd.f32 $1.000000000e+00, v1  }
0x1f2: {  	v0 =	vmul.f32 $1.442695020e+00, v0  }
0x1f3: {  	(erf) = vrcp.f32 v1  }
0x1f4: {  	(erf) = vpow2.f32 v0;
	_ =	sdelay $0x7  }
0x1f5: {  	v0 =	vpop (erf)  }
0x1f6: {  	v1 =	vpop (erf)  }
0x1f7: {  	v1 =	vadd.f32 $1.000000000e+00, v1;
	_ =	sdelay $0x1  }
0x1f8: {  	(erf) = vrcp.f32 v1;
	_ =	sdelay $0x8  }
0x1f9: {  	[tilespmem:$0x1F460] =	vst v0;
	v0 =	vpop (erf)  }
0x1fa: {  	s17 =	simm.s32 $0x19250;
	[tilespmem:$0x1F4E0] =	vst v0  }
0x1fb: {  	v1 =	vld [tilespmem:s17+$0x180]  }
0x1fc: {  	v4 =	vld [tilespmem:s17+$0x100]  }
0x1fd: {  	v5 =	vld [tilespmem:s17+$0x80]  }
0x1fe: {  	v6 =	vld [tilespmem:s17+$0xFFFFFF80]  }
0x1ff: {  	v7 =	vld [tilespmem:s17+$0xFFFFFE80]  }
0x200: {  	v8 =	vld [tilespmem:s17+$0xFFFFFE00]  }
0x201: {  	v9 =	vld [tilespmem:s17+$0xFFFFFF00]  }
0x202: {  	v3 =	vimm.f32 $0.0e+00;
	v0 =	vand.u32 $0xFFFFF000, v1;
	v12 =	vshrl.u32 v1, $0x6  }
0x203: {  	v15 =	vshll.u32 v1, $0x6;
	v1 =	vand.u32 $0xFFFFF000, v4;
	v2 =	vshrl.u32 v4, $0x6  }
0x204: {  	v4 =	vshll.u32 v4, $0x6;
	v13 =	vand.u32 $0xFFFFF000, v5;
	v14 =	vshrl.u32 v5, $0x6  }
0x205: {  	v10 =	vand.u32 $0xFFFFF000, v6;
	v11 =	vshll.u32 v8, $0x6;
	v16 =	vand.u32 $0xFFFFF000, v7  }
0x206: {  	v17 =	vand.u32 $0xFFFFF000, v9;
	v18 =	vand.u32 $0xFFFFF000, v8;
	v8 =	vshrl.u32 v8, $0x6  }
0x207: {  	v19 =	vld [tilespmem:s17+$0x0];
	v59 =	vshll.u32 v7, $0x6;
	v7 =	vshrl.u32 v7, $0x6;
	v60 =	vshll.u32 v9, $0x6  }
0x208: {  	v9 =	vshrl.u32 v9, $0x6;
	v61 =	vshll.u32 v6, $0x6;
	v11 =	vand.u32 $0xFC0, v11  }
0x209: {  	v8 =	vand.u32 $0x3F, v8;
	v11 =	vor.u32 v18, v11;
	v18 =	vand.u32 $0xFC0, v59  }
0x20a: {  	v7 =	vand.u32 $0x3F, v7;
	v16 =	vor.u32 v16, v18;
	v8 =	vor.u32 v8, v11  }
0x20b: {  	v6 =	vshrl.u32 v6, $0x6;
	v11 =	vor.u32 v7, v16;
	v7 =	vand.u32 $0xFC0, v60  }
0x20c: {  	v62 =	vshll.u32 v19, $0x6;
	v9 =	vand.u32 $0x3F, v9;
	v7 =	vor.u32 v17, v7  }
0x20d: {  	v63 =	vshrl.u32 v19, $0x6;
	v16 =	vand.u32 $0xFC0, v61;
	v17 =	vor.u32 v9, v7  }
0x20e: {  	v5 =	vshll.u32 v5, $0x6;
	v6 =	vand.u32 $0x3F, v6;
	v7 =	vor.u32 v10, v16  }
0x20f: {  	v9 =	vand.u32 $0xFFFFF000, v19;
	v10 =	vor.u32 v6, v7;
	v6 =	vand.u32 $0xFC0, v62;
	v7 =	vld.idx.msk [tilespmem:v8+s3+$0x0], $0xffff  }
0x210: {  	v5 =	vand.u32 $0xFC0, v5;
	v8 =	vor.u32 v9, v6;
	v9 =	vand.u32 $0x3F, v63  }
0x211: {  	v14 =	vand.u32 $0x3F, v14;
	v13 =	vor.u32 v13, v5;
	v6 =	vld.idx.msk [tilespmem:v11+s3+$0x0], $0xffff;
	v11 =	vor.u32 v9, v8  }
0x212: {  	s18 =	simm.s32 $0x19650;
	s17 =	simm.s32 $0x0;
	v5 =	vimm.f32 $0.0e+00;
	v9 =	vand.u32 $0x3F, v12;
	v12 =	vand.u32 $0xFC0, v15;
	v8 =	vld.idx.msk [tilespmem:v17+s3+$0x0], $0xffff  }
.LBB2_12:
0x213: {  	v15 =	vld [tilespmem:s18+$0x180];
	v13 =	vor.u32 v14, v13;
	v4 =	vand.u32 $0xFC0, v4;
	v2 =	vand.u32 $0x3F, v2  }
0x214: {  	v14 =	vshll.u32 v7, $0x10;
	v7 =	vand.u32 $0xFFFF0000, v7;
	v10 =	vld.idx.msk [tilespmem:v10+s3+$0x0], $0xffff;
	v1 =	vor.u32 v1, v4  }
0x215: {  	v3 =	vadd.f32 v14, v3;
	v5 =	vadd.f32 v7, v5;
	v4 =	vld [tilespmem:s18+$0x100];
	v1 =	vor.u32 v2, v1  }
0x216: {  	v0 =	vor.u32 v0, v12;
	v2 =	vshll.u32 v6, $0x10;
	v6 =	vand.u32 $0xFFFF0000, v6;
	v7 =	vld.idx.msk [tilespmem:v11+s3+$0x0], $0xffff  }
0x217: {  	v2 =	vadd.f32 v2, v3;
	v3 =	vadd.f32 v6, v5;
	v5 =	vor.u32 v9, v0;
	v11 =	vld [tilespmem:s18+$0x80]  }
0x218: {  	v0 =	vshll.u32 v8, $0x10;
	v6 =	vand.u32 $0xFFFF0000, v8;
	v8 =	vld.idx.msk [tilespmem:v13+s3+$0x0], $0xffff  }
0x219: {  	v2 =	vadd.f32 v0, v2;
	v3 =	vadd.f32 v6, v3;
	v9 =	vld [tilespmem:s18+$0x0]  }
0x21a: {  	v0 =	vand.u32 $0xFFFFF000, v15;
	v6 =	vshll.u32 v10, $0x10;
	v10 =	vand.u32 $0xFFFF0000, v10;
	v12 =	vld.idx.msk [tilespmem:v1+s3+$0x0], $0xffff  }
0x21b: {  	v14 =	vshrl.u32 v15, $0x6;
	v2 =	vadd.f32 v6, v2;
	v3 =	vadd.f32 v10, v3;
	v13 =	vld [tilespmem:s18+$0xFFFFFF80]  }
0x21c: {  	v15 =	vshll.u32 v15, $0x6;
	v6 =	vshll.u32 v7, $0x10;
	v7 =	vand.u32 $0xFFFF0000, v7;
	v5 =	vld.idx.msk [tilespmem:v5+s3+$0x0], $0xffff  }
0x21d: {  	v1 =	vand.u32 $0xFFFFF000, v4;
	v6 =	vadd.f32 v6, v2;
	v3 =	vadd.f32 v7, v3;
	v10 =	vld [tilespmem:s18+$0xFFFFFF00]  }
0x21e: {  	v2 =	vshrl.u32 v4, $0x6;
	v16 =	vshll.u32 v8, $0x10;
	v8 =	vand.u32 $0xFFFF0000, v8;
	v7 =	vld [tilespmem:s18+$0xFFFFFE80]  }
0x21f: {  	s17 =	sadd.s32 $0x8, s17;
	v4 =	vshll.u32 v4, $0x6;
	v6 =	vadd.f32 v16, v6;
	v3 =	vadd.f32 v8, v3;
	v17 =	vld [tilespmem:s18+$0xFFFFFE00]  }
0x220: {  	p0 =	slt.u32 s17, $0xC0;
	v16 =	vand.u32 $0xFFFFF000, v11;
	v8 =	vshll.u32 v12, $0x10;
	v12 =	vand.u32 $0xFFFF0000, v12  }
0x221: {  	v18 =	vshrl.u32 v11, $0x6;
	v6 =	vadd.f32 v8, v6;
	v8 =	vadd.f32 v12, v3  }
0x222: {  	v12 =	vand.u32 $0xFFFFF000, v9;
	v3 =	vshll.u32 v5, $0x10;
	v5 =	vand.u32 $0xFFFF0000, v5  }
0x223: {  	v19 =	vand.u32 $0xFFFFF000, v13;
	v3 =	vadd.f32 v3, v6;
	v5 =	vadd.f32 v5, v8  }
0x224: {  	v20 =	vand.u32 $0xFFFFF000, v10;
	v8 =	vand.u32 $0xFFFFF000, v7;
	v6 =	vshll.u32 v17, $0x6  }
0x225: {  	v21 =	vand.u32 $0xFFFFF000, v17;
	v17 =	vshrl.u32 v17, $0x6;
	v6 =	vand.u32 $0xFC0, v6  }
0x226: {  	v17 =	vand.u32 $0x3F, v17;
	v6 =	vor.u32 v21, v6;
	v21 =	vshll.u32 v7, $0x6  }
0x227: {  	v7 =	vshrl.u32 v7, $0x6;
	v6 =	vor.u32 v17, v6;
	v17 =	vand.u32 $0xFC0, v21  }
0x228: {  	v7 =	vand.u32 $0x3F, v7;
	v8 =	vor.u32 v8, v17;
	v17 =	vshll.u32 v10, $0x6  }
0x229: {  	v10 =	vshrl.u32 v10, $0x6;
	v8 =	vor.u32 v7, v8;
	v7 =	vand.u32 $0xFC0, v17  }
0x22a: {  	v10 =	vand.u32 $0x3F, v10;
	v17 =	vshll.u32 v13, $0x6;
	v7 =	vor.u32 v20, v7  }
0x22b: {  	v13 =	vshrl.u32 v13, $0x6;
	v20 =	vor.u32 v10, v7;
	v10 =	vand.u32 $0xFC0, v17  }
.Ltmp5:
0x22c: {  	v7 =	vld.idx.msk [tilespmem:v6+s3+$0x0], $0xffff;
	v6 =	vor.u32 v19, v10;
	v10 =	vand.u32 $0x3F, v13;
	v13 =	vshll.u32 v9, $0x6;
	(pc) =	sbr.rel @p0 .LBB2_12-.Ltmp5, $4  }
0x22d: {  	v9 =	vshrl.u32 v9, $0x6;
	v10 =	vor.u32 v10, v6;
	v13 =	vand.u32 $0xFC0, v13  }
0x22e: {  	v9 =	vand.u32 $0x3F, v9;
	v6 =	vld.idx.msk [tilespmem:v8+s3+$0x0], $0xffff;
	v8 =	vor.u32 v12, v13;
	v12 =	vshll.u32 v11, $0x6  }
0x22f: {  	v11 =	vor.u32 v9, v8;
	v12 =	vand.u32 $0xFC0, v12;
	v9 =	vand.u32 $0x3F, v14  }
0x230: {  	s18 =	sadd.s32 $0x400, s18;
	v14 =	vand.u32 $0x3F, v18;
	v8 =	vld.idx.msk [tilespmem:v20+s3+$0x0], $0xffff;
	v13 =	vor.u32 v16, v12;
	v12 =	vand.u32 $0xFC0, v15  }
0x231: {  	_ =	sdelay $0x2  }
0x232: {  	v13 =	vor.u32 v14, v13;
	v4 =	vand.u32 $0xFC0, v4;
	v14 =	vshll.u32 v7, $0x10  }
0x233: {  	v2 =	vand.u32 $0x3F, v2;
	v10 =	vld.idx.msk [tilespmem:v10+s3+$0x0], $0xffff;
	v1 =	vor.u32 v1, v4;
	v3 =	vadd.f32 v14, v3  }
0x234: {  	v1 =	vor.u32 v2, v1;
	v2 =	vshll.u32 v6, $0x10  }
0x235: {  	v0 =	vor.u32 v0, v12;
	v4 =	vld.idx.msk [tilespmem:v11+s3+$0x0], $0xffff;
	v2 =	vadd.f32 v2, v3  }
0x236: {  	v0 =	vor.u32 v9, v0;
	v3 =	vshll.u32 v8, $0x10  }
0x237: {  	v9 =	vld.idx.msk [tilespmem:v13+s3+$0x0], $0xffff;
	v2 =	vadd.f32 v3, v2  }
0x238: {  	v3 =	vshll.u32 v10, $0x10  }
0x239: {  	v1 =	vld.idx.msk [tilespmem:v1+s3+$0x0], $0xffff;
	v2 =	vadd.f32 v3, v2  }
0x23a: {  	v3 =	vshll.u32 v4, $0x10  }
0x23b: {  	v0 =	vld.idx.msk [tilespmem:v0+s3+$0x0], $0xffff;
	v2 =	vadd.f32 v3, v2  }
0x23c: {  	v3 =	vshll.u32 v9, $0x10  }
0x23d: {  	v2 =	vadd.f32 v3, v2  }
0x23e: {  	v11 =	vld [tilespmem:$0x1F400];
	v3 =	vshll.u32 v1, $0x10  }
0x23f: {  	v7 =	vand.u32 $0xFFFF0000, v7;
	v2 =	vadd.f32 v3, v2  }
0x240: {  	v3 =	vadd.f32 v7, v5;
	v5 =	vshll.u32 v0, $0x10  }
0x241: {  	v6 =	vand.u32 $0xFFFF0000, v6;
	v2 =	vadd.f32 v5, v2  }
0x242: {  	v3 =	vadd.f32 v6, v3  }
0x243: {  	v5 =	vand.u32 $0xFFFF0000, v8;
	v2 =	vadd.f32 v11, v2  }
0x244: {  	v3 =	vadd.f32 v5, v3  }
0x245: {  	v5 =	vand.u32 $0xFFFF0000, v10;
	v2 =	vsub.f32 $0.0e+00, v2  }
0x246: {  	v3 =	vadd.f32 v5, v3  }
0x247: {  	v4 =	vand.u32 $0xFFFF0000, v4;
	v2 =	vmul.f32 $1.442695020e+00, v2  }
0x248: {  	v3 =	vadd.f32 v4, v3  }
0x249: {  	v4 =	vand.u32 $0xFFFF0000, v9;
	(erf) = vpow2.f32 v2  }
0x24a: {  	v2 =	vadd.f32 v4, v3  }
0x24b: {  	v1 =	vand.u32 $0xFFFF0000, v1;
	v3 =	vld [tilespmem:$0x1F410]  }
0x24c: {  	v1 =	vadd.f32 v1, v2  }
0x24d: {  	v0 =	vand.u32 $0xFFFF0000, v0  }
0x24e: {  	v0 =	vadd.f32 v0, v1;
	_ =	sdelay $0x1  }
0x24f: {  	v0 =	vadd.f32 v3, v0;
	_ =	sdelay $0x1  }
0x250: {  	v0 =	vsub.f32 $0.0e+00, v0;
	v1 =	vpop (erf)  }
0x251: {  	v1 =	vadd.f32 $1.000000000e+00, v1  }
0x252: {  	v0 =	vmul.f32 $1.442695020e+00, v0  }
0x253: {  	(erf) = vrcp.f32 v1  }
0x254: {  	(erf) = vpow2.f32 v0;
	_ =	sdelay $0x7  }
0x255: {  	v0 =	vpop (erf)  }
0x256: {  	v1 =	vpop (erf)  }
0x257: {  	v1 =	vadd.f32 $1.000000000e+00, v1;
	_ =	sdelay $0x1  }
0x258: {  	(erf) = vrcp.f32 v1;
	_ =	sdelay $0x8  }
0x259: {  	[tilespmem:$0x1F470] =	vst v0;
	v0 =	vpop (erf)  }
0x25a: {  	s17 =	simm.s32 $0x19260;
	[tilespmem:$0x1F4F0] =	vst v0  }
0x25b: {  	v1 =	vld [tilespmem:s17+$0x180]  }
0x25c: {  	v4 =	vld [tilespmem:s17+$0x100]  }
0x25d: {  	v5 =	vld [tilespmem:s17+$0x80]  }
0x25e: {  	v6 =	vld [tilespmem:s17+$0xFFFFFF80]  }
0x25f: {  	v7 =	vld [tilespmem:s17+$0xFFFFFE80]  }
0x260: {  	v8 =	vld [tilespmem:s17+$0xFFFFFE00]  }
0x261: {  	v9 =	vld [tilespmem:s17+$0xFFFFFF00]  }
0x262: {  	v3 =	vimm.f32 $0.0e+00;
	v0 =	vand.u32 $0xFFFFF000, v1;
	v12 =	vshrl.u32 v1, $0x6  }
0x263: {  	v15 =	vshll.u32 v1, $0x6;
	v1 =	vand.u32 $0xFFFFF000, v4;
	v2 =	vshrl.u32 v4, $0x6  }
0x264: {  	v4 =	vshll.u32 v4, $0x6;
	v13 =	vand.u32 $0xFFFFF000, v5;
	v14 =	vshrl.u32 v5, $0x6  }
0x265: {  	v10 =	vand.u32 $0xFFFFF000, v6;
	v11 =	vshll.u32 v8, $0x6;
	v16 =	vand.u32 $0xFFFFF000, v7  }
0x266: {  	v17 =	vand.u32 $0xFFFFF000, v9;
	v18 =	vand.u32 $0xFFFFF000, v8;
	v8 =	vshrl.u32 v8, $0x6  }
0x267: {  	v19 =	vld [tilespmem:s17+$0x0];
	v59 =	vshll.u32 v7, $0x6;
	v7 =	vshrl.u32 v7, $0x6;
	v60 =	vshll.u32 v9, $0x6  }
0x268: {  	v9 =	vshrl.u32 v9, $0x6;
	v61 =	vshll.u32 v6, $0x6;
	v11 =	vand.u32 $0xFC0, v11  }
0x269: {  	v8 =	vand.u32 $0x3F, v8;
	v11 =	vor.u32 v18, v11;
	v18 =	vand.u32 $0xFC0, v59  }
0x26a: {  	v7 =	vand.u32 $0x3F, v7;
	v16 =	vor.u32 v16, v18;
	v8 =	vor.u32 v8, v11  }
0x26b: {  	v6 =	vshrl.u32 v6, $0x6;
	v11 =	vor.u32 v7, v16;
	v7 =	vand.u32 $0xFC0, v60  }
0x26c: {  	v62 =	vshll.u32 v19, $0x6;
	v9 =	vand.u32 $0x3F, v9;
	v7 =	vor.u32 v17, v7  }
0x26d: {  	v63 =	vshrl.u32 v19, $0x6;
	v16 =	vand.u32 $0xFC0, v61;
	v17 =	vor.u32 v9, v7  }
0x26e: {  	v5 =	vshll.u32 v5, $0x6;
	v6 =	vand.u32 $0x3F, v6;
	v7 =	vor.u32 v10, v16  }
0x26f: {  	v9 =	vand.u32 $0xFFFFF000, v19;
	v10 =	vor.u32 v6, v7;
	v6 =	vand.u32 $0xFC0, v62;
	v7 =	vld.idx.msk [tilespmem:v8+s3+$0x0], $0xffff  }
0x270: {  	v5 =	vand.u32 $0xFC0, v5;
	v8 =	vor.u32 v9, v6;
	v9 =	vand.u32 $0x3F, v63  }
0x271: {  	v14 =	vand.u32 $0x3F, v14;
	v13 =	vor.u32 v13, v5;
	v6 =	vld.idx.msk [tilespmem:v11+s3+$0x0], $0xffff;
	v11 =	vor.u32 v9, v8  }
0x272: {  	s18 =	simm.s32 $0x19660;
	s17 =	simm.s32 $0x0;
	v5 =	vimm.f32 $0.0e+00;
	v9 =	vand.u32 $0x3F, v12;
	v12 =	vand.u32 $0xFC0, v15;
	v8 =	vld.idx.msk [tilespmem:v17+s3+$0x0], $0xffff  }
.LBB2_14:
0x273: {  	v15 =	vld [tilespmem:s18+$0x180];
	v13 =	vor.u32 v14, v13;
	v4 =	vand.u32 $0xFC0, v4;
	v2 =	vand.u32 $0x3F, v2  }
0x274: {  	v14 =	vshll.u32 v7, $0x10;
	v7 =	vand.u32 $0xFFFF0000, v7;
	v10 =	vld.idx.msk [tilespmem:v10+s3+$0x0], $0xffff;
	v1 =	vor.u32 v1, v4  }
0x275: {  	v3 =	vadd.f32 v14, v3;
	v5 =	vadd.f32 v7, v5;
	v4 =	vld [tilespmem:s18+$0x100];
	v1 =	vor.u32 v2, v1  }
0x276: {  	v0 =	vor.u32 v0, v12;
	v2 =	vshll.u32 v6, $0x10;
	v6 =	vand.u32 $0xFFFF0000, v6;
	v7 =	vld.idx.msk [tilespmem:v11+s3+$0x0], $0xffff  }
0x277: {  	v2 =	vadd.f32 v2, v3;
	v3 =	vadd.f32 v6, v5;
	v5 =	vor.u32 v9, v0;
	v11 =	vld [tilespmem:s18+$0x80]  }
0x278: {  	v0 =	vshll.u32 v8, $0x10;
	v6 =	vand.u32 $0xFFFF0000, v8;
	v8 =	vld.idx.msk [tilespmem:v13+s3+$0x0], $0xffff  }
0x279: {  	v2 =	vadd.f32 v0, v2;
	v3 =	vadd.f32 v6, v3;
	v9 =	vld [tilespmem:s18+$0x0]  }
0x27a: {  	v0 =	vand.u32 $0xFFFFF000, v15;
	v6 =	vshll.u32 v10, $0x10;
	v10 =	vand.u32 $0xFFFF0000, v10;
	v12 =	vld.idx.msk [tilespmem:v1+s3+$0x0], $0xffff  }
0x27b: {  	v14 =	vshrl.u32 v15, $0x6;
	v2 =	vadd.f32 v6, v2;
	v3 =	vadd.f32 v10, v3;
	v13 =	vld [tilespmem:s18+$0xFFFFFF80]  }
0x27c: {  	v15 =	vshll.u32 v15, $0x6;
	v6 =	vshll.u32 v7, $0x10;
	v7 =	vand.u32 $0xFFFF0000, v7;
	v5 =	vld.idx.msk [tilespmem:v5+s3+$0x0], $0xffff  }
0x27d: {  	v1 =	vand.u32 $0xFFFFF000, v4;
	v6 =	vadd.f32 v6, v2;
	v3 =	vadd.f32 v7, v3;
	v10 =	vld [tilespmem:s18+$0xFFFFFF00]  }
0x27e: {  	v2 =	vshrl.u32 v4, $0x6;
	v16 =	vshll.u32 v8, $0x10;
	v8 =	vand.u32 $0xFFFF0000, v8;
	v7 =	vld [tilespmem:s18+$0xFFFFFE80]  }
0x27f: {  	s17 =	sadd.s32 $0x8, s17;
	v4 =	vshll.u32 v4, $0x6;
	v6 =	vadd.f32 v16, v6;
	v3 =	vadd.f32 v8, v3;
	v17 =	vld [tilespmem:s18+$0xFFFFFE00]  }
0x280: {  	p0 =	slt.u32 s17, $0xC0;
	v16 =	vand.u32 $0xFFFFF000, v11;
	v8 =	vshll.u32 v12, $0x10;
	v12 =	vand.u32 $0xFFFF0000, v12  }
0x281: {  	v18 =	vshrl.u32 v11, $0x6;
	v6 =	vadd.f32 v8, v6;
	v8 =	vadd.f32 v12, v3  }
0x282: {  	v12 =	vand.u32 $0xFFFFF000, v9;
	v3 =	vshll.u32 v5, $0x10;
	v5 =	vand.u32 $0xFFFF0000, v5  }
0x283: {  	v19 =	vand.u32 $0xFFFFF000, v13;
	v3 =	vadd.f32 v3, v6;
	v5 =	vadd.f32 v5, v8  }
0x284: {  	v20 =	vand.u32 $0xFFFFF000, v10;
	v8 =	vand.u32 $0xFFFFF000, v7;
	v6 =	vshll.u32 v17, $0x6  }
0x285: {  	v21 =	vand.u32 $0xFFFFF000, v17;
	v17 =	vshrl.u32 v17, $0x6;
	v6 =	vand.u32 $0xFC0, v6  }
0x286: {  	v17 =	vand.u32 $0x3F, v17;
	v6 =	vor.u32 v21, v6;
	v21 =	vshll.u32 v7, $0x6  }
0x287: {  	v7 =	vshrl.u32 v7, $0x6;
	v6 =	vor.u32 v17, v6;
	v17 =	vand.u32 $0xFC0, v21  }
0x288: {  	v7 =	vand.u32 $0x3F, v7;
	v8 =	vor.u32 v8, v17;
	v17 =	vshll.u32 v10, $0x6  }
0x289: {  	v10 =	vshrl.u32 v10, $0x6;
	v8 =	vor.u32 v7, v8;
	v7 =	vand.u32 $0xFC0, v17  }
0x28a: {  	v10 =	vand.u32 $0x3F, v10;
	v17 =	vshll.u32 v13, $0x6;
	v7 =	vor.u32 v20, v7  }
0x28b: {  	v13 =	vshrl.u32 v13, $0x6;
	v20 =	vor.u32 v10, v7;
	v10 =	vand.u32 $0xFC0, v17  }
.Ltmp6:
0x28c: {  	v7 =	vld.idx.msk [tilespmem:v6+s3+$0x0], $0xffff;
	v6 =	vor.u32 v19, v10;
	v10 =	vand.u32 $0x3F, v13;
	v13 =	vshll.u32 v9, $0x6;
	(pc) =	sbr.rel @p0 .LBB2_14-.Ltmp6, $4  }
0x28d: {  	v9 =	vshrl.u32 v9, $0x6;
	v10 =	vor.u32 v10, v6;
	v13 =	vand.u32 $0xFC0, v13  }
0x28e: {  	v9 =	vand.u32 $0x3F, v9;
	v6 =	vld.idx.msk [tilespmem:v8+s3+$0x0], $0xffff;
	v8 =	vor.u32 v12, v13;
	v12 =	vshll.u32 v11, $0x6  }
0x28f: {  	v11 =	vor.u32 v9, v8;
	v12 =	vand.u32 $0xFC0, v12;
	v9 =	vand.u32 $0x3F, v14  }
0x290: {  	s18 =	sadd.s32 $0x400, s18;
	v14 =	vand.u32 $0x3F, v18;
	v8 =	vld.idx.msk [tilespmem:v20+s3+$0x0], $0xffff;
	v13 =	vor.u32 v16, v12;
	v12 =	vand.u32 $0xFC0, v15  }
0x291: {  	_ =	sdelay $0x2  }
0x292: {  	v13 =	vor.u32 v14, v13;
	v4 =	vand.u32 $0xFC0, v4;
	v14 =	vshll.u32 v7, $0x10  }
0x293: {  	v2 =	vand.u32 $0x3F, v2;
	v10 =	vld.idx.msk [tilespmem:v10+s3+$0x0], $0xffff;
	v1 =	vor.u32 v1, v4;
	v3 =	vadd.f32 v14, v3  }
0x294: {  	v1 =	vor.u32 v2, v1;
	v2 =	vshll.u32 v6, $0x10  }
0x295: {  	v0 =	vor.u32 v0, v12;
	v4 =	vld.idx.msk [tilespmem:v11+s3+$0x0], $0xffff;
	v2 =	vadd.f32 v2, v3  }
0x296: {  	v0 =	vor.u32 v9, v0;
	v3 =	vshll.u32 v8, $0x10  }
0x297: {  	v9 =	vld.idx.msk [tilespmem:v13+s3+$0x0], $0xffff;
	v2 =	vadd.f32 v3, v2  }
0x298: {  	v3 =	vshll.u32 v10, $0x10  }
0x299: {  	v1 =	vld.idx.msk [tilespmem:v1+s3+$0x0], $0xffff;
	v2 =	vadd.f32 v3, v2  }
0x29a: {  	v3 =	vshll.u32 v4, $0x10  }
0x29b: {  	v0 =	vld.idx.msk [tilespmem:v0+s3+$0x0], $0xffff;
	v2 =	vadd.f32 v3, v2  }
0x29c: {  	v3 =	vshll.u32 v9, $0x10  }
0x29d: {  	v2 =	vadd.f32 v3, v2  }
0x29e: {  	v11 =	vld [tilespmem:$0x1F400];
	v3 =	vshll.u32 v1, $0x10  }
0x29f: {  	v7 =	vand.u32 $0xFFFF0000, v7;
	v2 =	vadd.f32 v3, v2  }
0x2a0: {  	v3 =	vadd.f32 v7, v5;
	v5 =	vshll.u32 v0, $0x10  }
0x2a1: {  	v6 =	vand.u32 $0xFFFF0000, v6;
	v2 =	vadd.f32 v5, v2  }
0x2a2: {  	v3 =	vadd.f32 v6, v3  }
0x2a3: {  	v5 =	vand.u32 $0xFFFF0000, v8;
	v2 =	vadd.f32 v11, v2  }
0x2a4: {  	v3 =	vadd.f32 v5, v3  }
0x2a5: {  	v5 =	vand.u32 $0xFFFF0000, v10;
	v2 =	vsub.f32 $0.0e+00, v2  }
0x2a6: {  	v3 =	vadd.f32 v5, v3  }
0x2a7: {  	v4 =	vand.u32 $0xFFFF0000, v4;
	v2 =	vmul.f32 $1.442695020e+00, v2  }
0x2a8: {  	v3 =	vadd.f32 v4, v3  }
0x2a9: {  	v4 =	vand.u32 $0xFFFF0000, v9;
	(erf) = vpow2.f32 v2  }
0x2aa: {  	v2 =	vadd.f32 v4, v3  }
0x2ab: {  	v1 =	vand.u32 $0xFFFF0000, v1;
	v3 =	vld [tilespmem:$0x1F410]  }
0x2ac: {  	v1 =	vadd.f32 v1, v2  }
0x2ad: {  	v0 =	vand.u32 $0xFFFF0000, v0  }
0x2ae: {  	v0 =	vadd.f32 v0, v1;
	_ =	sdelay $0x1  }
0x2af: {  	v0 =	vadd.f32 v3, v0;
	_ =	sdelay $0x1  }
0x2b0: {  	v0 =	vsub.f32 $0.0e+00, v0;
	v1 =	vpop (erf)  }
0x2b1: {  	v1 =	vadd.f32 $1.000000000e+00, v1  }
0x2b2: {  	v0 =	vmul.f32 $1.442695020e+00, v0  }
0x2b3: {  	(erf) = vrcp.f32 v1  }
0x2b4: {  	(erf) = vpow2.f32 v0;
	_ =	sdelay $0x7  }
0x2b5: {  	v0 =	vpop (erf)  }
0x2b6: {  	v1 =	vpop (erf)  }
0x2b7: {  	v1 =	vadd.f32 $1.000000000e+00, v1;
	_ =	sdelay $0x1  }
0x2b8: {  	(erf) = vrcp.f32 v1;
	_ =	sdelay $0x8  }
0x2b9: {  	[tilespmem:$0x1F480] =	vst v0;
	v0 =	vpop (erf)  }
0x2ba: {  	s17 =	simm.s32 $0x19270;
	[tilespmem:$0x1F500] =	vst v0  }
0x2bb: {  	v1 =	vld [tilespmem:s17+$0x180]  }
0x2bc: {  	v4 =	vld [tilespmem:s17+$0x100]  }
0x2bd: {  	v5 =	vld [tilespmem:s17+$0x80]  }
0x2be: {  	v6 =	vld [tilespmem:s17+$0xFFFFFF80]  }
0x2bf: {  	v7 =	vld [tilespmem:s17+$0xFFFFFE80]  }
0x2c0: {  	v8 =	vld [tilespmem:s17+$0xFFFFFE00]  }
0x2c1: {  	v9 =	vld [tilespmem:s17+$0xFFFFFF00]  }
0x2c2: {  	v3 =	vimm.f32 $0.0e+00;
	v0 =	vand.u32 $0xFFFFF000, v1;
	v12 =	vshrl.u32 v1, $0x6  }
0x2c3: {  	v15 =	vshll.u32 v1, $0x6;
	v1 =	vand.u32 $0xFFFFF000, v4;
	v2 =	vshrl.u32 v4, $0x6  }
0x2c4: {  	v4 =	vshll.u32 v4, $0x6;
	v13 =	vand.u32 $0xFFFFF000, v5;
	v14 =	vshrl.u32 v5, $0x6  }
0x2c5: {  	v10 =	vand.u32 $0xFFFFF000, v6;
	v11 =	vshll.u32 v8, $0x6;
	v16 =	vand.u32 $0xFFFFF000, v7  }
0x2c6: {  	v17 =	vand.u32 $0xFFFFF000, v9;
	v18 =	vand.u32 $0xFFFFF000, v8;
	v8 =	vshrl.u32 v8, $0x6  }
0x2c7: {  	v19 =	vld [tilespmem:s17+$0x0];
	v59 =	vshll.u32 v7, $0x6;
	v7 =	vshrl.u32 v7, $0x6;
	v60 =	vshll.u32 v9, $0x6  }
0x2c8: {  	v9 =	vshrl.u32 v9, $0x6;
	v61 =	vshll.u32 v6, $0x6;
	v11 =	vand.u32 $0xFC0, v11  }
0x2c9: {  	v8 =	vand.u32 $0x3F, v8;
	v11 =	vor.u32 v18, v11;
	v18 =	vand.u32 $0xFC0, v59  }
0x2ca: {  	v7 =	vand.u32 $0x3F, v7;
	v16 =	vor.u32 v16, v18;
	v8 =	vor.u32 v8, v11  }
0x2cb: {  	v6 =	vshrl.u32 v6, $0x6;
	v11 =	vor.u32 v7, v16;
	v7 =	vand.u32 $0xFC0, v60  }
0x2cc: {  	v62 =	vshll.u32 v19, $0x6;
	v9 =	vand.u32 $0x3F, v9;
	v7 =	vor.u32 v17, v7  }
0x2cd: {  	v63 =	vshrl.u32 v19, $0x6;
	v16 =	vand.u32 $0xFC0, v61;
	v17 =	vor.u32 v9, v7  }
0x2ce: {  	v5 =	vshll.u32 v5, $0x6;
	v6 =	vand.u32 $0x3F, v6;
	v7 =	vor.u32 v10, v16  }
0x2cf: {  	v9 =	vand.u32 $0xFFFFF000, v19;
	v10 =	vor.u32 v6, v7;
	v6 =	vand.u32 $0xFC0, v62;
	v7 =	vld.idx.msk [tilespmem:v8+s3+$0x0], $0xffff  }
0x2d0: {  	v5 =	vand.u32 $0xFC0, v5;
	v8 =	vor.u32 v9, v6;
	v9 =	vand.u32 $0x3F, v63  }
0x2d1: {  	v14 =	vand.u32 $0x3F, v14;
	v13 =	vor.u32 v13, v5;
	v6 =	vld.idx.msk [tilespmem:v11+s3+$0x0], $0xffff;
	v11 =	vor.u32 v9, v8  }
0x2d2: {  	s18 =	simm.s32 $0x19670;
	s17 =	simm.s32 $0x0;
	v5 =	vimm.f32 $0.0e+00;
	v9 =	vand.u32 $0x3F, v12;
	v12 =	vand.u32 $0xFC0, v15;
	v8 =	vld.idx.msk [tilespmem:v17+s3+$0x0], $0xffff  }
.LBB2_16:
0x2d3: {  	v15 =	vld [tilespmem:s18+$0x180];
	v13 =	vor.u32 v14, v13;
	v4 =	vand.u32 $0xFC0, v4;
	v2 =	vand.u32 $0x3F, v2  }
0x2d4: {  	v14 =	vshll.u32 v7, $0x10;
	v7 =	vand.u32 $0xFFFF0000, v7;
	v10 =	vld.idx.msk [tilespmem:v10+s3+$0x0], $0xffff;
	v1 =	vor.u32 v1, v4  }
0x2d5: {  	v3 =	vadd.f32 v14, v3;
	v5 =	vadd.f32 v7, v5;
	v4 =	vld [tilespmem:s18+$0x100];
	v1 =	vor.u32 v2, v1  }
0x2d6: {  	v0 =	vor.u32 v0, v12;
	v2 =	vshll.u32 v6, $0x10;
	v6 =	vand.u32 $0xFFFF0000, v6;
	v7 =	vld.idx.msk [tilespmem:v11+s3+$0x0], $0xffff  }
0x2d7: {  	v2 =	vadd.f32 v2, v3;
	v3 =	vadd.f32 v6, v5;
	v5 =	vor.u32 v9, v0;
	v11 =	vld [tilespmem:s18+$0x80]  }
0x2d8: {  	v0 =	vshll.u32 v8, $0x10;
	v6 =	vand.u32 $0xFFFF0000, v8;
	v8 =	vld.idx.msk [tilespmem:v13+s3+$0x0], $0xffff  }
0x2d9: {  	v2 =	vadd.f32 v0, v2;
	v3 =	vadd.f32 v6, v3;
	v9 =	vld [tilespmem:s18+$0x0]  }
0x2da: {  	v0 =	vand.u32 $0xFFFFF000, v15;
	v6 =	vshll.u32 v10, $0x10;
	v10 =	vand.u32 $0xFFFF0000, v10;
	v12 =	vld.idx.msk [tilespmem:v1+s3+$0x0], $0xffff  }
0x2db: {  	v14 =	vshrl.u32 v15, $0x6;
	v2 =	vadd.f32 v6, v2;
	v3 =	vadd.f32 v10, v3;
	v13 =	vld [tilespmem:s18+$0xFFFFFF80]  }
0x2dc: {  	v15 =	vshll.u32 v15, $0x6;
	v6 =	vshll.u32 v7, $0x10;
	v7 =	vand.u32 $0xFFFF0000, v7;
	v5 =	vld.idx.msk [tilespmem:v5+s3+$0x0], $0xffff  }
0x2dd: {  	v1 =	vand.u32 $0xFFFFF000, v4;
	v6 =	vadd.f32 v6, v2;
	v3 =	vadd.f32 v7, v3;
	v10 =	vld [tilespmem:s18+$0xFFFFFF00]  }
0x2de: {  	v2 =	vshrl.u32 v4, $0x6;
	v16 =	vshll.u32 v8, $0x10;
	v8 =	vand.u32 $0xFFFF0000, v8;
	v7 =	vld [tilespmem:s18+$0xFFFFFE80]  }
0x2df: {  	s17 =	sadd.s32 $0x8, s17;
	v4 =	vshll.u32 v4, $0x6;
	v6 =	vadd.f32 v16, v6;
	v3 =	vadd.f32 v8, v3;
	v17 =	vld [tilespmem:s18+$0xFFFFFE00]  }
0x2e0: {  	p0 =	slt.u32 s17, $0xC0;
	v16 =	vand.u32 $0xFFFFF000, v11;
	v8 =	vshll.u32 v12, $0x10;
	v12 =	vand.u32 $0xFFFF0000, v12  }
0x2e1: {  	v18 =	vshrl.u32 v11, $0x6;
	v6 =	vadd.f32 v8, v6;
	v8 =	vadd.f32 v12, v3  }
0x2e2: {  	v12 =	vand.u32 $0xFFFFF000, v9;
	v3 =	vshll.u32 v5, $0x10;
	v5 =	vand.u32 $0xFFFF0000, v5  }
0x2e3: {  	v19 =	vand.u32 $0xFFFFF000, v13;
	v3 =	vadd.f32 v3, v6;
	v5 =	vadd.f32 v5, v8  }
0x2e4: {  	v20 =	vand.u32 $0xFFFFF000, v10;
	v8 =	vand.u32 $0xFFFFF000, v7;
	v6 =	vshll.u32 v17, $0x6  }
0x2e5: {  	v21 =	vand.u32 $0xFFFFF000, v17;
	v17 =	vshrl.u32 v17, $0x6;
	v6 =	vand.u32 $0xFC0, v6  }
0x2e6: {  	v17 =	vand.u32 $0x3F, v17;
	v6 =	vor.u32 v21, v6;
	v21 =	vshll.u32 v7, $0x6  }
0x2e7: {  	v7 =	vshrl.u32 v7, $0x6;
	v6 =	vor.u32 v17, v6;
	v17 =	vand.u32 $0xFC0, v21  }
0x2e8: {  	v7 =	vand.u32 $0x3F, v7;
	v8 =	vor.u32 v8, v17;
	v17 =	vshll.u32 v10, $0x6  }
0x2e9: {  	v10 =	vshrl.u32 v10, $0x6;
	v8 =	vor.u32 v7, v8;
	v7 =	vand.u32 $0xFC0, v17  }
0x2ea: {  	v10 =	vand.u32 $0x3F, v10;
	v17 =	vshll.u32 v13, $0x6;
	v7 =	vor.u32 v20, v7  }
0x2eb: {  	v13 =	vshrl.u32 v13, $0x6;
	v20 =	vor.u32 v10, v7;
	v10 =	vand.u32 $0xFC0, v17  }
.Ltmp7:
0x2ec: {  	v7 =	vld.idx.msk [tilespmem:v6+s3+$0x0], $0xffff;
	v6 =	vor.u32 v19, v10;
	v10 =	vand.u32 $0x3F, v13;
	v13 =	vshll.u32 v9, $0x6;
	(pc) =	sbr.rel @p0 .LBB2_16-.Ltmp7, $4  }
0x2ed: {  	v9 =	vshrl.u32 v9, $0x6;
	v10 =	vor.u32 v10, v6;
	v13 =	vand.u32 $0xFC0, v13  }
0x2ee: {  	v9 =	vand.u32 $0x3F, v9;
	v6 =	vld.idx.msk [tilespmem:v8+s3+$0x0], $0xffff;
	v8 =	vor.u32 v12, v13;
	v12 =	vshll.u32 v11, $0x6  }
0x2ef: {  	v11 =	vor.u32 v9, v8;
	v12 =	vand.u32 $0xFC0, v12;
	v9 =	vand.u32 $0x3F, v14  }
0x2f0: {  	s18 =	sadd.s32 $0x400, s18;
	v14 =	vand.u32 $0x3F, v18;
	v8 =	vld.idx.msk [tilespmem:v20+s3+$0x0], $0xffff;
	v13 =	vor.u32 v16, v12;
	v12 =	vand.u32 $0xFC0, v15  }
0x2f1: {  	_ =	sdelay $0x2  }
0x2f2: {  	v13 =	vor.u32 v14, v13;
	v4 =	vand.u32 $0xFC0, v4;
	v41 =	vshll.u32 v7, $0x10  }
0x2f3: {  	v2 =	vand.u32 $0x3F, v2;
	v10 =	vld.idx.msk [tilespmem:v10+s3+$0x0], $0xffff;
	v1 =	vor.u32 v1, v4;
	v3 =	vadd.f32 v41, v3  }
0x2f4: {  	v1 =	vor.u32 v2, v1;
	v42 =	vshll.u32 v6, $0x10  }
0x2f5: {  	v43 =	vld.idx.msk [tilespmem:v11+s3+$0x0], $0xffff;
	v0 =	vor.u32 v0, v12;
	v2 =	vadd.f32 v42, v3  }
0x2f6: {  	v0 =	vor.u32 v9, v0;
	v44 =	vshll.u32 v8, $0x10  }
0x2f7: {  	v45 =	vld.idx.msk [tilespmem:v13+s3+$0x0], $0xffff;
	v2 =	vadd.f32 v44, v2  }
0x2f8: {  	v46 =	vshll.u32 v10, $0x10  }
0x2f9: {  	v1 =	vld.idx.msk [tilespmem:v1+s3+$0x0], $0xffff;
	v2 =	vadd.f32 v46, v2  }
0x2fa: {  	v47 =	vshll.u32 v43, $0x10  }
0x2fb: {  	v0 =	vld.idx.msk [tilespmem:v0+s3+$0x0], $0xffff;
	v2 =	vadd.f32 v47, v2  }
0x2fc: {  	v48 =	vshll.u32 v45, $0x10  }
0x2fd: {  	v2 =	vadd.f32 v48, v2  }
0x2fe: {  	v50 =	vld [tilespmem:$0x1F400];
	v49 =	vshll.u32 v1, $0x10  }
0x2ff: {  	v51 =	vand.u32 $0xFFFF0000, v7;
	v2 =	vadd.f32 v49, v2  }
0x300: {  	v52 =	vadd.f32 v51, v5;
	v53 =	vshll.u32 v0, $0x10  }
0x301: {  	v54 =	vand.u32 $0xFFFF0000, v6;
	v2 =	vadd.f32 v53, v2  }
0x302: {  	v3 =	vadd.f32 v54, v52  }
0x303: {  	v55 =	vand.u32 $0xFFFF0000, v8;
	v2 =	vadd.f32 v50, v2  }
0x304: {  	v3 =	vadd.f32 v55, v3  }
0x305: {  	v56 =	vand.u32 $0xFFFF0000, v10;
	v2 =	vsub.f32 $0.0e+00, v2  }
0x306: {  	v3 =	vadd.f32 v56, v3  }
0x307: {  	v4 =	vand.u32 $0xFFFF0000, v43;
	v2 =	vmul.f32 $1.442695020e+00, v2  }
0x308: {  	v3 =	vadd.f32 v4, v3  }
0x309: {  	v57 =	vand.u32 $0xFFFF0000, v45;
	(erf) = vpow2.f32 v2  }
0x30a: {  	v58 =	vadd.f32 v57, v3  }
0x30b: {  	v59 =	vld [tilespmem:$0x1F410];
	v1 =	vand.u32 $0xFFFF0000, v1  }
0x30c: {  	v1 =	vadd.f32 v1, v58  }
0x30d: {  	v0 =	vand.u32 $0xFFFF0000, v0  }
0x30e: {  	v0 =	vadd.f32 v0, v1;
	_ =	sdelay $0x1  }
0x30f: {  	v0 =	vadd.f32 v59, v0;
	_ =	sdelay $0x1  }
0x310: {  	v0 =	vsub.f32 $0.0e+00, v0;
	v60 =	vpop (erf)  }
0x311: {  	v1 =	vadd.f32 $1.000000000e+00, v60  }
0x312: {  	v0 =	vmul.f32 $1.442695020e+00, v0  }
0x313: {  	(erf) = vrcp.f32 v1  }
0x314: {  	(erf) = vpow2.f32 v0;
	_ =	sdelay $0x7  }
0x315: {  	v61 =	vpop (erf)  }
0x316: {  	v62 =	vpop (erf)  }
0x317: {  	v1 =	vadd.f32 $1.000000000e+00, v62;
	_ =	sdelay $0x1  }
0x318: {  	(erf) = vrcp.f32 v1;
	_ =	sdelay $0x7  }
0x319: {  	s16 =	sadd.s32 $0x1, s16  }
0x31a: {  	p0 =	sne.s32 s16, s7;
	[tilespmem:$0x1F490] =	vst v61;
	v63 =	vpop (erf)  }
.Ltmp8:
0x31b: {  	[tilespmem:$0x1F510] =	vst v63;
	(pc) =	sbr.rel @p0 .LBB2_1-.Ltmp8, $4  }
0x31c: {  	[hbm4b:s6+s3] =	stream.linear.scatter [tilespmem:s15], [sflag:$0x3], $0x100, $0x38;
	[tilespmem:$0x1F520] =	vst v63  }
0x31d: {  	_ =	swait.ge [sflag:s12], $0x100  }
0x31e: {  	[sflag:s12] =	ssyncset.done $0x0  }
0x31f: {  	[sflag:s12] =	ssyncadd.s32 $0xFFFFFF00  }
0x320: {  	_ =	sfence.sel $0x180000  }
0x321: {  	[bflag:$0x0] =	sbarrier.arrive $0xFFFF  }
0x322: {  	p0 =	sne.s32 s2, $0x0;
	_ =	strace $0x90000047  }
0x323: {  	s0 =	sadd.s32 @!p0 $0x100000, s0;
	[bflag:$0x2] =	sbarrier.arrive $0xFFFF  }
0x324: {  	[sflag:s0] =	ssyncadd.tile.s32 @!p0 $0x1;
	_ =	shalt  }
.Lfunc_end2:
_tile_overlayer_lowered:
.L_overlay_start_2:
0x325: {  	(tag) =	ssettag $0x2  }
0x326: {  	s0 =	rddreg [dreg:$0x0];
	s2 =	stileid.u32  }
0x327: {  	s1 =	rddreg [dreg:$0x1];
	p0 =	sne.s32 s2, $0x0  }
0x328: {  	s3 =	rddreg [dreg:$0x2];
	[bflag:$0x3] =	sbarrier.arrive $0xFFFF;
	s2 =	simm.s32 @!p0 $0x1C03  }
0x329: {  	[timem:s3], [sflag:s2] =	dma.local @!p0 [hbm:s0], s1  }
0x32a: {  	s0 =	simm.s32 @!p0 $0x3  }
0x32b: {  	_ =	swait.ge @!p0 [sflag:s0], s1  }
0x32c: {  	s1 =	ssub.s32 @!p0 $0x0, s1;
	[sflag:s0] =	ssyncset.done @!p0 $0x0  }
0x32d: {  	[sflag:s0] =	ssyncadd.s32 @!p0 s1  }
0x32e: {  	[bflag:$0x3] =	sbarrier.arrive $0xFFFF  }
0x32f: {  	_ =	shalt  }

</sc_bundles>
